<compile_context>
chip_gen: v7x
topology: tpu7x:2x2x1
jax: 0.10.2.dev20260603
libtpu: 0.0.44.dev20260713+nightly
codegen_flags: <defaults>
</compile_context>

<pallas_src>
import functools
import math

import jax
import jax.numpy as jnp
from jax.experimental import pallas as pl
from jax.experimental.pallas import tpu as pltpu
from jax.experimental.pallas import tpu_sc as plsc

DIM = 384
NUM_HEADS = 12
HD = DIM // NUM_HEADS
KER = 7
NUM_EXPERTS = 8
HID = 768
B, H, W = 2, 32, 32
T = B * H * W
GROUP = 4
NG = H // GROUP
SLAB = GROUP + KER - 1
QBLK = GROUP * W
KVBLK = SLAB * W
SCALE = HD ** -0.5
BF = jnp.bfloat16

SLOTS = 2 * T
BLK = 256
NBLK = 23
NBLK_PAD = 24
NBUF = NBLK * BLK
NW = 32
CHUNK = SLOTS // NW


def _gelu(v):
    return 0.5 * v * (1.0 + jax.lax.erf(v / math.sqrt(2.0)))


def _dotf32(a, b, trans_b=False):
    dn = (((1,), (1,)), ((), ())) if trans_b else (((1,), (0,)), ((), ()))
    return jax.lax.dot_general(a, b, dn, preferred_element_type=jnp.float32)



def _k1_body(x_ref, g_ref, b_ref, wqkv_ref, bqkv_ref, o_ref):
    x = x_ref[...]
    m = jnp.mean(x, axis=-1, keepdims=True)
    v = jnp.mean((x - m) ** 2, axis=-1, keepdims=True)
    h = (x - m) * jax.lax.rsqrt(v + 1e-5) * g_ref[...] + b_ref[...]
    acc = _dotf32(h.astype(BF), wqkv_ref[...]) + bqkv_ref[...]
    o_ref[...] = acc.astype(BF)


def _k1(xf, ln1_g, ln1_b, W_qkv_bf, b_qkv):
    blk = 512
    return pl.pallas_call(
        _k1_body,
        grid=(T // blk,),
        in_specs=[
            pl.BlockSpec((blk, DIM), lambda i: (i, 0)),
            pl.BlockSpec((DIM,), lambda i: (0,)),
            pl.BlockSpec((DIM,), lambda i: (0,)),
            pl.BlockSpec((DIM, 3 * DIM), lambda i: (0, 0)),
            pl.BlockSpec((3 * DIM,), lambda i: (0,)),
        ],
        out_specs=pl.BlockSpec((blk, 3 * DIM), lambda i: (i, 0)),
        out_shape=jax.ShapeDtypeStruct((T, 3 * DIM), BF),
    )(xf, ln1_g, ln1_b, W_qkv_bf, b_qkv)



def _k2_body(bias_ref, q_ref, kv_ref, o_ref):
    g = pl.program_id(1)
    start = jnp.clip(GROUP * g - (KER // 2), 0, H - SLAB) * W
    w_q = jax.lax.broadcasted_iota(jnp.int32, (QBLK, KVBLK), 0) & (W - 1)
    w_k = jax.lax.broadcasted_iota(jnp.int32, (QBLK, KVBLK), 1) & (W - 1)
    kj = w_k - jnp.clip(w_q - KER // 2, 0, W - KER)
    maskw = jnp.where((kj >= 0) & (kj < KER), 0.0, -1e9)
    for n in range(NUM_HEADS):
        q = q_ref[0, :, n * HD:(n + 1) * HD]
        ks = kv_ref[0, pl.ds(start, KVBLK), DIM + n * HD:DIM + (n + 1) * HD]
        vs = kv_ref[0, pl.ds(start, KVBLK), 2 * DIM + n * HD:2 * DIM + (n + 1) * HD]
        bias_n = jnp.concatenate(
            [bias_ref[0, :, j, :, n].reshape(QBLK, W) for j in range(SLAB)], axis=1)
        s = _dotf32(q, ks, trans_b=True) * SCALE + bias_n + maskw
        p = jnp.exp(s)
        acc = _dotf32(p.astype(BF), vs)
        o_ref[0, :, n * HD:(n + 1) * HD] = acc / jnp.sum(p, axis=-1, keepdims=True)


def _k2(bias, qkv3):
    return pl.pallas_call(
        _k2_body,
        grid=(B, NG),
        in_specs=[
            pl.BlockSpec((1, GROUP, SLAB, W, NUM_HEADS, W),
                         lambda b, g: (g, 0, 0, 0, 0, 0)),
            pl.BlockSpec((1, QBLK, 3 * DIM), lambda b, g: (b, g, 0)),
            pl.BlockSpec((1, H * W, 3 * DIM), lambda b, g: (b, 0, 0)),
        ],
        out_specs=pl.BlockSpec((1, QBLK, DIM), lambda b, g: (b, g, 0)),
        out_shape=jax.ShapeDtypeStruct((B, H * W, DIM), jnp.float32),
    )(bias, qkv3, qkv3)


def _bias_tables():
    import numpy as np
    NR = 2 * KER - 1
    starts = np.clip(np.arange(H) - KER // 2, 0, H - KER)
    S = np.clip(GROUP * np.arange(NG) - KER // 2, 0, H - SLAB)
    R = GROUP * np.arange(NG)[:, None] + np.arange(GROUP)[None, :]
    j = np.arange(SLAB)
    ki = S[:, None, None] + j[None, None, :] - starts[R][:, :, None]
    valid_h = (ki >= 0) & (ki < KER)
    rel_h = S[:, None, None] + j[None, None, :] - R[:, :, None] + (KER - 1)
    oh_h = np.eye(NR, dtype=np.float32)[np.clip(rel_h, 0, NR - 1)] * valid_h[..., None]
    maskh = np.where(valid_h, 0.0, -1e9).astype(np.float32)
    w2 = np.arange(W)
    kj = w2[None, :] - starts[:, None]
    valid_w = (kj >= 0) & (kj < KER)
    rel_w = w2[None, :] - np.arange(W)[:, None] + (KER - 1)
    oh_w = np.eye(NR, dtype=np.float32)[np.clip(rel_w, 0, NR - 1)] * valid_w[..., None]
    return oh_h, oh_w, maskh


_OH_H, _OH_W, _MASKH = _bias_tables()


def _make_bias(rpb):
    t = jnp.einsum('grja,nab->grjnb', jnp.asarray(_OH_H), rpb)
    t = t + jnp.asarray(_MASKH)[:, :, :, None, None]
    bias = jnp.einsum('grjnb,wvb->grjwnv', t, jnp.asarray(_OH_W))
    return bias



def _k3_body(attn_ref, x_ref, wp_ref, bp_ref, g2_ref, b2_ref, wr_ref, br_ref,
             ws1_ref, bs1_ref, ws2_ref, bs2_ref,
             y_ref, base_ref, dest_ref, w_ref, bexp_ref):
    x2 = x_ref[...] + _dotf32(attn_ref[...].astype(BF), wp_ref[...]) + bp_ref[...]
    m = jnp.mean(x2, axis=-1, keepdims=True)
    v = jnp.mean((x2 - m) ** 2, axis=-1, keepdims=True)
    y = (x2 - m) * jax.lax.rsqrt(v + 1e-5) * g2_ref[...] + b2_ref[...]
    y_ref[...] = y
    yb = y.astype(BF)
    logits = _dotf32(y, wr_ref[...]) + br_ref[...]
    mx = jnp.max(logits, axis=-1, keepdims=True)
    eg = jnp.exp(logits - mx)
    gates = eg / jnp.sum(eg, axis=-1, keepdims=True)
    iota = jax.lax.broadcasted_iota(jnp.int32, gates.shape, 1)
    v1 = jnp.max(gates, axis=-1, keepdims=True)
    i1 = jnp.min(jnp.where(gates == v1, iota, NUM_EXPERTS), axis=-1, keepdims=True)
    m1 = iota == i1
    g2nd = jnp.where(m1, -1.0, gates)
    v2 = jnp.max(g2nd, axis=-1, keepdims=True)
    i2 = jnp.min(jnp.where(g2nd == v2, iota, NUM_EXPERTS), axis=-1, keepdims=True)
    m2 = iota == i2
    denom = v1 + v2
    comb = (jnp.where(m1, v1, 0.0) + jnp.where(m2, v2, 0.0)) / denom
    _route(comb, dest_ref, w_ref, bexp_ref)
    hsh = _gelu(_dotf32(yb, ws1_ref[...]) + bs1_ref[...])
    shared = _dotf32(hsh.astype(BF), ws2_ref[...]) + bs2_ref[...]
    base_ref[...] = x2 + shared


def _k3(attn, xf, Wp_bf, b_proj, ln2_g, ln2_b, W_r, b_r, Ws1_bf, b_s1, Ws2_bf, b_s2):
    full = lambda *shape: pl.BlockSpec(shape, lambda: tuple(0 for _ in shape))
    return pl.pallas_call(
        _k3_body,
        grid=(),
        in_specs=[
            full(T, DIM), full(T, DIM), full(DIM, DIM), full(DIM),
            full(DIM), full(DIM), full(DIM, NUM_EXPERTS), full(NUM_EXPERTS),
            full(DIM, HID), full(HID), full(HID, DIM), full(DIM),
        ],
        out_specs=[full(T, DIM), full(T, DIM), full(8, T), full(8, T),
                   full(NBLK_PAD, 1)],
        out_shape=[
            jax.ShapeDtypeStruct((T, DIM), jnp.float32),
            jax.ShapeDtypeStruct((T, DIM), jnp.float32),
            jax.ShapeDtypeStruct((8, T), jnp.int32),
            jax.ShapeDtypeStruct((8, T), jnp.float32),
            jax.ShapeDtypeStruct((NBLK_PAD, 1), jnp.int32),
        ],
    )(attn, xf, Wp_bf, b_proj, ln2_g, ln2_b, W_r, b_r, Ws1_bf, b_s1, Ws2_bf, b_s2)



def _cumsum_lanes(x, n):
    d = 1
    while d < n:
        shifted = jnp.concatenate([jnp.zeros((x.shape[0], d), x.dtype), x[:, :n - d]],
                                  axis=1)
        x = x + shifted
        d *= 2
    return x


def _route(comb, dest_ref, w_ref, bexp_ref):
    c = jnp.transpose(comb, (1, 0))
    m = c > 0.0
    iot = jax.lax.broadcasted_iota(jnp.int32, (NUM_EXPERTS, T), 0)
    e_sm = jnp.min(jnp.where(m, iot, NUM_EXPERTS), axis=0, keepdims=True)
    e_bg = jnp.max(jnp.where(m, iot, -1), axis=0, keepdims=True)
    oh1 = (iot == e_sm).astype(jnp.float32)
    oh2 = (iot == e_bg).astype(jnp.float32)
    w1 = jnp.sum(c * oh1, axis=0, keepdims=True)
    w2 = jnp.sum(c * oh2, axis=0, keepdims=True)
    cs1 = _cumsum_lanes(oh1, T)
    cs2 = _cumsum_lanes(oh2, T)
    tot1 = cs1[:, T - 1:T]
    tot2 = cs2[:, T - 1:T]
    counts = tot1 + tot2
    nblk = jnp.floor((counts + (BLK - 1)) / BLK)
    le = (jax.lax.broadcasted_iota(jnp.int32, (NUM_EXPERTS, NUM_EXPERTS), 1)
          <= jax.lax.broadcasted_iota(jnp.int32, (NUM_EXPERTS, NUM_EXPERTS), 0))
    c_incl = _dotf32(le.astype(jnp.float32), nblk)
    offs = BLK * (c_incl - nblk)
    dest1 = jnp.sum((offs - 1.0) * oh1 + cs1 * oh1, axis=0, keepdims=True)
    dest2 = jnp.sum((offs + tot1 - 1.0) * oh2 + cs2 * oh2, axis=0, keepdims=True)
    zero6 = jnp.zeros((6, T), jnp.float32)
    dest_ref[...] = jnp.concatenate([dest1, dest2, zero6], axis=0).astype(jnp.int32)
    w_ref[...] = jnp.concatenate([w1, w2, zero6], axis=0)
    jot = jax.lax.broadcasted_iota(jnp.int32, (NBLK_PAD, NUM_EXPERTS), 0).astype(jnp.float32)
    cT = jnp.transpose(c_incl, (1, 0))
    bexp = jnp.sum((jot >= cT).astype(jnp.float32), axis=1, keepdims=True)
    bexp_ref[...] = jnp.clip(bexp, 0.0, NUM_EXPERTS - 1.0).astype(jnp.int32)





def _sc_dispatch(y32, dest32):
    mesh = plsc.VectorSubcoreMesh(core_axis_name="c", subcore_axis_name="s")

    @functools.partial(
        pl.kernel,
        out_type=jax.ShapeDtypeStruct((NBUF, DIM), jnp.float32),
        mesh=mesh,
        scratch_types=[
            pltpu.VMEM((CHUNK,), jnp.int32),
            pltpu.VMEM((CHUNK, DIM), jnp.float32),
            pltpu.SemaphoreType.DMA,
        ],
    )
    def disp(y_hbm, d_hbm, ybuf_hbm, idx_v, rows_v, sem):
        wid = jax.lax.axis_index("s") * 2 + jax.lax.axis_index("c")
        base = wid * CHUNK
        tok = jax.lax.rem(base, T)
        pltpu.sync_copy(d_hbm.at[wid], idx_v)
        pltpu.sync_copy(y_hbm.at[pl.ds(tok, CHUNK)], rows_v)
        pltpu.async_copy(rows_v, ybuf_hbm.at[idx_v], sem).wait()

    return disp(y32, dest32)


def _sc_combine(obuf, dest32):
    mesh = plsc.VectorSubcoreMesh(core_axis_name="c", subcore_axis_name="s")

    @functools.partial(
        pl.kernel,
        out_type=jax.ShapeDtypeStruct((SLOTS, DIM), jnp.float32),
        mesh=mesh,
        scratch_types=[
            pltpu.VMEM((CHUNK,), jnp.int32),
            pltpu.VMEM((CHUNK, DIM), jnp.float32),
            pltpu.SemaphoreType.DMA,
        ],
    )
    def comb_k(o_hbm, d_hbm, out_hbm, idx_v, rows_v, sem):
        wid = jax.lax.axis_index("s") * 2 + jax.lax.axis_index("c")
        base = wid * CHUNK
        pltpu.sync_copy(d_hbm.at[wid], idx_v)
        pltpu.async_copy(o_hbm.at[idx_v], rows_v, sem).wait()
        pltpu.sync_copy(rows_v, out_hbm.at[pl.ds(base, CHUNK)])

    return comb_k(obuf, dest32)



def _k6_body(bexp_ref, y_ref, w1_ref, b1_ref, w2_ref, b2_ref, o_ref):
    h = _gelu(_dotf32(y_ref[...].astype(BF), w1_ref[0]) + b1_ref[0])
    o_ref[...] = _dotf32(h.astype(BF), w2_ref[0]) + b2_ref[0]


def _k6(bexp, ybuf, We1_bf, b_e1r, We2_bf, b_e2r):
    grid_spec = pltpu.PrefetchScalarGridSpec(
        num_scalar_prefetch=1,
        grid=(NBLK,),
        in_specs=[
            pl.BlockSpec((BLK, DIM), lambda j, be: (j, 0)),
            pl.BlockSpec((1, DIM, HID), lambda j, be: (be[j], 0, 0)),
            pl.BlockSpec((1, 1, HID), lambda j, be: (be[j], 0, 0)),
            pl.BlockSpec((1, HID, DIM), lambda j, be: (be[j], 0, 0)),
            pl.BlockSpec((1, 1, DIM), lambda j, be: (be[j], 0, 0)),
        ],
        out_specs=pl.BlockSpec((BLK, DIM), lambda j, be: (j, 0)),
    )
    return pl.pallas_call(
        _k6_body,
        grid_spec=grid_spec,
        out_shape=jax.ShapeDtypeStruct((NBUF, DIM), jnp.float32),
    )(bexp, ybuf, We1_bf, b_e1r, We2_bf, b_e2r)



def _k5_body(base_ref, ot_ref, ob_ref, w_ref, o_ref):
    wp = jnp.transpose(w_ref[0:2, :], (1, 0))
    o_ref[...] = (base_ref[...] + wp[:, 0:1] * ot_ref[...]
                  + wp[:, 1:2] * ob_ref[...])


def _k5(base, out_slot, w8):
    blk = 512
    nb = T // blk
    return pl.pallas_call(
        _k5_body,
        grid=(nb,),
        in_specs=[
            pl.BlockSpec((blk, DIM), lambda i: (i, 0)),
            pl.BlockSpec((blk, DIM), lambda i: (i, 0)),
            pl.BlockSpec((blk, DIM), lambda i, _nb=nb: (i + _nb, 0)),
            pl.BlockSpec((8, blk), lambda i: (0, i)),
        ],
        out_specs=pl.BlockSpec((blk, DIM), lambda i: (i, 0)),
        out_shape=jax.ShapeDtypeStruct((T, DIM), jnp.float32),
    )(base, out_slot, out_slot, w8)


def kernel(x, ln1_g, ln1_b, ln2_g, ln2_b, W_qkv, b_qkv, rpb, W_proj, b_proj,
           W_r, b_r, W_e1, b_e1, W_e2, b_e2, W_s1, b_s1, W_s2, b_s2):
    xf = x.reshape(T, DIM)
    qkv = _k1(xf, ln1_g, ln1_b, W_qkv.astype(BF), b_qkv)
    qkv3 = qkv.reshape(B, H * W, 3 * DIM)
    bias = _make_bias(rpb)
    attn = _k2(bias, qkv3).reshape(T, DIM)
    y32, base, dest8, w8, bexp = _k3(
        attn, xf, W_proj.astype(BF), b_proj, ln2_g, ln2_b,
        W_r, b_r, W_s1.astype(BF), b_s1, W_s2.astype(BF), b_s2)
    dest32 = dest8[:2].reshape(NW, CHUNK)
    ybuf = _sc_dispatch(y32, dest32)
    obuf = _k6(bexp.reshape(NBLK_PAD), ybuf, W_e1.astype(BF),
               b_e1.reshape(NUM_EXPERTS, 1, HID), W_e2.astype(BF),
               b_e2.reshape(NUM_EXPERTS, 1, DIM))
    out_slot = _sc_combine(obuf, dest32)
    out = _k5(base, out_slot, w8)
    return out.reshape(B, H, W, DIM)

# --- scband reference (transcript-rebuilt; emitter-appended) ---
"""Pipeline reference for scband-nsablock-24773371363672 (READ-ONLY COPY).

The authoritative reference and input builder live on the scoring server;
editing this copy changes nothing except your own understanding.
"""

import jax, jax.numpy as jnp
import numpy as np

DIM = 384
NUM_HEADS = 12
KERNEL = 7
MLP_RATIO = 4.0
NUM_EXPERTS = 8
HID_RATIO = 2
TOP_K = 2
B, H, W = 2, 32, 32
HID = int(DIM * MLP_RATIO) // HID_RATIO  # 768


def _randn(key, i, shape, scale=0.02):
    return jax.random.normal(jax.random.fold_in(key, i), shape, dtype=jnp.float32) * scale


def setup_inputs(seed: int = 0) -> dict:
    key = jax.random.key(seed)
    inp = {}
    inp["x"] = jax.random.normal(jax.random.fold_in(key, 0), (B, H, W, DIM), dtype=jnp.float32)
    # norm1 / norm2 (LayerNorm)
    inp["ln1_g"] = jnp.ones((DIM,), dtype=jnp.float32)
    inp["ln1_b"] = jnp.zeros((DIM,), dtype=jnp.float32)
    inp["ln2_g"] = jnp.ones((DIM,), dtype=jnp.float32)
    inp["ln2_b"] = jnp.zeros((DIM,), dtype=jnp.float32)
    # NeighborhoodAttention params
    inp["W_qkv"] = _randn(key, 1, (DIM, 3 * DIM))
    inp["b_qkv"] = jnp.zeros((3 * DIM,), dtype=jnp.float32)
    inp["rpb"] = _randn(key, 2, (NUM_HEADS, 2 * KERNEL - 1, 2 * KERNEL - 1))
    inp["W_proj"] = _randn(key, 3, (DIM, DIM))
    inp["b_proj"] = jnp.zeros((DIM,), dtype=jnp.float32)
    # MoE router
    inp["W_r"] = _randn(key, 4, (DIM, NUM_EXPERTS))
    inp["b_r"] = jnp.zeros((NUM_EXPERTS,), dtype=jnp.float32)
    # routed experts (Mlp with hidden = dim*mlp_ratio/hid_ratio)
    inp["W_e1"] = _randn(key, 5, (NUM_EXPERTS, DIM, HID))
    inp["b_e1"] = jnp.zeros((NUM_EXPERTS, HID), dtype=jnp.float32)
    inp["W_e2"] = _randn(key, 6, (NUM_EXPERTS, HID, DIM))
    inp["b_e2"] = jnp.zeros((NUM_EXPERTS, DIM), dtype=jnp.float32)
    # shared expert (n_shared_experts=1)
    inp["W_s1"] = _randn(key, 7, (DIM, HID))
    inp["b_s1"] = jnp.zeros((HID,), dtype=jnp.float32)
    inp["W_s2"] = _randn(key, 8, (HID, DIM))
    inp["b_s2"] = jnp.zeros((DIM,), dtype=jnp.float32)
    return inp


def _layernorm(x, g, b, eps=1e-5):
    m = jnp.mean(x, axis=-1, keepdims=True)
    v = jnp.var(x, axis=-1, keepdims=True)
    return (x - m) / jnp.sqrt(v + eps) * g + b


def _neighborhood_attention(x, W_qkv, b_qkv, rpb, W_proj, b_proj):
    Bb, Hh, Ww, C = x.shape
    hd = C // NUM_HEADS
    scale = hd ** -0.5
    qkv = x @ W_qkv + b_qkv
    qkv = qkv.reshape(Bb, Hh, Ww, 3, NUM_HEADS, hd)
    q = jnp.transpose(qkv[..., 0, :, :], (0, 3, 1, 2, 4)) * scale  # (B,nh,H,W,hd)
    k = jnp.transpose(qkv[..., 1, :, :], (0, 3, 1, 2, 4))
    v = jnp.transpose(qkv[..., 2, :, :], (0, 3, 1, 2, 4))
    # NATTEN-style clamped windows: always kernel^2 neighbors
    starts_h = np.clip(np.arange(Hh) - KERNEL // 2, 0, Hh - KERNEL)
    starts_w = np.clip(np.arange(Ww) - KERNEL // 2, 0, Ww - KERNEL)
    row_idx = starts_h[:, None] + np.arange(KERNEL)[None, :]  # (H,k)
    col_idx = starts_w[:, None] + np.arange(KERNEL)[None, :]  # (W,k)
    k_g = k[:, :, row_idx]                # (B,nh,H,k,W,hd)
    k_g = k_g[:, :, :, :, col_idx]        # (B,nh,H,k,W,k,hd)
    k_g = jnp.transpose(k_g, (0, 1, 2, 4, 3, 5, 6)).reshape(Bb, NUM_HEADS, Hh, Ww, KERNEL * KERNEL, hd)
    v_g = v[:, :, row_idx]
    v_g = v_g[:, :, :, :, col_idx]
    v_g = jnp.transpose(v_g, (0, 1, 2, 4, 3, 5, 6)).reshape(Bb, NUM_HEADS, Hh, Ww, KERNEL * KERNEL, hd)
    attn = jnp.einsum('bnhwd,bnhwkd->bnhwk', q, k_g)
    # relative positional bias
    rel_h = row_idx - np.arange(Hh)[:, None] + KERNEL - 1  # (H,k) in [0, 2k-2]
    rel_w = col_idx - np.arange(Ww)[:, None] + KERNEL - 1  # (W,k)
    bias = rpb[:, rel_h[:, :, None, None], rel_w[None, None, :, :]]  # (nh,H,k,W,k)
    bias = jnp.transpose(bias, (0, 1, 3, 2, 4)).reshape(NUM_HEADS, Hh, Ww, KERNEL * KERNEL)
    attn = attn + bias[None]
    attn = jax.nn.softmax(attn, axis=-1)
    out = jnp.einsum('bnhwk,bnhwkd->bnhwd', attn, v_g)
    out = jnp.transpose(out, (0, 2, 3, 1, 4)).reshape(Bb, Hh, Ww, C)
    return out @ W_proj + b_proj


def _sparse_moe(y, W_r, b_r, W_e1, b_e1, W_e2, b_e2, W_s1, b_s1, W_s2, b_s2):
    # Top-2 softmax routing, renormalized gates, plus one shared expert.
    logits = y @ W_r + b_r                      # (B,T,E)
    gates = jax.nn.softmax(logits, axis=-1)
    topv, topi = jax.lax.top_k(gates, TOP_K)    # (B,T,k)
    topv = topv / jnp.sum(topv, axis=-1, keepdims=True)
    onehot = jax.nn.one_hot(topi, NUM_EXPERTS, dtype=y.dtype)  # (B,T,k,E)
    combine = jnp.einsum('btk,btke->bte', topv, onehot)        # (B,T,E)
    h = jnp.einsum('btc,ech->bteh', y, W_e1) + b_e1
    h = jax.nn.gelu(h, approximate=False)
    eo = jnp.einsum('bteh,ehc->btec', h, W_e2) + b_e2
    moe_out = jnp.einsum('bte,btec->btc', combine, eo)
    shared = jax.nn.gelu(y @ W_s1 + b_s1, approximate=False) @ W_s2 + b_s2
    return moe_out + shared


def reference(x, ln1_g, ln1_b, ln2_g, ln2_b, W_qkv, b_qkv, rpb, W_proj, b_proj,
              W_r, b_r, W_e1, b_e1, W_e2, b_e2, W_s1, b_s1, W_s2, b_s2):
    shortcut = x
    h = _layernorm(x, ln1_g, ln1_b)
    h = _neighborhood_attention(h, W_qkv, b_qkv, rpb, W_proj, b_proj)
    x = shortcut + h  # drop_path = Identity
    Bb, Hh, Ww, C = x.shape
    x_flat = x.reshape(Bb, Hh * Ww, C)
    y = _layernorm(x_flat, ln2_g, ln2_b)
    x_flat = x_flat + _sparse_moe(y, W_r, b_r, W_e1, b_e1, W_e2, b_e2, W_s1, b_s1, W_s2, b_s2)
    return x_flat.reshape(Bb, Hh, Ww, C)

if __name__ == "__main__":
    import jax
    _d = setup_inputs()
    print(jax.jit(kernel)(*tuple(_d.values())))

</pallas_src>

<mosaic_0001>
#map = affine_map<(d0, d1) -> (0, 0)>
module attributes {stable_mosaic.version = 14 : i64} {
  func.func @disp(%arg0: i32, %arg1: i32, %arg2: memref<2048x384xf32, #tpu.memory_space<hbm>>, %arg3: memref<32x128xi32, #tpu.memory_space<hbm>>, %arg4: memref<5888x384xf32, #tpu.memory_space<hbm>>, %arg5: memref<128xi32, #tpu.memory_space<vmem>>, %arg6: memref<128x384xf32, #tpu.memory_space<vmem>>, %arg7: memref<!tpu.dma_semaphore, #tpu.memory_space<semaphore_mem>>) attributes {dimension_semantics = [#tpu.dimension_semantics<core_parallel>, #tpu.dimension_semantics<subcore_parallel>], iteration_bounds = array<i64: 2, 16>, scalar_prefetch = 0 : i64, scratch_operands = 3 : i64, tpu.core_type = #tpu.core_type<sc_vector_subcore>, window_params = [{transform_indices = #map}, {transform_indices = #map}, {transform_indices = #map}]} {
    %mul3A = arith.constant 2 : i32
    %mul3A_0 = arith.muli %arg1, %mul3A : i32
    %add3A = arith.addi %mul3A_0, %arg0 : i32
    %mul3A_1 = arith.constant 128 : i32
    %mul3A_2 = arith.muli %add3A, %mul3A_1 : i32
    %rem3A = arith.constant 2048 : i32
    %rem3A_3 = arith.remsi %mul3A_2, %rem3A : i32
    "tpu.region"() ({
      %run_scoped3A = tpu.sem_alloc : memref<!tpu.dma_semaphore, #tpu.memory_space<semaphore_mem>>
      %dma_start3A_8 = arith.constant 0 : i32
      %dma_start3A_9 = tpu.memref_slice %arg3[%add3A, %dma_start3A_8] : memref<32x128xi32, #tpu.memory_space<hbm>> -> memref<1x128xi32, #tpu.memory_space<hbm>>
      %dma_start3A_10 = tpu.memref_squeeze %dma_start3A_9 : memref<1x128xi32, #tpu.memory_space<hbm>> -> memref<128xi32, #tpu.memory_space<hbm>>
      %dma_start3A_11 = arith.constant 0 : i32
      %dma_start3A_12 = tpu.memref_slice %arg3[%add3A, %dma_start3A_11] : memref<32x128xi32, #tpu.memory_space<hbm>> -> memref<1x128xi32, #tpu.memory_space<hbm>>
      %dma_start3A_13 = tpu.memref_squeeze %dma_start3A_12 : memref<1x128xi32, #tpu.memory_space<hbm>> -> memref<128xi32, #tpu.memory_space<hbm>>
      tpu.enqueue_dma source(%dma_start3A_13 : memref<128xi32, #tpu.memory_space<hbm>>) target(%arg5 : memref<128xi32, #tpu.memory_space<vmem>>) target_semaphore(%run_scoped3A : memref<!tpu.dma_semaphore, #tpu.memory_space<semaphore_mem>>)
      %dma_wait3A_14 = arith.constant 0 : i32
      %dma_wait3A_15 = tpu.memref_slice %arg3[%add3A, %dma_wait3A_14] : memref<32x128xi32, #tpu.memory_space<hbm>> -> memref<1x128xi32, #tpu.memory_space<hbm>>
      %dma_wait3A_16 = tpu.memref_squeeze %dma_wait3A_15 : memref<1x128xi32, #tpu.memory_space<hbm>> -> memref<128xi32, #tpu.memory_space<hbm>>
      %dma_wait3A_17 = arith.constant 0 : i32
      %dma_wait3A_18 = tpu.memref_slice %arg3[%add3A, %dma_wait3A_17] : memref<32x128xi32, #tpu.memory_space<hbm>> -> memref<1x128xi32, #tpu.memory_space<hbm>>
      %dma_wait3A_19 = tpu.memref_squeeze %dma_wait3A_18 : memref<1x128xi32, #tpu.memory_space<hbm>> -> memref<128xi32, #tpu.memory_space<hbm>>
      tpu.wait_dma2 semaphore(%run_scoped3A : memref<!tpu.dma_semaphore, #tpu.memory_space<semaphore_mem>>) src(%dma_wait3A_19 : memref<128xi32, #tpu.memory_space<hbm>>) dst(%arg5 : memref<128xi32, #tpu.memory_space<vmem>>)
      tpu.yield
    }) : () -> ()
    "tpu.region"() ({
      %run_scoped3A = tpu.sem_alloc : memref<!tpu.dma_semaphore, #tpu.memory_space<semaphore_mem>>
      %dma_start3A_8 = arith.constant 0 : i32
      %dma_start3A_9 = tpu.memref_slice %arg2[%rem3A_3, %dma_start3A_8] : memref<2048x384xf32, #tpu.memory_space<hbm>> -> memref<128x384xf32, #tpu.memory_space<hbm>>
      %dma_start3A_10 = arith.constant 0 : i32
      %dma_start3A_11 = tpu.memref_slice %arg2[%rem3A_3, %dma_start3A_10] : memref<2048x384xf32, #tpu.memory_space<hbm>> -> memref<128x384xf32, #tpu.memory_space<hbm>>
      tpu.enqueue_dma source(%dma_start3A_11 : memref<128x384xf32, #tpu.memory_space<hbm>>) target(%arg6 : memref<128x384xf32, #tpu.memory_space<vmem>>) target_semaphore(%run_scoped3A : memref<!tpu.dma_semaphore, #tpu.memory_space<semaphore_mem>>)
      %dma_wait3A_12 = arith.constant 0 : i32
      %dma_wait3A_13 = tpu.memref_slice %arg2[%rem3A_3, %dma_wait3A_12] : memref<2048x384xf32, #tpu.memory_space<hbm>> -> memref<128x384xf32, #tpu.memory_space<hbm>>
      %dma_wait3A_14 = arith.constant 0 : i32
      %dma_wait3A_15 = tpu.memref_slice %arg2[%rem3A_3, %dma_wait3A_14] : memref<2048x384xf32, #tpu.memory_space<hbm>> -> memref<128x384xf32, #tpu.memory_space<hbm>>
      tpu.wait_dma2 semaphore(%run_scoped3A : memref<!tpu.dma_semaphore, #tpu.memory_space<semaphore_mem>>) src(%dma_wait3A_15 : memref<128x384xf32, #tpu.memory_space<hbm>>) dst(%arg6 : memref<128x384xf32, #tpu.memory_space<vmem>>)
      tpu.yield
    }) : () -> ()
    %dma_start3A = arith.constant 0 : i32
    %dma_start3A_4 = arith.constant 0 : i32
    %dma_start3A_5 = tpu.memref_slice %arg4[%dma_start3A, %dma_start3A_4] : memref<5888x384xf32, #tpu.memory_space<hbm>> -> memref<5888x384xf32, #tpu.memory_space<hbm>>
    tpu.enqueue_indirect_dma source(%arg6 : memref<128x384xf32, #tpu.memory_space<vmem>>) target(%dma_start3A_5 : memref<5888x384xf32, #tpu.memory_space<hbm>>) offsets(%arg5 : memref<128xi32, #tpu.memory_space<vmem>>) semaphore(%arg7 : memref<!tpu.dma_semaphore, #tpu.memory_space<semaphore_mem>>)
    %dma_wait3A = arith.constant 0 : i32
    %dma_wait3A_6 = arith.constant 0 : i32
    %dma_wait3A_7 = tpu.memref_slice %arg4[%dma_wait3A, %dma_wait3A_6] : memref<5888x384xf32, #tpu.memory_space<hbm>> -> memref<5888x384xf32, #tpu.memory_space<hbm>>
    tpu.wait_indirect_dma semaphore(%arg7 : memref<!tpu.dma_semaphore, #tpu.memory_space<semaphore_mem>>) src(%arg6 : memref<128x384xf32, #tpu.memory_space<vmem>>) dst(%dma_wait3A_7 : memref<5888x384xf32, #tpu.memory_space<hbm>>)
    return
  }
}

#map = affine_map<(d0, d1) -> (0, 0)>
module attributes {stable_mosaic.version = 14 : i64} {
  func.func @comb_k(%arg0: i32, %arg1: i32, %arg2: memref<5888x384xf32, #tpu.memory_space<hbm>>, %arg3: memref<32x128xi32, #tpu.memory_space<hbm>>, %arg4: memref<4096x384xf32, #tpu.memory_space<hbm>>, %arg5: memref<128xi32, #tpu.memory_space<vmem>>, %arg6: memref<128x384xf32, #tpu.memory_space<vmem>>, %arg7: memref<!tpu.dma_semaphore, #tpu.memory_space<semaphore_mem>>) attributes {dimension_semantics = [#tpu.dimension_semantics<core_parallel>, #tpu.dimension_semantics<subcore_parallel>], iteration_bounds = array<i64: 2, 16>, scalar_prefetch = 0 : i64, scratch_operands = 3 : i64, tpu.core_type = #tpu.core_type<sc_vector_subcore>, window_params = [{transform_indices = #map}, {transform_indices = #map}, {transform_indices = #map}]} {
    %mul3A = arith.constant 2 : i32
    %mul3A_0 = arith.muli %arg1, %mul3A : i32
    %add3A = arith.addi %mul3A_0, %arg0 : i32
    %mul3A_1 = arith.constant 128 : i32
    %mul3A_2 = arith.muli %add3A, %mul3A_1 : i32
    "tpu.region"() ({
      %run_scoped3A = tpu.sem_alloc : memref<!tpu.dma_semaphore, #tpu.memory_space<semaphore_mem>>
      %dma_start3A_7 = arith.constant 0 : i32
      %dma_start3A_8 = tpu.memref_slice %arg3[%add3A, %dma_start3A_7] : memref<32x128xi32, #tpu.memory_space<hbm>> -> memref<1x128xi32, #tpu.memory_space<hbm>>
      %dma_start3A_9 = tpu.memref_squeeze %dma_start3A_8 : memref<1x128xi32, #tpu.memory_space<hbm>> -> memref<128xi32, #tpu.memory_space<hbm>>
      %dma_start3A_10 = arith.constant 0 : i32
      %dma_start3A_11 = tpu.memref_slice %arg3[%add3A, %dma_start3A_10] : memref<32x128xi32, #tpu.memory_space<hbm>> -> memref<1x128xi32, #tpu.memory_space<hbm>>
      %dma_start3A_12 = tpu.memref_squeeze %dma_start3A_11 : memref<1x128xi32, #tpu.memory_space<hbm>> -> memref<128xi32, #tpu.memory_space<hbm>>
      tpu.enqueue_dma source(%dma_start3A_12 : memref<128xi32, #tpu.memory_space<hbm>>) target(%arg5 : memref<128xi32, #tpu.memory_space<vmem>>) target_semaphore(%run_scoped3A : memref<!tpu.dma_semaphore, #tpu.memory_space<semaphore_mem>>)
      %dma_wait3A_13 = arith.constant 0 : i32
      %dma_wait3A_14 = tpu.memref_slice %arg3[%add3A, %dma_wait3A_13] : memref<32x128xi32, #tpu.memory_space<hbm>> -> memref<1x128xi32, #tpu.memory_space<hbm>>
      %dma_wait3A_15 = tpu.memref_squeeze %dma_wait3A_14 : memref<1x128xi32, #tpu.memory_space<hbm>> -> memref<128xi32, #tpu.memory_space<hbm>>
      %dma_wait3A_16 = arith.constant 0 : i32
      %dma_wait3A_17 = tpu.memref_slice %arg3[%add3A, %dma_wait3A_16] : memref<32x128xi32, #tpu.memory_space<hbm>> -> memref<1x128xi32, #tpu.memory_space<hbm>>
      %dma_wait3A_18 = tpu.memref_squeeze %dma_wait3A_17 : memref<1x128xi32, #tpu.memory_space<hbm>> -> memref<128xi32, #tpu.memory_space<hbm>>
      tpu.wait_dma2 semaphore(%run_scoped3A : memref<!tpu.dma_semaphore, #tpu.memory_space<semaphore_mem>>) src(%dma_wait3A_18 : memref<128xi32, #tpu.memory_space<hbm>>) dst(%arg5 : memref<128xi32, #tpu.memory_space<vmem>>)
      tpu.yield
    }) : () -> ()
    %dma_start3A = arith.constant 0 : i32
    %dma_start3A_3 = arith.constant 0 : i32
    %dma_start3A_4 = tpu.memref_slice %arg2[%dma_start3A, %dma_start3A_3] : memref<5888x384xf32, #tpu.memory_space<hbm>> -> memref<5888x384xf32, #tpu.memory_space<hbm>>
    tpu.enqueue_indirect_dma source(%dma_start3A_4 : memref<5888x384xf32, #tpu.memory_space<hbm>>) target(%arg6 : memref<128x384xf32, #tpu.memory_space<vmem>>) offsets(%arg5 : memref<128xi32, #tpu.memory_space<vmem>>) semaphore(%arg7 : memref<!tpu.dma_semaphore, #tpu.memory_space<semaphore_mem>>)
    %dma_wait3A = arith.constant 0 : i32
    %dma_wait3A_5 = arith.constant 0 : i32
    %dma_wait3A_6 = tpu.memref_slice %arg2[%dma_wait3A, %dma_wait3A_5] : memref<5888x384xf32, #tpu.memory_space<hbm>> -> memref<5888x384xf32, #tpu.memory_space<hbm>>
    tpu.wait_indirect_dma semaphore(%arg7 : memref<!tpu.dma_semaphore, #tpu.memory_space<semaphore_mem>>) src(%dma_wait3A_6 : memref<5888x384xf32, #tpu.memory_space<hbm>>) dst(%arg6 : memref<128x384xf32, #tpu.memory_space<vmem>>)
    "tpu.region"() ({
      %run_scoped3A = tpu.sem_alloc : memref<!tpu.dma_semaphore, #tpu.memory_space<semaphore_mem>>
      %dma_start3A_7 = arith.constant 0 : i32
      %dma_start3A_8 = tpu.memref_slice %arg4[%mul3A_2, %dma_start3A_7] : memref<4096x384xf32, #tpu.memory_space<hbm>> -> memref<128x384xf32, #tpu.memory_space<hbm>>
      %dma_start3A_9 = arith.constant 0 : i32
      %dma_start3A_10 = tpu.memref_slice %arg4[%mul3A_2, %dma_start3A_9] : memref<4096x384xf32, #tpu.memory_space<hbm>> -> memref<128x384xf32, #tpu.memory_space<hbm>>
      tpu.enqueue_dma source(%arg6 : memref<128x384xf32, #tpu.memory_space<vmem>>) target(%dma_start3A_10 : memref<128x384xf32, #tpu.memory_space<hbm>>) target_semaphore(%run_scoped3A : memref<!tpu.dma_semaphore, #tpu.memory_space<semaphore_mem>>)
      %dma_wait3A_11 = arith.constant 0 : i32
      %dma_wait3A_12 = tpu.memref_slice %arg4[%mul3A_2, %dma_wait3A_11] : memref<4096x384xf32, #tpu.memory_space<hbm>> -> memref<128x384xf32, #tpu.memory_space<hbm>>
      %dma_wait3A_13 = arith.constant 0 : i32
      %dma_wait3A_14 = tpu.memref_slice %arg4[%mul3A_2, %dma_wait3A_13] : memref<4096x384xf32, #tpu.memory_space<hbm>> -> memref<128x384xf32, #tpu.memory_space<hbm>>
      tpu.wait_dma2 semaphore(%run_scoped3A : memref<!tpu.dma_semaphore, #tpu.memory_space<semaphore_mem>>) src(%arg6 : memref<128x384xf32, #tpu.memory_space<vmem>>) dst(%dma_wait3A_14 : memref<128x384xf32, #tpu.memory_space<hbm>>)
      tpu.yield
    }) : () -> ()
    return
  }
}

module attributes {stable_mosaic.version = 14 : i64} {
  func.func @_k1_body(%arg0: i32, %arg1: memref<512x384xf32, #tpu.memory_space<vmem>>, %arg2: memref<384xf32, #tpu.memory_space<vmem>>, %arg3: memref<384xf32, #tpu.memory_space<vmem>>, %arg4: memref<384x1152xbf16, #tpu.memory_space<vmem>>, %arg5: memref<1152xf32, #tpu.memory_space<vmem>>, %arg6: memref<512x1152xbf16, #tpu.memory_space<vmem>>) attributes {dimension_semantics = [#tpu.dimension_semantics<arbitrary>], iteration_bounds = array<i64: 4>, scalar_prefetch = 0 : i64, scratch_operands = 0 : i64, tpu.core_type = #tpu.core_type<tc>, window_params = [{transform_indices = @transform_0, window_bounds = array<i64: 512, 384>}, {pipeline_mode = #tpu.pipeline_mode<synchronous>, transform_indices = @transform_1, window_bounds = array<i64: 384>}, {pipeline_mode = #tpu.pipeline_mode<synchronous>, transform_indices = @transform_2, window_bounds = array<i64: 384>}, {pipeline_mode = #tpu.pipeline_mode<synchronous>, transform_indices = @transform_3, window_bounds = array<i64: 384, 1152>}, {pipeline_mode = #tpu.pipeline_mode<synchronous>, transform_indices = @transform_4, window_bounds = array<i64: 1152>}, {transform_indices = @transform_5, window_bounds = array<i64: 512, 1152>}]} {
    %get3A = arith.constant 0 : index
    %get3A_0 = arith.constant 0 : index
    %get3A_1 = vector.load %arg1[%get3A, %get3A_0] : memref<512x384xf32, #tpu.memory_space<vmem>>, vector<512x384xf32>
    %reduce_sum3A = arith.constant dense<0.000000e+00> : vector<512xf32>
    %reduce_sum3A_2 = vector.multi_reduction <add>, %get3A_1, %reduce_sum3A [1] : vector<512x384xf32> to vector<512xf32>
    %broadcast_in_dim3A = vector.shape_cast %reduce_sum3A_2 : vector<512xf32> to vector<512x1xf32>
    %div3A = arith.constant 3.840000e+02 : f32
    %div3A_3 = vector.broadcast %div3A : f32 to vector<512x1xf32>
    %div3A_4 = arith.divf %broadcast_in_dim3A, %div3A_3 : vector<512x1xf32>
    %sub3A = vector.broadcast %div3A_4 : vector<512x1xf32> to vector<512x384xf32>
    %sub3A_5 = arith.subf %get3A_1, %sub3A : vector<512x384xf32>
    %integer_pow3A = arith.mulf %sub3A_5, %sub3A_5 : vector<512x384xf32>
    %reduce_sum3A_6 = arith.constant dense<0.000000e+00> : vector<512xf32>
    %reduce_sum3A_7 = vector.multi_reduction <add>, %integer_pow3A, %reduce_sum3A_6 [1] : vector<512x384xf32> to vector<512xf32>
    %broadcast_in_dim3A_8 = vector.shape_cast %reduce_sum3A_7 : vector<512xf32> to vector<512x1xf32>
    %div3A_9 = arith.constant 3.840000e+02 : f32
    %div3A_10 = vector.broadcast %div3A_9 : f32 to vector<512x1xf32>
    %div3A_11 = arith.divf %broadcast_in_dim3A_8, %div3A_10 : vector<512x1xf32>
    %sub3A_12 = vector.broadcast %div3A_4 : vector<512x1xf32> to vector<512x384xf32>
    %sub3A_13 = arith.subf %get3A_1, %sub3A_12 : vector<512x384xf32>
    %add3A = arith.constant 9.99999974E-6 : f32
    %add3A_14 = vector.broadcast %add3A : f32 to vector<512x1xf32>
    %add3A_15 = arith.addf %div3A_11, %add3A_14 : vector<512x1xf32>
    %rsqrt3A = math.rsqrt %add3A_15 : vector<512x1xf32>
    %mul3A = vector.broadcast %rsqrt3A : vector<512x1xf32> to vector<512x384xf32>
    %mul3A_16 = arith.mulf %sub3A_13, %mul3A : vector<512x384xf32>
    %get3A_17 = arith.constant 0 : index
    %get3A_18 = vector.load %arg2[%get3A_17] : memref<384xf32, #tpu.memory_space<vmem>>, vector<384xf32>
    %broadcast_in_dim3A_19 = vector.shape_cast %get3A_18 : vector<384xf32> to vector<1x384xf32>
    %mul3A_20 = vector.broadcast %broadcast_in_dim3A_19 : vector<1x384xf32> to vector<512x384xf32>
    %mul3A_21 = arith.mulf %mul3A_16, %mul3A_20 : vector<512x384xf32>
    %get3A_22 = arith.constant 0 : index
    %get3A_23 = vector.load %arg3[%get3A_22] : memref<384xf32, #tpu.memory_space<vmem>>, vector<384xf32>
    %broadcast_in_dim3A_24 = vector.shape_cast %get3A_23 : vector<384xf32> to vector<1x384xf32>
    %add3A_25 = vector.broadcast %broadcast_in_dim3A_24 : vector<1x384xf32> to vector<512x384xf32>
    %add3A_26 = arith.addf %mul3A_21, %add3A_25 : vector<512x384xf32>
    %convert_element_type3A = arith.truncf %add3A_26 : vector<512x384xf32> to vector<512x384xbf16>
    %get3A_27 = arith.constant 0 : index
    %get3A_28 = arith.constant 0 : index
    %get3A_29 = vector.load %arg4[%get3A_27, %get3A_28] : memref<384x1152xbf16, #tpu.memory_space<vmem>>, vector<384x1152xbf16>
    %dot_general3A = arith.constant dense<0.000000e+00> : vector<512x1152xf32>
    %dot_general3A_30 = tpu.matmul %convert_element_type3A, %get3A_29, %dot_general3A {dimension_numbers = #tpu.dot_dimension_numbers<[1], [0], [0], [1], [0, 0, 1, 1], [], []>, transpose_lhs_hint = false} : vector<512x384xbf16>, vector<384x1152xbf16>, vector<512x1152xf32> -> vector<512x1152xf32>
    %get3A_31 = arith.constant 0 : index
    %get3A_32 = vector.load %arg5[%get3A_31] : memref<1152xf32, #tpu.memory_space<vmem>>, vector<1152xf32>
    %broadcast_in_dim3A_33 = vector.shape_cast %get3A_32 : vector<1152xf32> to vector<1x1152xf32>
    %add3A_34 = vector.broadcast %broadcast_in_dim3A_33 : vector<1x1152xf32> to vector<512x1152xf32>
    %add3A_35 = arith.addf %dot_general3A_30, %add3A_34 : vector<512x1152xf32>
    %convert_element_type3A_36 = arith.truncf %add3A_35 : vector<512x1152xf32> to vector<512x1152xbf16>
    %swap3A = arith.constant 0 : index
    %swap3A_37 = arith.constant 0 : index
    %swap3A_38 = vector.load %arg6[%swap3A, %swap3A_37] : memref<512x1152xbf16, #tpu.memory_space<vmem>>, vector<512x1152xbf16>
    tpu.vector_store %arg6[%swap3A, %swap3A_37], %convert_element_type3A_36 {strides = array<i32>} : memref<512x1152xbf16, #tpu.memory_space<vmem>>, vector<512x1152xbf16>,
    return
  }
  func.func @transform_0(%arg0: i32) -> (i32, i32) {
    %c0_i32 = arith.constant 0 : i32
    %c0_i32_0 = arith.constant 0 : i32
    return %arg0, %c0_i32 : i32, i32
  }
  func.func @transform_1(%arg0: i32) -> i32 {
    %c0_i32 = arith.constant 0 : i32
    %c0_i32_0 = arith.constant 0 : i32
    return %c0_i32 : i32
  }
  func.func @transform_2(%arg0: i32) -> i32 {
    %c0_i32 = arith.constant 0 : i32
    %c0_i32_0 = arith.constant 0 : i32
    return %c0_i32 : i32
  }
  func.func @transform_3(%arg0: i32) -> (i32, i32) {
    %c0_i32 = arith.constant 0 : i32
    %c0_i32_0 = arith.constant 0 : i32
    %c0_i32_1 = arith.constant 0 : i32
    return %c0_i32, %c0_i32_0 : i32, i32
  }
  func.func @transform_4(%arg0: i32) -> i32 {
    %c0_i32 = arith.constant 0 : i32
    %c0_i32_0 = arith.constant 0 : i32
    return %c0_i32 : i32
  }
  func.func @transform_5(%arg0: i32) -> (i32, i32) {
    %c0_i32 = arith.constant 0 : i32
    %c0_i32_0 = arith.constant 0 : i32
    return %arg0, %c0_i32 : i32, i32
  }
}

module attributes {stable_mosaic.version = 14 : i64} {
  func.func @_k3_body(%arg0: memref<2048x384xf32, #tpu.memory_space<vmem>>, %arg1: memref<2048x384xf32, #tpu.memory_space<vmem>>, %arg2: memref<384x384xbf16, #tpu.memory_space<vmem>>, %arg3: memref<384xf32, #tpu.memory_space<vmem>>, %arg4: memref<384xf32, #tpu.memory_space<vmem>>, %arg5: memref<384xf32, #tpu.memory_space<vmem>>, %arg6: memref<384x8xf32, #tpu.memory_space<vmem>>, %arg7: memref<8xf32, #tpu.memory_space<vmem>>, %arg8: memref<384x768xbf16, #tpu.memory_space<vmem>>, %arg9: memref<768xf32, #tpu.memory_space<vmem>>, %arg10: memref<768x384xbf16, #tpu.memory_space<vmem>>, %arg11: memref<384xf32, #tpu.memory_space<vmem>>, %arg12: memref<2048x384xf32, #tpu.memory_space<vmem>>, %arg13: memref<2048x384xf32, #tpu.memory_space<vmem>>, %arg14: memref<8x2048xi32, #tpu.memory_space<vmem>>, %arg15: memref<8x2048xf32, #tpu.memory_space<vmem>>, %arg16: memref<24x1xi32, #tpu.memory_space<vmem>>) attributes {dimension_semantics = [], scalar_prefetch = 0 : i64, scratch_operands = 0 : i64, tpu.core_type = #tpu.core_type<tc>} {
    %get3A = arith.constant 0 : index
    %get3A_0 = arith.constant 0 : index
    %get3A_1 = vector.load %arg1[%get3A, %get3A_0] : memref<2048x384xf32, #tpu.memory_space<vmem>>, vector<2048x384xf32>
    %get3A_2 = arith.constant 0 : index
    %get3A_3 = arith.constant 0 : index
    %get3A_4 = vector.load %arg0[%get3A_2, %get3A_3] : memref<2048x384xf32, #tpu.memory_space<vmem>>, vector<2048x384xf32>
    %convert_element_type3A = arith.truncf %get3A_4 : vector<2048x384xf32> to vector<2048x384xbf16>
    %get3A_5 = arith.constant 0 : index
    %get3A_6 = arith.constant 0 : index
    %get3A_7 = vector.load %arg2[%get3A_5, %get3A_6] : memref<384x384xbf16, #tpu.memory_space<vmem>>, vector<384x384xbf16>
    %dot_general3A = arith.constant dense<0.000000e+00> : vector<2048x384xf32>
    %dot_general3A_8 = tpu.matmul %convert_element_type3A, %get3A_7, %dot_general3A {dimension_numbers = #tpu.dot_dimension_numbers<[1], [0], [0], [1], [0, 0, 1, 1], [], []>, transpose_lhs_hint = false} : vector<2048x384xbf16>, vector<384x384xbf16>, vector<2048x384xf32> -> vector<2048x384xf32>
    %add3A = arith.addf %get3A_1, %dot_general3A_8 : vector<2048x384xf32>
    %get3A_9 = arith.constant 0 : index
    %get3A_10 = vector.load %arg3[%get3A_9] : memref<384xf32, #tpu.memory_space<vmem>>, vector<384xf32>
    %broadcast_in_dim3A = vector.shape_cast %get3A_10 : vector<384xf32> to vector<1x384xf32>
    %add3A_11 = vector.broadcast %broadcast_in_dim3A : vector<1x384xf32> to vector<2048x384xf32>
    %add3A_12 = arith.addf %add3A, %add3A_11 : vector<2048x384xf32>
    %reduce_sum3A = arith.constant dense<0.000000e+00> : vector<2048xf32>
    %reduce_sum3A_13 = vector.multi_reduction <add>, %add3A_12, %reduce_sum3A [1] : vector<2048x384xf32> to vector<2048xf32>
    %broadcast_in_dim3A_14 = vector.shape_cast %reduce_sum3A_13 : vector<2048xf32> to vector<2048x1xf32>
    %div3A = arith.constant 3.840000e+02 : f32
    %div3A_15 = vector.broadcast %div3A : f32 to vector<2048x1xf32>
    %div3A_16 = arith.divf %broadcast_in_dim3A_14, %div3A_15 : vector<2048x1xf32>
    %sub3A = vector.broadcast %div3A_16 : vector<2048x1xf32> to vector<2048x384xf32>
    %sub3A_17 = arith.subf %add3A_12, %sub3A : vector<2048x384xf32>
    %integer_pow3A = arith.mulf %sub3A_17, %sub3A_17 : vector<2048x384xf32>
    %reduce_sum3A_18 = arith.constant dense<0.000000e+00> : vector<2048xf32>
    %reduce_sum3A_19 = vector.multi_reduction <add>, %integer_pow3A, %reduce_sum3A_18 [1] : vector<2048x384xf32> to vector<2048xf32>
    %broadcast_in_dim3A_20 = vector.shape_cast %reduce_sum3A_19 : vector<2048xf32> to vector<2048x1xf32>
    %div3A_21 = arith.constant 3.840000e+02 : f32
    %div3A_22 = vector.broadcast %div3A_21 : f32 to vector<2048x1xf32>
    %div3A_23 = arith.divf %broadcast_in_dim3A_20, %div3A_22 : vector<2048x1xf32>
    %sub3A_24 = vector.broadcast %div3A_16 : vector<2048x1xf32> to vector<2048x384xf32>
    %sub3A_25 = arith.subf %add3A_12, %sub3A_24 : vector<2048x384xf32>
    %add3A_26 = arith.constant 9.99999974E-6 : f32
    %add3A_27 = vector.broadcast %add3A_26 : f32 to vector<2048x1xf32>
    %add3A_28 = arith.addf %div3A_23, %add3A_27 : vector<2048x1xf32>
    %rsqrt3A = math.rsqrt %add3A_28 : vector<2048x1xf32>
    %mul3A = vector.broadcast %rsqrt3A : vector<2048x1xf32> to vector<2048x384xf32>
    %mul3A_29 = arith.mulf %sub3A_25, %mul3A : vector<2048x384xf32>
    %get3A_30 = arith.constant 0 : index
    %get3A_31 = vector.load %arg4[%get3A_30] : memref<384xf32, #tpu.memory_space<vmem>>, vector<384xf32>
    %broadcast_in_dim3A_32 = vector.shape_cast %get3A_31 : vector<384xf32> to vector<1x384xf32>
    %mul3A_33 = vector.broadcast %broadcast_in_dim3A_32 : vector<1x384xf32> to vector<2048x384xf32>
    %mul3A_34 = arith.mulf %mul3A_29, %mul3A_33 : vector<2048x384xf32>
    %get3A_35 = arith.constant 0 : index
    %get3A_36 = vector.load %arg5[%get3A_35] : memref<384xf32, #tpu.memory_space<vmem>>, vector<384xf32>
    %broadcast_in_dim3A_37 = vector.shape_cast %get3A_36 : vector<384xf32> to vector<1x384xf32>
    %add3A_38 = vector.broadcast %broadcast_in_dim3A_37 : vector<1x384xf32> to vector<2048x384xf32>
    %add3A_39 = arith.addf %mul3A_34, %add3A_38 : vector<2048x384xf32>
    %swap3A = arith.constant 0 : index
    %swap3A_40 = arith.constant 0 : index
    %swap3A_41 = vector.load %arg12[%swap3A, %swap3A_40] : memref<2048x384xf32, #tpu.memory_space<vmem>>, vector<2048x384xf32>
    tpu.vector_store %arg12[%swap3A, %swap3A_40], %add3A_39 {strides = array<i32>} : memref<2048x384xf32, #tpu.memory_space<vmem>>, vector<2048x384xf32>,
    %convert_element_type3A_42 = arith.truncf %add3A_39 : vector<2048x384xf32> to vector<2048x384xbf16>
    %get3A_43 = arith.constant 0 : index
    %get3A_44 = arith.constant 0 : index
    %get3A_45 = vector.load %arg6[%get3A_43, %get3A_44] : memref<384x8xf32, #tpu.memory_space<vmem>>, vector<384x8xf32>
    %dot_general3A_46 = arith.constant dense<0.000000e+00> : vector<2048x8xf32>
    %dot_general3A_47 = tpu.matmul %add3A_39, %get3A_45, %dot_general3A_46 {dimension_numbers = #tpu.dot_dimension_numbers<[1], [0], [0], [1], [0, 0, 1, 1], [], []>, transpose_lhs_hint = false} : vector<2048x384xf32>, vector<384x8xf32>, vector<2048x8xf32> -> vector<2048x8xf32>
    %get3A_48 = arith.constant 0 : index
    %get3A_49 = vector.load %arg7[%get3A_48] : memref<8xf32, #tpu.memory_space<vmem>>, vector<8xf32>
    %broadcast_in_dim3A_50 = vector.shape_cast %get3A_49 : vector<8xf32> to vector<1x8xf32>
    %add3A_51 = vector.broadcast %broadcast_in_dim3A_50 : vector<1x8xf32> to vector<2048x8xf32>
    %add3A_52 = arith.addf %dot_general3A_47, %add3A_51 : vector<2048x8xf32>
    %reduce_max3A = arith.constant dense<0xFF800000> : vector<2048xf32>
    %reduce_max3A_53 = vector.multi_reduction <maximumf>, %add3A_52, %reduce_max3A [1] : vector<2048x8xf32> to vector<2048xf32>
    %broadcast_in_dim3A_54 = vector.shape_cast %reduce_max3A_53 : vector<2048xf32> to vector<2048x1xf32>
    %sub3A_55 = vector.broadcast %broadcast_in_dim3A_54 : vector<2048x1xf32> to vector<2048x8xf32>
    %sub3A_56 = arith.subf %add3A_52, %sub3A_55 : vector<2048x8xf32>
    %exp3A = math.exp %sub3A_56 : vector<2048x8xf32>
    %reduce_sum3A_57 = arith.constant dense<0.000000e+00> : vector<2048xf32>
    %reduce_sum3A_58 = vector.multi_reduction <add>, %exp3A, %reduce_sum3A_57 [1] : vector<2048x8xf32> to vector<2048xf32>
    %broadcast_in_dim3A_59 = vector.shape_cast %reduce_sum3A_58 : vector<2048xf32> to vector<2048x1xf32>
    %div3A_60 = vector.broadcast %broadcast_in_dim3A_59 : vector<2048x1xf32> to vector<2048x8xf32>
    %div3A_61 = arith.divf %exp3A, %div3A_60 : vector<2048x8xf32>
    %iota3A = tpu.iota {dimensions = array<i32: 1>} : vector<2048x8xi32>
    %reduce_max3A_62 = arith.constant dense<0xFF800000> : vector<2048xf32>
    %reduce_max3A_63 = vector.multi_reduction <maximumf>, %div3A_61, %reduce_max3A_62 [1] : vector<2048x8xf32> to vector<2048xf32>
    %broadcast_in_dim3A_64 = vector.shape_cast %reduce_max3A_63 : vector<2048xf32> to vector<2048x1xf32>
    %eq3A = vector.broadcast %broadcast_in_dim3A_64 : vector<2048x1xf32> to vector<2048x8xf32>
    %eq3A_65 = arith.cmpf oeq, %div3A_61, %eq3A : vector<2048x8xf32>
    %jit3A = arith.constant 8 : i32
    %broadcast_in_dim3A_66 = vector.broadcast %jit3A : i32 to vector<2048x8xi32>
    %select_n3A = arith.select %eq3A_65, %iota3A, %broadcast_in_dim3A_66 : vector<2048x8xi1>, vector<2048x8xi32>
    %reduce_min3A = arith.constant dense<2147483647> : vector<2048xi32>
    %reduce_min3A_67 = vector.multi_reduction <minsi>, %select_n3A, %reduce_min3A [1] : vector<2048x8xi32> to vector<2048xi32>
    %broadcast_in_dim3A_68 = vector.shape_cast %reduce_min3A_67 : vector<2048xi32> to vector<2048x1xi32>
    %eq3A_69 = vector.broadcast %broadcast_in_dim3A_68 : vector<2048x1xi32> to vector<2048x8xi32>
    %eq3A_70 = arith.cmpi eq, %iota3A, %eq3A_69 : vector<2048x8xi32>
    %jit3A_71 = arith.constant -1.000000e+00 : f32
    %broadcast_in_dim3A_72 = vector.broadcast %jit3A_71 : f32 to vector<2048x8xf32>
    %select_n3A_73 = arith.select %eq3A_70, %broadcast_in_dim3A_72, %div3A_61 : vector<2048x8xi1>, vector<2048x8xf32>
    %reduce_max3A_74 = arith.constant dense<0xFF800000> : vector<2048xf32>
    %reduce_max3A_75 = vector.multi_reduction <maximumf>, %select_n3A_73, %reduce_max3A_74 [1] : vector<2048x8xf32> to vector<2048xf32>
    %broadcast_in_dim3A_76 = vector.shape_cast %reduce_max3A_75 : vector<2048xf32> to vector<2048x1xf32>
    %eq3A_77 = vector.broadcast %broadcast_in_dim3A_76 : vector<2048x1xf32> to vector<2048x8xf32>
    %eq3A_78 = arith.cmpf oeq, %select_n3A_73, %eq3A_77 : vector<2048x8xf32>
    %jit3A_79 = arith.constant 8 : i32
    %broadcast_in_dim3A_80 = vector.broadcast %jit3A_79 : i32 to vector<2048x8xi32>
    %select_n3A_81 = arith.select %eq3A_78, %iota3A, %broadcast_in_dim3A_80 : vector<2048x8xi1>, vector<2048x8xi32>
    %reduce_min3A_82 = arith.constant dense<2147483647> : vector<2048xi32>
    %reduce_min3A_83 = vector.multi_reduction <minsi>, %select_n3A_81, %reduce_min3A_82 [1] : vector<2048x8xi32> to vector<2048xi32>
    %broadcast_in_dim3A_84 = vector.shape_cast %reduce_min3A_83 : vector<2048xi32> to vector<2048x1xi32>
    %eq3A_85 = vector.broadcast %broadcast_in_dim3A_84 : vector<2048x1xi32> to vector<2048x8xi32>
    %eq3A_86 = arith.cmpi eq, %iota3A, %eq3A_85 : vector<2048x8xi32>
    %add3A_87 = arith.addf %broadcast_in_dim3A_64, %broadcast_in_dim3A_76 : vector<2048x1xf32>
    %jit3A_88 = arith.constant 0.000000e+00 : f32
    %broadcast_in_dim3A_89 = vector.shape_cast %broadcast_in_dim3A_64 : vector<2048x1xf32> to vector<2048x1xf32>
    %broadcast_in_dim3A_90 = vector.broadcast %broadcast_in_dim3A_89 : vector<2048x1xf32> to vector<2048x8xf32>
    %broadcast_in_dim3A_91 = vector.broadcast %jit3A_88 : f32 to vector<2048x8xf32>
    %select_n3A_92 = arith.select %eq3A_70, %broadcast_in_dim3A_90, %broadcast_in_dim3A_91 : vector<2048x8xi1>, vector<2048x8xf32>
    %jit3A_93 = arith.constant 0.000000e+00 : f32
    %broadcast_in_dim3A_94 = vector.shape_cast %broadcast_in_dim3A_76 : vector<2048x1xf32> to vector<2048x1xf32>
    %broadcast_in_dim3A_95 = vector.broadcast %broadcast_in_dim3A_94 : vector<2048x1xf32> to vector<2048x8xf32>
    %broadcast_in_dim3A_96 = vector.broadcast %jit3A_93 : f32 to vector<2048x8xf32>
    %select_n3A_97 = arith.select %eq3A_86, %broadcast_in_dim3A_95, %broadcast_in_dim3A_96 : vector<2048x8xi1>, vector<2048x8xf32>
    %add3A_98 = arith.addf %select_n3A_92, %select_n3A_97 : vector<2048x8xf32>
    %div3A_99 = vector.broadcast %add3A_87 : vector<2048x1xf32> to vector<2048x8xf32>
    %div3A_100 = arith.divf %add3A_98, %div3A_99 : vector<2048x8xf32>
    %transpose3A = tpu.transpose %div3A_100, [1, 0] : vector<2048x8xf32> -> vector<8x2048xf32>
    %gt3A = arith.constant 0.000000e+00 : f32
    %gt3A_101 = vector.broadcast %gt3A : f32 to vector<8x2048xf32>
    %gt3A_102 = arith.cmpf ogt, %transpose3A, %gt3A_101 : vector<8x2048xf32>
    %iota3A_103 = tpu.iota {dimensions = array<i32: 0>} : vector<8x2048xi32>
    %jit3A_104 = arith.constant 8 : i32
    %broadcast_in_dim3A_105 = vector.broadcast %jit3A_104 : i32 to vector<8x2048xi32>
    %select_n3A_106 = arith.select %gt3A_102, %iota3A_103, %broadcast_in_dim3A_105 : vector<8x2048xi1>, vector<8x2048xi32>
    %reduce_min3A_107 = arith.constant dense<2147483647> : vector<2048xi32>
    %reduce_min3A_108 = vector.multi_reduction <minsi>, %select_n3A_106, %reduce_min3A_107 [0] : vector<8x2048xi32> to vector<2048xi32>
    %broadcast_in_dim3A_109 = vector.shape_cast %reduce_min3A_108 : vector<2048xi32> to vector<1x2048xi32>
    %jit3A_110 = arith.constant -1 : i32
    %broadcast_in_dim3A_111 = vector.broadcast %jit3A_110 : i32 to vector<8x2048xi32>
    %select_n3A_112 = arith.select %gt3A_102, %iota3A_103, %broadcast_in_dim3A_111 : vector<8x2048xi1>, vector<8x2048xi32>
    %reduce_max3A_113 = arith.constant dense<-2147483648> : vector<2048xi32>
    %reduce_max3A_114 = vector.multi_reduction <maxsi>, %select_n3A_112, %reduce_max3A_113 [0] : vector<8x2048xi32> to vector<2048xi32>
    %broadcast_in_dim3A_115 = vector.shape_cast %reduce_max3A_114 : vector<2048xi32> to vector<1x2048xi32>
    %eq3A_116 = vector.broadcast %broadcast_in_dim3A_109 : vector<1x2048xi32> to vector<8x2048xi32>
    %eq3A_117 = arith.cmpi eq, %iota3A_103, %eq3A_116 : vector<8x2048xi32>
    %convert_element_type3A_118 = arith.extui %eq3A_117 : vector<8x2048xi1> to vector<8x2048xi32>
    %convert_element_type3A_119 = arith.sitofp %convert_element_type3A_118 : vector<8x2048xi32> to vector<8x2048xf32>
    %eq3A_120 = vector.broadcast %broadcast_in_dim3A_115 : vector<1x2048xi32> to vector<8x2048xi32>
    %eq3A_121 = arith.cmpi eq, %iota3A_103, %eq3A_120 : vector<8x2048xi32>
    %convert_element_type3A_122 = arith.extui %eq3A_121 : vector<8x2048xi1> to vector<8x2048xi32>
    %convert_element_type3A_123 = arith.sitofp %convert_element_type3A_122 : vector<8x2048xi32> to vector<8x2048xf32>
    %mul3A_124 = arith.mulf %transpose3A, %convert_element_type3A_119 : vector<8x2048xf32>
    %reduce_sum3A_125 = arith.constant dense<0.000000e+00> : vector<2048xf32>
    %reduce_sum3A_126 = vector.multi_reduction <add>, %mul3A_124, %reduce_sum3A_125 [0] : vector<8x2048xf32> to vector<2048xf32>
    %broadcast_in_dim3A_127 = vector.shape_cast %reduce_sum3A_126 : vector<2048xf32> to vector<1x2048xf32>
    %mul3A_128 = arith.mulf %transpose3A, %convert_element_type3A_123 : vector<8x2048xf32>
    %reduce_sum3A_129 = arith.constant dense<0.000000e+00> : vector<2048xf32>
    %reduce_sum3A_130 = vector.multi_reduction <add>, %mul3A_128, %reduce_sum3A_129 [0] : vector<8x2048xf32> to vector<2048xf32>
    %broadcast_in_dim3A_131 = vector.shape_cast %reduce_sum3A_130 : vector<2048xf32> to vector<1x2048xf32>
    %broadcast_in_dim3A_132 = arith.constant 0.000000e+00 : f32
    %broadcast_in_dim3A_133 = vector.broadcast %broadcast_in_dim3A_132 : f32 to vector<8x1xf32>
    %slice3A = vector.extract_strided_slice %convert_element_type3A_119 {offsets = [0, 0], sizes = [8, 2047], strides = [1, 1]} : vector<8x2048xf32> to vector<8x2047xf32>
    %concatenate3A = tpu.concatenate %broadcast_in_dim3A_133, %slice3A in 1 : vector<8x1xf32>, vector<8x2047xf32> -> vector<8x2048xf32>
    %add3A_134 = arith.addf %convert_element_type3A_119, %concatenate3A : vector<8x2048xf32>
    %broadcast_in_dim3A_135 = arith.constant 0.000000e+00 : f32
    %broadcast_in_dim3A_136 = vector.broadcast %broadcast_in_dim3A_135 : f32 to vector<8x2xf32>
    %slice3A_137 = vector.extract_strided_slice %add3A_134 {offsets = [0, 0], sizes = [8, 2046], strides = [1, 1]} : vector<8x2048xf32> to vector<8x2046xf32>
    %concatenate3A_138 = tpu.concatenate %broadcast_in_dim3A_136, %slice3A_137 in 1 : vector<8x2xf32>, vector<8x2046xf32> -> vector<8x2048xf32>
    %add3A_139 = arith.addf %add3A_134, %concatenate3A_138 : vector<8x2048xf32>
    %broadcast_in_dim3A_140 = arith.constant 0.000000e+00 : f32
    %broadcast_in_dim3A_141 = vector.broadcast %broadcast_in_dim3A_140 : f32 to vector<8x4xf32>
    %slice3A_142 = vector.extract_strided_slice %add3A_139 {offsets = [0, 0], sizes = [8, 2044], strides = [1, 1]} : vector<8x2048xf32> to vector<8x2044xf32>
    %concatenate3A_143 = tpu.concatenate %broadcast_in_dim3A_141, %slice3A_142 in 1 : vector<8x4xf32>, vector<8x2044xf32> -> vector<8x2048xf32>
    %add3A_144 = arith.addf %add3A_139, %concatenate3A_143 : vector<8x2048xf32>
    %broadcast_in_dim3A_145 = arith.constant 0.000000e+00 : f32
    %broadcast_in_dim3A_146 = vector.broadcast %broadcast_in_dim3A_145 : f32 to vector<8x8xf32>
    %slice3A_147 = vector.extract_strided_slice %add3A_144 {offsets = [0, 0], sizes = [8, 2040], strides = [1, 1]} : vector<8x2048xf32> to vector<8x2040xf32>
    %concatenate3A_148 = tpu.concatenate %broadcast_in_dim3A_146, %slice3A_147 in 1 : vector<8x8xf32>, vector<8x2040xf32> -> vector<8x2048xf32>
    %add3A_149 = arith.addf %add3A_144, %concatenate3A_148 : vector<8x2048xf32>
    %broadcast_in_dim3A_150 = arith.constant 0.000000e+00 : f32
    %broadcast_in_dim3A_151 = vector.broadcast %broadcast_in_dim3A_150 : f32 to vector<8x16xf32>
    %slice3A_152 = vector.extract_strided_slice %add3A_149 {offsets = [0, 0], sizes = [8, 2032], strides = [1, 1]} : vector<8x2048xf32> to vector<8x2032xf32>
    %concatenate3A_153 = tpu.concatenate %broadcast_in_dim3A_151, %slice3A_152 in 1 : vector<8x16xf32>, vector<8x2032xf32> -> vector<8x2048xf32>
    %add3A_154 = arith.addf %add3A_149, %concatenate3A_153 : vector<8x2048xf32>
    %broadcast_in_dim3A_155 = arith.constant 0.000000e+00 : f32
    %broadcast_in_dim3A_156 = vector.broadcast %broadcast_in_dim3A_155 : f32 to vector<8x32xf32>
    %slice3A_157 = vector.extract_strided_slice %add3A_154 {offsets = [0, 0], sizes = [8, 2016], strides = [1, 1]} : vector<8x2048xf32> to vector<8x2016xf32>
    %concatenate3A_158 = tpu.concatenate %broadcast_in_dim3A_156, %slice3A_157 in 1 : vector<8x32xf32>, vector<8x2016xf32> -> vector<8x2048xf32>
    %add3A_159 = arith.addf %add3A_154, %concatenate3A_158 : vector<8x2048xf32>
    %broadcast_in_dim3A_160 = arith.constant 0.000000e+00 : f32
    %broadcast_in_dim3A_161 = vector.broadcast %broadcast_in_dim3A_160 : f32 to vector<8x64xf32>
    %slice3A_162 = vector.extract_strided_slice %add3A_159 {offsets = [0, 0], sizes = [8, 1984], strides = [1, 1]} : vector<8x2048xf32> to vector<8x1984xf32>
    %concatenate3A_163 = tpu.concatenate %broadcast_in_dim3A_161, %slice3A_162 in 1 : vector<8x64xf32>, vector<8x1984xf32> -> vector<8x2048xf32>
    %add3A_164 = arith.addf %add3A_159, %concatenate3A_163 : vector<8x2048xf32>
    %broadcast_in_dim3A_165 = arith.constant 0.000000e+00 : f32
    %broadcast_in_dim3A_166 = vector.broadcast %broadcast_in_dim3A_165 : f32 to vector<8x128xf32>
    %slice3A_167 = vector.extract_strided_slice %add3A_164 {offsets = [0, 0], sizes = [8, 1920], strides = [1, 1]} : vector<8x2048xf32> to vector<8x1920xf32>
    %concatenate3A_168 = tpu.concatenate %broadcast_in_dim3A_166, %slice3A_167 in 1 : vector<8x128xf32>, vector<8x1920xf32> -> vector<8x2048xf32>
    %add3A_169 = arith.addf %add3A_164, %concatenate3A_168 : vector<8x2048xf32>
    %broadcast_in_dim3A_170 = arith.constant 0.000000e+00 : f32
    %broadcast_in_dim3A_171 = vector.broadcast %broadcast_in_dim3A_170 : f32 to vector<8x256xf32>
    %slice3A_172 = vector.extract_strided_slice %add3A_169 {offsets = [0, 0], sizes = [8, 1792], strides = [1, 1]} : vector<8x2048xf32> to vector<8x1792xf32>
    %concatenate3A_173 = tpu.concatenate %broadcast_in_dim3A_171, %slice3A_172 in 1 : vector<8x256xf32>, vector<8x1792xf32> -> vector<8x2048xf32>
    %add3A_174 = arith.addf %add3A_169, %concatenate3A_173 : vector<8x2048xf32>
    %broadcast_in_dim3A_175 = arith.constant 0.000000e+00 : f32
    %broadcast_in_dim3A_176 = vector.broadcast %broadcast_in_dim3A_175 : f32 to vector<8x512xf32>
    %slice3A_177 = vector.extract_strided_slice %add3A_174 {offsets = [0, 0], sizes = [8, 1536], strides = [1, 1]} : vector<8x2048xf32> to vector<8x1536xf32>
    %concatenate3A_178 = tpu.concatenate %broadcast_in_dim3A_176, %slice3A_177 in 1 : vector<8x512xf32>, vector<8x1536xf32> -> vector<8x2048xf32>
    %add3A_179 = arith.addf %add3A_174, %concatenate3A_178 : vector<8x2048xf32>
    %broadcast_in_dim3A_180 = arith.constant 0.000000e+00 : f32
    %broadcast_in_dim3A_181 = vector.broadcast %broadcast_in_dim3A_180 : f32 to vector<8x1024xf32>
    %slice3A_182 = vector.extract_strided_slice %add3A_179 {offsets = [0, 0], sizes = [8, 1024], strides = [1, 1]} : vector<8x2048xf32> to vector<8x1024xf32>
    %concatenate3A_183 = tpu.concatenate %broadcast_in_dim3A_181, %slice3A_182 in 1 : vector<8x1024xf32>, vector<8x1024xf32> -> vector<8x2048xf32>
    %add3A_184 = arith.addf %add3A_179, %concatenate3A_183 : vector<8x2048xf32>
    %broadcast_in_dim3A_185 = arith.constant 0.000000e+00 : f32
    %broadcast_in_dim3A_186 = vector.broadcast %broadcast_in_dim3A_185 : f32 to vector<8x1xf32>
    %slice3A_187 = vector.extract_strided_slice %convert_element_type3A_123 {offsets = [0, 0], sizes = [8, 2047], strides = [1, 1]} : vector<8x2048xf32> to vector<8x2047xf32>
    %concatenate3A_188 = tpu.concatenate %broadcast_in_dim3A_186, %slice3A_187 in 1 : vector<8x1xf32>, vector<8x2047xf32> -> vector<8x2048xf32>
    %add3A_189 = arith.addf %convert_element_type3A_123, %concatenate3A_188 : vector<8x2048xf32>
    %broadcast_in_dim3A_190 = arith.constant 0.000000e+00 : f32
    %broadcast_in_dim3A_191 = vector.broadcast %broadcast_in_dim3A_190 : f32 to vector<8x2xf32>
    %slice3A_192 = vector.extract_strided_slice %add3A_189 {offsets = [0, 0], sizes = [8, 2046], strides = [1, 1]} : vector<8x2048xf32> to vector<8x2046xf32>
    %concatenate3A_193 = tpu.concatenate %broadcast_in_dim3A_191, %slice3A_192 in 1 : vector<8x2xf32>, vector<8x2046xf32> -> vector<8x2048xf32>
    %add3A_194 = arith.addf %add3A_189, %concatenate3A_193 : vector<8x2048xf32>
    %broadcast_in_dim3A_195 = arith.constant 0.000000e+00 : f32
    %broadcast_in_dim3A_196 = vector.broadcast %broadcast_in_dim3A_195 : f32 to vector<8x4xf32>
    %slice3A_197 = vector.extract_strided_slice %add3A_194 {offsets = [0, 0], sizes = [8, 2044], strides = [1, 1]} : vector<8x2048xf32> to vector<8x2044xf32>
    %concatenate3A_198 = tpu.concatenate %broadcast_in_dim3A_196, %slice3A_197 in 1 : vector<8x4xf32>, vector<8x2044xf32> -> vector<8x2048xf32>
    %add3A_199 = arith.addf %add3A_194, %concatenate3A_198 : vector<8x2048xf32>
    %broadcast_in_dim3A_200 = arith.constant 0.000000e+00 : f32
    %broadcast_in_dim3A_201 = vector.broadcast %broadcast_in_dim3A_200 : f32 to vector<8x8xf32>
    %slice3A_202 = vector.extract_strided_slice %add3A_199 {offsets = [0, 0], sizes = [8, 2040], strides = [1, 1]} : vector<8x2048xf32> to vector<8x2040xf32>
    %concatenate3A_203 = tpu.concatenate %broadcast_in_dim3A_201, %slice3A_202 in 1 : vector<8x8xf32>, vector<8x2040xf32> -> vector<8x2048xf32>
    %add3A_204 = arith.addf %add3A_199, %concatenate3A_203 : vector<8x2048xf32>
    %broadcast_in_dim3A_205 = arith.constant 0.000000e+00 : f32
    %broadcast_in_dim3A_206 = vector.broadcast %broadcast_in_dim3A_205 : f32 to vector<8x16xf32>
    %slice3A_207 = vector.extract_strided_slice %add3A_204 {offsets = [0, 0], sizes = [8, 2032], strides = [1, 1]} : vector<8x2048xf32> to vector<8x2032xf32>
    %concatenate3A_208 = tpu.concatenate %broadcast_in_dim3A_206, %slice3A_207 in 1 : vector<8x16xf32>, vector<8x2032xf32> -> vector<8x2048xf32>
    %add3A_209 = arith.addf %add3A_204, %concatenate3A_208 : vector<8x2048xf32>
    %broadcast_in_dim3A_210 = arith.constant 0.000000e+00 : f32
    %broadcast_in_dim3A_211 = vector.broadcast %broadcast_in_dim3A_210 : f32 to vector<8x32xf32>
    %slice3A_212 = vector.extract_strided_slice %add3A_209 {offsets = [0, 0], sizes = [8, 2016], strides = [1, 1]} : vector<8x2048xf32> to vector<8x2016xf32>
    %concatenate3A_213 = tpu.concatenate %broadcast_in_dim3A_211, %slice3A_212 in 1 : vector<8x32xf32>, vector<8x2016xf32> -> vector<8x2048xf32>
    %add3A_214 = arith.addf %add3A_209, %concatenate3A_213 : vector<8x2048xf32>
    %broadcast_in_dim3A_215 = arith.constant 0.000000e+00 : f32
    %broadcast_in_dim3A_216 = vector.broadcast %broadcast_in_dim3A_215 : f32 to vector<8x64xf32>
    %slice3A_217 = vector.extract_strided_slice %add3A_214 {offsets = [0, 0], sizes = [8, 1984], strides = [1, 1]} : vector<8x2048xf32> to vector<8x1984xf32>
    %concatenate3A_218 = tpu.concatenate %broadcast_in_dim3A_216, %slice3A_217 in 1 : vector<8x64xf32>, vector<8x1984xf32> -> vector<8x2048xf32>
    %add3A_219 = arith.addf %add3A_214, %concatenate3A_218 : vector<8x2048xf32>
    %broadcast_in_dim3A_220 = arith.constant 0.000000e+00 : f32
    %broadcast_in_dim3A_221 = vector.broadcast %broadcast_in_dim3A_220 : f32 to vector<8x128xf32>
    %slice3A_222 = vector.extract_strided_slice %add3A_219 {offsets = [0, 0], sizes = [8, 1920], strides = [1, 1]} : vector<8x2048xf32> to vector<8x1920xf32>
    %concatenate3A_223 = tpu.concatenate %broadcast_in_dim3A_221, %slice3A_222 in 1 : vector<8x128xf32>, vector<8x1920xf32> -> vector<8x2048xf32>
    %add3A_224 = arith.addf %add3A_219, %concatenate3A_223 : vector<8x2048xf32>
    %broadcast_in_dim3A_225 = arith.constant 0.000000e+00 : f32
    %broadcast_in_dim3A_226 = vector.broadcast %broadcast_in_dim3A_225 : f32 to vector<8x256xf32>
    %slice3A_227 = vector.extract_strided_slice %add3A_224 {offsets = [0, 0], sizes = [8, 1792], strides = [1, 1]} : vector<8x2048xf32> to vector<8x1792xf32>
    %concatenate3A_228 = tpu.concatenate %broadcast_in_dim3A_226, %slice3A_227 in 1 : vector<8x256xf32>, vector<8x1792xf32> -> vector<8x2048xf32>
    %add3A_229 = arith.addf %add3A_224, %concatenate3A_228 : vector<8x2048xf32>
    %broadcast_in_dim3A_230 = arith.constant 0.000000e+00 : f32
    %broadcast_in_dim3A_231 = vector.broadcast %broadcast_in_dim3A_230 : f32 to vector<8x512xf32>
    %slice3A_232 = vector.extract_strided_slice %add3A_229 {offsets = [0, 0], sizes = [8, 1536], strides = [1, 1]} : vector<8x2048xf32> to vector<8x1536xf32>
    %concatenate3A_233 = tpu.concatenate %broadcast_in_dim3A_231, %slice3A_232 in 1 : vector<8x512xf32>, vector<8x1536xf32> -> vector<8x2048xf32>
    %add3A_234 = arith.addf %add3A_229, %concatenate3A_233 : vector<8x2048xf32>
    %broadcast_in_dim3A_235 = arith.constant 0.000000e+00 : f32
    %broadcast_in_dim3A_236 = vector.broadcast %broadcast_in_dim3A_235 : f32 to vector<8x1024xf32>
    %slice3A_237 = vector.extract_strided_slice %add3A_234 {offsets = [0, 0], sizes = [8, 1024], strides = [1, 1]} : vector<8x2048xf32> to vector<8x1024xf32>
    %concatenate3A_238 = tpu.concatenate %broadcast_in_dim3A_236, %slice3A_237 in 1 : vector<8x1024xf32>, vector<8x1024xf32> -> vector<8x2048xf32>
    %add3A_239 = arith.addf %add3A_234, %concatenate3A_238 : vector<8x2048xf32>
    %slice3A_240 = vector.extract_strided_slice %add3A_184 {offsets = [0, 2047], sizes = [8, 1], strides = [1, 1]} : vector<8x2048xf32> to vector<8x1xf32>
    %slice3A_241 = vector.extract_strided_slice %add3A_239 {offsets = [0, 2047], sizes = [8, 1], strides = [1, 1]} : vector<8x2048xf32> to vector<8x1xf32>
    %add3A_242 = arith.addf %slice3A_240, %slice3A_241 : vector<8x1xf32>
    %add3A_243 = arith.constant 2.550000e+02 : f32
    %add3A_244 = vector.broadcast %add3A_243 : f32 to vector<8x1xf32>
    %add3A_245 = arith.addf %add3A_242, %add3A_244 : vector<8x1xf32>
    %div3A_246 = arith.constant 2.560000e+02 : f32
    %div3A_247 = vector.broadcast %div3A_246 : f32 to vector<8x1xf32>
    %div3A_248 = arith.divf %add3A_245, %div3A_247 : vector<8x1xf32>
    %floor3A = math.floor %div3A_248 : vector<8x1xf32>
    %iota3A_249 = tpu.iota {dimensions = array<i32: 1>} : vector<8x8xi32>
    %iota3A_250 = tpu.iota {dimensions = array<i32: 0>} : vector<8x8xi32>
    %le3A = arith.cmpi sle, %iota3A_249, %iota3A_250 : vector<8x8xi32>
    %convert_element_type3A_251 = arith.extui %le3A : vector<8x8xi1> to vector<8x8xi32>
    %convert_element_type3A_252 = arith.sitofp %convert_element_type3A_251 : vector<8x8xi32> to vector<8x8xf32>
    %dot_general3A_253 = arith.constant dense<0.000000e+00> : vector<8x1xf32>
    %dot_general3A_254 = tpu.matmul %convert_element_type3A_252, %floor3A, %dot_general3A_253 {dimension_numbers = #tpu.dot_dimension_numbers<[1], [0], [0], [1], [0, 0, 1, 1], [], []>, transpose_lhs_hint = false} : vector<8x8xf32>, vector<8x1xf32>, vector<8x1xf32> -> vector<8x1xf32>
    %sub3A_255 = arith.subf %dot_general3A_254, %floor3A : vector<8x1xf32>
    %mul3A_256 = arith.constant 2.560000e+02 : f32
    %mul3A_257 = vector.broadcast %mul3A_256 : f32 to vector<8x1xf32>
    %mul3A_258 = arith.mulf %mul3A_257, %sub3A_255 : vector<8x1xf32>
    %sub3A_259 = arith.constant 1.000000e+00 : f32
    %sub3A_260 = vector.broadcast %sub3A_259 : f32 to vector<8x1xf32>
    %sub3A_261 = arith.subf %mul3A_258, %sub3A_260 : vector<8x1xf32>
    %mul3A_262 = vector.broadcast %sub3A_261 : vector<8x1xf32> to vector<8x2048xf32>
    %mul3A_263 = arith.mulf %mul3A_262, %convert_element_type3A_119 : vector<8x2048xf32>
    %mul3A_264 = arith.mulf %add3A_184, %convert_element_type3A_119 : vector<8x2048xf32>
    %add3A_265 = arith.addf %mul3A_263, %mul3A_264 : vector<8x2048xf32>
    %reduce_sum3A_266 = arith.constant dense<0.000000e+00> : vector<2048xf32>
    %reduce_sum3A_267 = vector.multi_reduction <add>, %add3A_265, %reduce_sum3A_266 [0] : vector<8x2048xf32> to vector<2048xf32>
    %broadcast_in_dim3A_268 = vector.shape_cast %reduce_sum3A_267 : vector<2048xf32> to vector<1x2048xf32>
    %add3A_269 = arith.addf %mul3A_258, %slice3A_240 : vector<8x1xf32>
    %sub3A_270 = arith.constant 1.000000e+00 : f32
    %sub3A_271 = vector.broadcast %sub3A_270 : f32 to vector<8x1xf32>
    %sub3A_272 = arith.subf %add3A_269, %sub3A_271 : vector<8x1xf32>
    %mul3A_273 = vector.broadcast %sub3A_272 : vector<8x1xf32> to vector<8x2048xf32>
    %mul3A_274 = arith.mulf %mul3A_273, %convert_element_type3A_123 : vector<8x2048xf32>
    %mul3A_275 = arith.mulf %add3A_239, %convert_element_type3A_123 : vector<8x2048xf32>
    %add3A_276 = arith.addf %mul3A_274, %mul3A_275 : vector<8x2048xf32>
    %reduce_sum3A_277 = arith.constant dense<0.000000e+00> : vector<2048xf32>
    %reduce_sum3A_278 = vector.multi_reduction <add>, %add3A_276, %reduce_sum3A_277 [0] : vector<8x2048xf32> to vector<2048xf32>
    %broadcast_in_dim3A_279 = vector.shape_cast %reduce_sum3A_278 : vector<2048xf32> to vector<1x2048xf32>
    %broadcast_in_dim3A_280 = arith.constant 0.000000e+00 : f32
    %broadcast_in_dim3A_281 = vector.broadcast %broadcast_in_dim3A_280 : f32 to vector<6x2048xf32>
    %concatenate3A_282 = tpu.concatenate %broadcast_in_dim3A_268, %broadcast_in_dim3A_279, %broadcast_in_dim3A_281 in 0 : vector<1x2048xf32>, vector<1x2048xf32>, vector<6x2048xf32> -> vector<8x2048xf32>
    %convert_element_type3A_283 = arith.fptosi %concatenate3A_282 : vector<8x2048xf32> to vector<8x2048xi32>
    %swap3A_284 = arith.constant 0 : index
    %swap3A_285 = arith.constant 0 : index
    %swap3A_286 = vector.load %arg14[%swap3A_284, %swap3A_285] : memref<8x2048xi32, #tpu.memory_space<vmem>>, vector<8x2048xi32>
    tpu.vector_store %arg14[%swap3A_284, %swap3A_285], %convert_element_type3A_283 {strides = array<i32>} : memref<8x2048xi32, #tpu.memory_space<vmem>>, vector<8x2048xi32>,
    %concatenate3A_287 = tpu.concatenate %broadcast_in_dim3A_127, %broadcast_in_dim3A_131, %broadcast_in_dim3A_281 in 0 : vector<1x2048xf32>, vector<1x2048xf32>, vector<6x2048xf32> -> vector<8x2048xf32>
    %swap3A_288 = arith.constant 0 : index
    %swap3A_289 = arith.constant 0 : index
    %swap3A_290 = vector.load %arg15[%swap3A_288, %swap3A_289] : memref<8x2048xf32, #tpu.memory_space<vmem>>, vector<8x2048xf32>
    tpu.vector_store %arg15[%swap3A_288, %swap3A_289], %concatenate3A_287 {strides = array<i32>} : memref<8x2048xf32, #tpu.memory_space<vmem>>, vector<8x2048xf32>,
    %iota3A_291 = tpu.iota {dimensions = array<i32: 0>} : vector<24x8xi32>
    %convert_element_type3A_292 = arith.sitofp %iota3A_291 : vector<24x8xi32> to vector<24x8xf32>
    %transpose3A_293 = tpu.transpose %dot_general3A_254, [1, 0] : vector<8x1xf32> -> vector<1x8xf32>
    %ge3A = vector.broadcast %transpose3A_293 : vector<1x8xf32> to vector<24x8xf32>
    %ge3A_294 = arith.cmpf oge, %convert_element_type3A_292, %ge3A : vector<24x8xf32>
    %convert_element_type3A_295 = arith.extui %ge3A_294 : vector<24x8xi1> to vector<24x8xi32>
    %convert_element_type3A_296 = arith.sitofp %convert_element_type3A_295 : vector<24x8xi32> to vector<24x8xf32>
    %reduce_sum3A_297 = arith.constant dense<0.000000e+00> : vector<24xf32>
    %reduce_sum3A_298 = vector.multi_reduction <add>, %convert_element_type3A_296, %reduce_sum3A_297 [1] : vector<24x8xf32> to vector<24xf32>
    %broadcast_in_dim3A_299 = vector.shape_cast %reduce_sum3A_298 : vector<24xf32> to vector<24x1xf32>
    %jit3A_300 = arith.constant 0.000000e+00 : f32
    %jit3A_301 = arith.constant 7.000000e+00 : f32
    %max3A = vector.broadcast %jit3A_300 : f32 to vector<24x1xf32>
    %max3A_302 = arith.maximumf %max3A, %broadcast_in_dim3A_299 : vector<24x1xf32>
    %min3A = vector.broadcast %jit3A_301 : f32 to vector<24x1xf32>
    %min3A_303 = arith.minimumf %min3A, %max3A_302 : vector<24x1xf32>
    %convert_element_type3A_304 = arith.fptosi %min3A_303 : vector<24x1xf32> to vector<24x1xi32>
    %swap3A_305 = arith.constant 0 : index
    %swap3A_306 = arith.constant 0 : index
    %swap3A_307 = vector.load %arg16[%swap3A_305, %swap3A_306] : memref<24x1xi32, #tpu.memory_space<vmem>>, vector<24x1xi32>
    tpu.vector_store %arg16[%swap3A_305, %swap3A_306], %convert_element_type3A_304 {strides = array<i32>} : memref<24x1xi32, #tpu.memory_space<vmem>>, vector<24x1xi32>,
    %get3A_308 = arith.constant 0 : index
    %get3A_309 = arith.constant 0 : index
    %get3A_310 = vector.load %arg8[%get3A_308, %get3A_309] : memref<384x768xbf16, #tpu.memory_space<vmem>>, vector<384x768xbf16>
    %dot_general3A_311 = arith.constant dense<0.000000e+00> : vector<2048x768xf32>
    %dot_general3A_312 = tpu.matmul %convert_element_type3A_42, %get3A_310, %dot_general3A_311 {dimension_numbers = #tpu.dot_dimension_numbers<[1], [0], [0], [1], [0, 0, 1, 1], [], []>, transpose_lhs_hint = false} : vector<2048x384xbf16>, vector<384x768xbf16>, vector<2048x768xf32> -> vector<2048x768xf32>
    %get3A_313 = arith.constant 0 : index
    %get3A_314 = vector.load %arg9[%get3A_313] : memref<768xf32, #tpu.memory_space<vmem>>, vector<768xf32>
    %broadcast_in_dim3A_315 = vector.shape_cast %get3A_314 : vector<768xf32> to vector<1x768xf32>
    %add3A_316 = vector.broadcast %broadcast_in_dim3A_315 : vector<1x768xf32> to vector<2048x768xf32>
    %add3A_317 = arith.addf %dot_general3A_312, %add3A_316 : vector<2048x768xf32>
    %mul3A_318 = arith.constant 5.000000e-01 : f32
    %mul3A_319 = vector.broadcast %mul3A_318 : f32 to vector<2048x768xf32>
    %mul3A_320 = arith.mulf %mul3A_319, %add3A_317 : vector<2048x768xf32>
    %div3A_321 = arith.constant 1.41421354 : f32
    %div3A_322 = vector.broadcast %div3A_321 : f32 to vector<2048x768xf32>
    %div3A_323 = arith.divf %add3A_317, %div3A_322 : vector<2048x768xf32>
    %erf3A = math.erf %div3A_323 : vector<2048x768xf32>
    %add3A_324 = arith.constant 1.000000e+00 : f32
    %add3A_325 = vector.broadcast %add3A_324 : f32 to vector<2048x768xf32>
    %add3A_326 = arith.addf %add3A_325, %erf3A : vector<2048x768xf32>
    %mul3A_327 = arith.mulf %mul3A_320, %add3A_326 : vector<2048x768xf32>
    %convert_element_type3A_328 = arith.truncf %mul3A_327 : vector<2048x768xf32> to vector<2048x768xbf16>
    %get3A_329 = arith.constant 0 : index
    %get3A_330 = arith.constant 0 : index
    %get3A_331 = vector.load %arg10[%get3A_329, %get3A_330] : memref<768x384xbf16, #tpu.memory_space<vmem>>, vector<768x384xbf16>
    %dot_general3A_332 = arith.constant dense<0.000000e+00> : vector<2048x384xf32>
    %dot_general3A_333 = tpu.matmul %convert_element_type3A_328, %get3A_331, %dot_general3A_332 {dimension_numbers = #tpu.dot_dimension_numbers<[1], [0], [0], [1], [0, 0, 1, 1], [], []>, transpose_lhs_hint = false} : vector<2048x768xbf16>, vector<768x384xbf16>, vector<2048x384xf32> -> vector<2048x384xf32>
    %get3A_334 = arith.constant 0 : index
    %get3A_335 = vector.load %arg11[%get3A_334] : memref<384xf32, #tpu.memory_space<vmem>>, vector<384xf32>
    %broadcast_in_dim3A_336 = vector.shape_cast %get3A_335 : vector<384xf32> to vector<1x384xf32>
    %add3A_337 = vector.broadcast %broadcast_in_dim3A_336 : vector<1x384xf32> to vector<2048x384xf32>
    %add3A_338 = arith.addf %dot_general3A_333, %add3A_337 : vector<2048x384xf32>
    %add3A_339 = arith.addf %add3A_12, %add3A_338 : vector<2048x384xf32>
    %swap3A_340 = arith.constant 0 : index
    %swap3A_341 = arith.constant 0 : index
    %swap3A_342 = vector.load %arg13[%swap3A_340, %swap3A_341] : memref<2048x384xf32, #tpu.memory_space<vmem>>, vector<2048x384xf32>
    tpu.vector_store %arg13[%swap3A_340, %swap3A_341], %add3A_339 {strides = array<i32>} : memref<2048x384xf32, #tpu.memory_space<vmem>>, vector<2048x384xf32>,
    return
  }
}

module attributes {stable_mosaic.version = 14 : i64} {
  func.func @_k2_body(%arg0: i32, %arg1: i32, %arg2: memref<1x4x10x32x12x32xf32, #tpu.memory_space<vmem>>, %arg3: memref<1x128x1152xbf16, #tpu.memory_space<vmem>>, %arg4: memref<1x1024x1152xbf16, #tpu.memory_space<vmem>>, %arg5: memref<1x128x384xf32, #tpu.memory_space<vmem>>) attributes {dimension_semantics = [#tpu.dimension_semantics<arbitrary>, #tpu.dimension_semantics<arbitrary>], iteration_bounds = array<i64: 2, 8>, scalar_prefetch = 0 : i64, scratch_operands = 0 : i64, tpu.core_type = #tpu.core_type<tc>, window_params = [{transform_indices = @transform_0, window_bounds = array<i64: 1, 4, 10, 32, 12, 32>}, {transform_indices = @transform_1, window_bounds = array<i64: 1, 128, 1152>}, {transform_indices = @transform_2, window_bounds = array<i64: 1, 1024, 1152>}, {transform_indices = @transform_3, window_bounds = array<i64: 1, 128, 384>}]} {
    %mul3A = arith.constant 4 : i32
    %mul3A_0 = arith.muli %mul3A, %arg1 : i32
    %sub3A = arith.constant 3 : i32
    %sub3A_1 = arith.subi %mul3A_0, %sub3A : i32
    %jit3A = arith.constant 0 : i32
    %jit3A_2 = arith.constant 22 : i32
    %max3A = arith.maxsi %jit3A, %sub3A_1 : i32
    %min3A = arith.minsi %jit3A_2, %max3A : i32
    %mul3A_3 = arith.constant 32 : i32
    %mul3A_4 = arith.muli %min3A, %mul3A_3 : i32
    %iota3A = tpu.iota {dimensions = array<i32: 0>} : vector<128x320xi32>
    %and3A = arith.constant 31 : i32
    %and3A_5 = vector.broadcast %and3A : i32 to vector<128x320xi32>
    %and3A_6 = arith.andi %iota3A, %and3A_5 : vector<128x320xi32>
    %iota3A_7 = tpu.iota {dimensions = array<i32: 1>} : vector<128x320xi32>
    %and3A_8 = arith.constant 31 : i32
    %and3A_9 = vector.broadcast %and3A_8 : i32 to vector<128x320xi32>
    %and3A_10 = arith.andi %iota3A_7, %and3A_9 : vector<128x320xi32>
    %sub3A_11 = arith.constant 3 : i32
    %sub3A_12 = vector.broadcast %sub3A_11 : i32 to vector<128x320xi32>
    %sub3A_13 = arith.subi %and3A_6, %sub3A_12 : vector<128x320xi32>
    %jit3A_14 = arith.constant 0 : i32
    %jit3A_15 = arith.constant 25 : i32
    %max3A_16 = vector.broadcast %jit3A_14 : i32 to vector<128x320xi32>
    %max3A_17 = arith.maxsi %max3A_16, %sub3A_13 : vector<128x320xi32>
    %min3A_18 = vector.broadcast %jit3A_15 : i32 to vector<128x320xi32>
    %min3A_19 = arith.minsi %min3A_18, %max3A_17 : vector<128x320xi32>
    %sub3A_20 = arith.subi %and3A_10, %min3A_19 : vector<128x320xi32>
    %ge3A = arith.constant 0 : i32
    %ge3A_21 = vector.broadcast %ge3A : i32 to vector<128x320xi32>
    %ge3A_22 = arith.cmpi sge, %sub3A_20, %ge3A_21 : vector<128x320xi32>
    %lt3A = arith.constant 7 : i32
    %lt3A_23 = vector.broadcast %lt3A : i32 to vector<128x320xi32>
    %lt3A_24 = arith.cmpi slt, %sub3A_20, %lt3A_23 : vector<128x320xi32>
    %and3A_25 = arith.andi %ge3A_22, %lt3A_24 : vector<128x320xi1>
    %jit3A_26 = arith.constant 0.000000e+00 : f32
    %jit3A_27 = arith.constant -1.000000e+09 : f32
    %broadcast_in_dim3A = vector.broadcast %jit3A_26 : f32 to vector<128x320xf32>
    %broadcast_in_dim3A_28 = vector.broadcast %jit3A_27 : f32 to vector<128x320xf32>
    %select_n3A = arith.select %and3A_25, %broadcast_in_dim3A, %broadcast_in_dim3A_28 : vector<128x320xi1>, vector<128x320xf32>
    %get3A = arith.constant 0 : index
    %get3A_29 = arith.constant 0 : index
    %get3A_30 = arith.constant 0 : index
    %get3A_31 = vector.load %arg3[%get3A, %get3A_29, %get3A_30] : memref<1x128x1152xbf16, #tpu.memory_space<vmem>>, vector<1x128x32xbf16>
    %get3A_32 = vector.shape_cast %get3A_31 : vector<1x128x32xbf16> to vector<128x32xbf16>
    %get3A_33 = arith.constant 0 : index
    %get3A_34 = arith.index_cast %mul3A_4 : i32 to index
    %get3A_35 = arith.constant 384 : index
    %get3A_36 = vector.load %arg4[%get3A_33, %get3A_34, %get3A_35] : memref<1x1024x1152xbf16, #tpu.memory_space<vmem>>, vector<1x320x32xbf16>
    %get3A_37 = vector.shape_cast %get3A_36 : vector<1x320x32xbf16> to vector<320x32xbf16>
    %get3A_38 = arith.constant 0 : index
    %get3A_39 = arith.index_cast %mul3A_4 : i32 to index
    %get3A_40 = arith.constant 768 : index
    %get3A_41 = vector.load %arg4[%get3A_38, %get3A_39, %get3A_40] : memref<1x1024x1152xbf16, #tpu.memory_space<vmem>>, vector<1x320x32xbf16>
    %get3A_42 = vector.shape_cast %get3A_41 : vector<1x320x32xbf16> to vector<320x32xbf16>
    %get3A_43 = arith.constant 0 : index
    %get3A_44 = arith.constant 0 : index
    %get3A_45 = arith.constant 0 : index
    %get3A_46 = arith.constant 0 : index
    %get3A_47 = arith.constant 0 : index
    %get3A_48 = arith.constant 0 : index
    %get3A_49 = vector.load %arg2[%get3A_43, %get3A_44, %get3A_45, %get3A_46, %get3A_47, %get3A_48] : memref<1x4x10x32x12x32xf32, #tpu.memory_space<vmem>>, vector<1x4x1x32x1x32xf32>
    %get3A_50 = vector.shape_cast %get3A_49 : vector<1x4x1x32x1x32xf32> to vector<4x32x32xf32>
    %reshape3A = vector.shape_cast %get3A_50 : vector<4x32x32xf32> to vector<128x32xf32>
    %get3A_51 = arith.constant 0 : index
    %get3A_52 = arith.constant 0 : index
    %get3A_53 = arith.constant 1 : index
    %get3A_54 = arith.constant 0 : index
    %get3A_55 = arith.constant 0 : index
    %get3A_56 = arith.constant 0 : index
    %get3A_57 = vector.load %arg2[%get3A_51, %get3A_52, %get3A_53, %get3A_54, %get3A_55, %get3A_56] : memref<1x4x10x32x12x32xf32, #tpu.memory_space<vmem>>, vector<1x4x1x32x1x32xf32>
    %get3A_58 = vector.shape_cast %get3A_57 : vector<1x4x1x32x1x32xf32> to vector<4x32x32xf32>
    %reshape3A_59 = vector.shape_cast %get3A_58 : vector<4x32x32xf32> to vector<128x32xf32>
    %get3A_60 = arith.constant 0 : index
    %get3A_61 = arith.constant 0 : index
    %get3A_62 = arith.constant 2 : index
    %get3A_63 = arith.constant 0 : index
    %get3A_64 = arith.constant 0 : index
    %get3A_65 = arith.constant 0 : index
    %get3A_66 = vector.load %arg2[%get3A_60, %get3A_61, %get3A_62, %get3A_63, %get3A_64, %get3A_65] : memref<1x4x10x32x12x32xf32, #tpu.memory_space<vmem>>, vector<1x4x1x32x1x32xf32>
    %get3A_67 = vector.shape_cast %get3A_66 : vector<1x4x1x32x1x32xf32> to vector<4x32x32xf32>
    %reshape3A_68 = vector.shape_cast %get3A_67 : vector<4x32x32xf32> to vector<128x32xf32>
    %get3A_69 = arith.constant 0 : index
    %get3A_70 = arith.constant 0 : index
    %get3A_71 = arith.constant 3 : index
    %get3A_72 = arith.constant 0 : index
    %get3A_73 = arith.constant 0 : index
    %get3A_74 = arith.constant 0 : index
    %get3A_75 = vector.load %arg2[%get3A_69, %get3A_70, %get3A_71, %get3A_72, %get3A_73, %get3A_74] : memref<1x4x10x32x12x32xf32, #tpu.memory_space<vmem>>, vector<1x4x1x32x1x32xf32>
    %get3A_76 = vector.shape_cast %get3A_75 : vector<1x4x1x32x1x32xf32> to vector<4x32x32xf32>
    %reshape3A_77 = vector.shape_cast %get3A_76 : vector<4x32x32xf32> to vector<128x32xf32>
    %get3A_78 = arith.constant 0 : index
    %get3A_79 = arith.constant 0 : index
    %get3A_80 = arith.constant 4 : index
    %get3A_81 = arith.constant 0 : index
    %get3A_82 = arith.constant 0 : index
    %get3A_83 = arith.constant 0 : index
    %get3A_84 = vector.load %arg2[%get3A_78, %get3A_79, %get3A_80, %get3A_81, %get3A_82, %get3A_83] : memref<1x4x10x32x12x32xf32, #tpu.memory_space<vmem>>, vector<1x4x1x32x1x32xf32>
    %get3A_85 = vector.shape_cast %get3A_84 : vector<1x4x1x32x1x32xf32> to vector<4x32x32xf32>
    %reshape3A_86 = vector.shape_cast %get3A_85 : vector<4x32x32xf32> to vector<128x32xf32>
    %get3A_87 = arith.constant 0 : index
    %get3A_88 = arith.constant 0 : index
    %get3A_89 = arith.constant 5 : index
    %get3A_90 = arith.constant 0 : index
    %get3A_91 = arith.constant 0 : index
    %get3A_92 = arith.constant 0 : index
    %get3A_93 = vector.load %arg2[%get3A_87, %get3A_88, %get3A_89, %get3A_90, %get3A_91, %get3A_92] : memref<1x4x10x32x12x32xf32, #tpu.memory_space<vmem>>, vector<1x4x1x32x1x32xf32>
    %get3A_94 = vector.shape_cast %get3A_93 : vector<1x4x1x32x1x32xf32> to vector<4x32x32xf32>
    %reshape3A_95 = vector.shape_cast %get3A_94 : vector<4x32x32xf32> to vector<128x32xf32>
    %get3A_96 = arith.constant 0 : index
    %get3A_97 = arith.constant 0 : index
    %get3A_98 = arith.constant 6 : index
    %get3A_99 = arith.constant 0 : index
    %get3A_100 = arith.constant 0 : index
    %get3A_101 = arith.constant 0 : index
    %get3A_102 = vector.load %arg2[%get3A_96, %get3A_97, %get3A_98, %get3A_99, %get3A_100, %get3A_101] : memref<1x4x10x32x12x32xf32, #tpu.memory_space<vmem>>, vector<1x4x1x32x1x32xf32>
    %get3A_103 = vector.shape_cast %get3A_102 : vector<1x4x1x32x1x32xf32> to vector<4x32x32xf32>
    %reshape3A_104 = vector.shape_cast %get3A_103 : vector<4x32x32xf32> to vector<128x32xf32>
    %get3A_105 = arith.constant 0 : index
    %get3A_106 = arith.constant 0 : index
    %get3A_107 = arith.constant 7 : index
    %get3A_108 = arith.constant 0 : index
    %get3A_109 = arith.constant 0 : index
    %get3A_110 = arith.constant 0 : index
    %get3A_111 = vector.load %arg2[%get3A_105, %get3A_106, %get3A_107, %get3A_108, %get3A_109, %get3A_110] : memref<1x4x10x32x12x32xf32, #tpu.memory_space<vmem>>, vector<1x4x1x32x1x32xf32>
    %get3A_112 = vector.shape_cast %get3A_111 : vector<1x4x1x32x1x32xf32> to vector<4x32x32xf32>
    %reshape3A_113 = vector.shape_cast %get3A_112 : vector<4x32x32xf32> to vector<128x32xf32>
    %get3A_114 = arith.constant 0 : index
    %get3A_115 = arith.constant 0 : index
    %get3A_116 = arith.constant 8 : index
    %get3A_117 = arith.constant 0 : index
    %get3A_118 = arith.constant 0 : index
    %get3A_119 = arith.constant 0 : index
    %get3A_120 = vector.load %arg2[%get3A_114, %get3A_115, %get3A_116, %get3A_117, %get3A_118, %get3A_119] : memref<1x4x10x32x12x32xf32, #tpu.memory_space<vmem>>, vector<1x4x1x32x1x32xf32>
    %get3A_121 = vector.shape_cast %get3A_120 : vector<1x4x1x32x1x32xf32> to vector<4x32x32xf32>
    %reshape3A_122 = vector.shape_cast %get3A_121 : vector<4x32x32xf32> to vector<128x32xf32>
    %get3A_123 = arith.constant 0 : index
    %get3A_124 = arith.constant 0 : index
    %get3A_125 = arith.constant 9 : index
    %get3A_126 = arith.constant 0 : index
    %get3A_127 = arith.constant 0 : index
    %get3A_128 = arith.constant 0 : index
    %get3A_129 = vector.load %arg2[%get3A_123, %get3A_124, %get3A_125, %get3A_126, %get3A_127, %get3A_128] : memref<1x4x10x32x12x32xf32, #tpu.memory_space<vmem>>, vector<1x4x1x32x1x32xf32>
    %get3A_130 = vector.shape_cast %get3A_129 : vector<1x4x1x32x1x32xf32> to vector<4x32x32xf32>
    %reshape3A_131 = vector.shape_cast %get3A_130 : vector<4x32x32xf32> to vector<128x32xf32>
    %concatenate3A = tpu.concatenate %reshape3A, %reshape3A_59, %reshape3A_68, %reshape3A_77, %reshape3A_86, %reshape3A_95, %reshape3A_104, %reshape3A_113, %reshape3A_122, %reshape3A_131 in 1 : vector<128x32xf32>, vector<128x32xf32>, vector<128x32xf32>, vector<128x32xf32>, vector<128x32xf32>, vector<128x32xf32>, vector<128x32xf32>, vector<128x32xf32>, vector<128x32xf32>, vector<128x32xf32> -> vector<128x320xf32>
    %dot_general3A = arith.constant dense<0.000000e+00> : vector<128x320xf32>
    %dot_general3A_132 = tpu.matmul %get3A_32, %get3A_37, %dot_general3A {dimension_numbers = #tpu.dot_dimension_numbers<[1], [1], [0], [0], [0, 0, 1, 0], [], []>, transpose_lhs_hint = false} : vector<128x32xbf16>, vector<320x32xbf16>, vector<128x320xf32> -> vector<128x320xf32>
    %mul3A_133 = arith.constant 0.176776692 : f32
    %mul3A_134 = vector.broadcast %mul3A_133 : f32 to vector<128x320xf32>
    %mul3A_135 = arith.mulf %dot_general3A_132, %mul3A_134 : vector<128x320xf32>
    %add3A = arith.addf %mul3A_135, %concatenate3A : vector<128x320xf32>
    %add3A_136 = arith.addf %add3A, %select_n3A : vector<128x320xf32>
    %exp3A = math.exp %add3A_136 : vector<128x320xf32>
    %convert_element_type3A = arith.truncf %exp3A : vector<128x320xf32> to vector<128x320xbf16>
    %dot_general3A_137 = arith.constant dense<0.000000e+00> : vector<128x32xf32>
    %dot_general3A_138 = tpu.matmul %convert_element_type3A, %get3A_42, %dot_general3A_137 {dimension_numbers = #tpu.dot_dimension_numbers<[1], [0], [0], [1], [0, 0, 1, 1], [], []>, transpose_lhs_hint = false} : vector<128x320xbf16>, vector<320x32xbf16>, vector<128x32xf32> -> vector<128x32xf32>
    %reduce_sum3A = arith.constant dense<0.000000e+00> : vector<128xf32>
    %reduce_sum3A_139 = vector.multi_reduction <add>, %exp3A, %reduce_sum3A [1] : vector<128x320xf32> to vector<128xf32>
    %broadcast_in_dim3A_140 = vector.shape_cast %reduce_sum3A_139 : vector<128xf32> to vector<128x1xf32>
    %div3A = vector.broadcast %broadcast_in_dim3A_140 : vector<128x1xf32> to vector<128x32xf32>
    %div3A_141 = arith.divf %dot_general3A_138, %div3A : vector<128x32xf32>
    %swap3A = arith.constant 0 : index
    %swap3A_142 = arith.constant 0 : index
    %swap3A_143 = arith.constant 0 : index
    %swap3A_144 = vector.load %arg5[%swap3A, %swap3A_142, %swap3A_143] : memref<1x128x384xf32, #tpu.memory_space<vmem>>, vector<1x128x32xf32>
    %swap3A_145 = vector.shape_cast %swap3A_144 : vector<1x128x32xf32> to vector<128x32xf32>
    %swap3A_146 = vector.shape_cast %div3A_141 : vector<128x32xf32> to vector<1x128x32xf32>
    tpu.vector_store %arg5[%swap3A, %swap3A_142, %swap3A_143], %swap3A_146 {strides = array<i32>} : memref<1x128x384xf32, #tpu.memory_space<vmem>>, vector<1x128x32xf32>,
    %get3A_147 = arith.constant 0 : index
    %get3A_148 = arith.constant 0 : index
    %get3A_149 = arith.constant 32 : index
    %get3A_150 = vector.load %arg3[%get3A_147, %get3A_148, %get3A_149] : memref<1x128x1152xbf16, #tpu.memory_space<vmem>>, vector<1x128x32xbf16>
    %get3A_151 = vector.shape_cast %get3A_150 : vector<1x128x32xbf16> to vector<128x32xbf16>
    %get3A_152 = arith.constant 0 : index
    %get3A_153 = arith.index_cast %mul3A_4 : i32 to index
    %get3A_154 = arith.constant 416 : index
    %get3A_155 = vector.load %arg4[%get3A_152, %get3A_153, %get3A_154] : memref<1x1024x1152xbf16, #tpu.memory_space<vmem>>, vector<1x320x32xbf16>
    %get3A_156 = vector.shape_cast %get3A_155 : vector<1x320x32xbf16> to vector<320x32xbf16>
    %get3A_157 = arith.constant 0 : index
    %get3A_158 = arith.index_cast %mul3A_4 : i32 to index
    %get3A_159 = arith.constant 800 : index
    %get3A_160 = vector.load %arg4[%get3A_157, %get3A_158, %get3A_159] : memref<1x1024x1152xbf16, #tpu.memory_space<vmem>>, vector<1x320x32xbf16>
    %get3A_161 = vector.shape_cast %get3A_160 : vector<1x320x32xbf16> to vector<320x32xbf16>
    %get3A_162 = arith.constant 0 : index
    %get3A_163 = arith.constant 0 : index
    %get3A_164 = arith.constant 0 : index
    %get3A_165 = arith.constant 0 : index
    %get3A_166 = arith.constant 1 : index
    %get3A_167 = arith.constant 0 : index
    %get3A_168 = vector.load %arg2[%get3A_162, %get3A_163, %get3A_164, %get3A_165, %get3A_166, %get3A_167] : memref<1x4x10x32x12x32xf32, #tpu.memory_space<vmem>>, vector<1x4x1x32x1x32xf32>
    %get3A_169 = vector.shape_cast %get3A_168 : vector<1x4x1x32x1x32xf32> to vector<4x32x32xf32>
    %reshape3A_170 = vector.shape_cast %get3A_169 : vector<4x32x32xf32> to vector<128x32xf32>
    %get3A_171 = arith.constant 0 : index
    %get3A_172 = arith.constant 0 : index
    %get3A_173 = arith.constant 1 : index
    %get3A_174 = arith.constant 0 : index
    %get3A_175 = arith.constant 1 : index
    %get3A_176 = arith.constant 0 : index
    %get3A_177 = vector.load %arg2[%get3A_171, %get3A_172, %get3A_173, %get3A_174, %get3A_175, %get3A_176] : memref<1x4x10x32x12x32xf32, #tpu.memory_space<vmem>>, vector<1x4x1x32x1x32xf32>
    %get3A_178 = vector.shape_cast %get3A_177 : vector<1x4x1x32x1x32xf32> to vector<4x32x32xf32>
    %reshape3A_179 = vector.shape_cast %get3A_178 : vector<4x32x32xf32> to vector<128x32xf32>
    %get3A_180 = arith.constant 0 : index
    %get3A_181 = arith.constant 0 : index
    %get3A_182 = arith.constant 2 : index
    %get3A_183 = arith.constant 0 : index
    %get3A_184 = arith.constant 1 : index
    %get3A_185 = arith.constant 0 : index
    %get3A_186 = vector.load %arg2[%get3A_180, %get3A_181, %get3A_182, %get3A_183, %get3A_184, %get3A_185] : memref<1x4x10x32x12x32xf32, #tpu.memory_space<vmem>>, vector<1x4x1x32x1x32xf32>
    %get3A_187 = vector.shape_cast %get3A_186 : vector<1x4x1x32x1x32xf32> to vector<4x32x32xf32>
    %reshape3A_188 = vector.shape_cast %get3A_187 : vector<4x32x32xf32> to vector<128x32xf32>
    %get3A_189 = arith.constant 0 : index
    %get3A_190 = arith.constant 0 : index
    %get3A_191 = arith.constant 3 : index
    %get3A_192 = arith.constant 0 : index
    %get3A_193 = arith.constant 1 : index
    %get3A_194 = arith.constant 0 : index
    %get3A_195 = vector.load %arg2[%get3A_189, %get3A_190, %get3A_191, %get3A_192, %get3A_193, %get3A_194] : memref<1x4x10x32x12x32xf32, #tpu.memory_space<vmem>>, vector<1x4x1x32x1x32xf32>
    %get3A_196 = vector.shape_cast %get3A_195 : vector<1x4x1x32x1x32xf32> to vector<4x32x32xf32>
    %reshape3A_197 = vector.shape_cast %get3A_196 : vector<4x32x32xf32> to vector<128x32xf32>
    %get3A_198 = arith.constant 0 : index
    %get3A_199 = arith.constant 0 : index
    %get3A_200 = arith.constant 4 : index
    %get3A_201 = arith.constant 0 : index
    %get3A_202 = arith.constant 1 : index
    %get3A_203 = arith.constant 0 : index
    %get3A_204 = vector.load %arg2[%get3A_198, %get3A_199, %get3A_200, %get3A_201, %get3A_202, %get3A_203] : memref<1x4x10x32x12x32xf32, #tpu.memory_space<vmem>>, vector<1x4x1x32x1x32xf32>
    %get3A_205 = vector.shape_cast %get3A_204 : vector<1x4x1x32x1x32xf32> to vector<4x32x32xf32>
    %reshape3A_206 = vector.shape_cast %get3A_205 : vector<4x32x32xf32> to vector<128x32xf32>
    %get3A_207 = arith.constant 0 : index
    %get3A_208 = arith.constant 0 : index
    %get3A_209 = arith.constant 5 : index
    %get3A_210 = arith.constant 0 : index
    %get3A_211 = arith.constant 1 : index
    %get3A_212 = arith.constant 0 : index
    %get3A_213 = vector.load %arg2[%get3A_207, %get3A_208, %get3A_209, %get3A_210, %get3A_211, %get3A_212] : memref<1x4x10x32x12x32xf32, #tpu.memory_space<vmem>>, vector<1x4x1x32x1x32xf32>
    %get3A_214 = vector.shape_cast %get3A_213 : vector<1x4x1x32x1x32xf32> to vector<4x32x32xf32>
    %reshape3A_215 = vector.shape_cast %get3A_214 : vector<4x32x32xf32> to vector<128x32xf32>
    %get3A_216 = arith.constant 0 : index
    %get3A_217 = arith.constant 0 : index
    %get3A_218 = arith.constant 6 : index
    %get3A_219 = arith.constant 0 : index
    %get3A_220 = arith.constant 1 : index
    %get3A_221 = arith.constant 0 : index
    %get3A_222 = vector.load %arg2[%get3A_216, %get3A_217, %get3A_218, %get3A_219, %get3A_220, %get3A_221] : memref<1x4x10x32x12x32xf32, #tpu.memory_space<vmem>>, vector<1x4x1x32x1x32xf32>
    %get3A_223 = vector.shape_cast %get3A_222 : vector<1x4x1x32x1x32xf32> to vector<4x32x32xf32>
    %reshape3A_224 = vector.shape_cast %get3A_223 : vector<4x32x32xf32> to vector<128x32xf32>
    %get3A_225 = arith.constant 0 : index
    %get3A_226 = arith.constant 0 : index
    %get3A_227 = arith.constant 7 : index
    %get3A_228 = arith.constant 0 : index
    %get3A_229 = arith.constant 1 : index
    %get3A_230 = arith.constant 0 : index
    %get3A_231 = vector.load %arg2[%get3A_225, %get3A_226, %get3A_227, %get3A_228, %get3A_229, %get3A_230] : memref<1x4x10x32x12x32xf32, #tpu.memory_space<vmem>>, vector<1x4x1x32x1x32xf32>
    %get3A_232 = vector.shape_cast %get3A_231 : vector<1x4x1x32x1x32xf32> to vector<4x32x32xf32>
    %reshape3A_233 = vector.shape_cast %get3A_232 : vector<4x32x32xf32> to vector<128x32xf32>
    %get3A_234 = arith.constant 0 : index
    %get3A_235 = arith.constant 0 : index
    %get3A_236 = arith.constant 8 : index
    %get3A_237 = arith.constant 0 : index
    %get3A_238 = arith.constant 1 : index
    %get3A_239 = arith.constant 0 : index
    %get3A_240 = vector.load %arg2[%get3A_234, %get3A_235, %get3A_236, %get3A_237, %get3A_238, %get3A_239] : memref<1x4x10x32x12x32xf32, #tpu.memory_space<vmem>>, vector<1x4x1x32x1x32xf32>
    %get3A_241 = vector.shape_cast %get3A_240 : vector<1x4x1x32x1x32xf32> to vector<4x32x32xf32>
    %reshape3A_242 = vector.shape_cast %get3A_241 : vector<4x32x32xf32> to vector<128x32xf32>
    %get3A_243 = arith.constant 0 : index
    %get3A_244 = arith.constant 0 : index
    %get3A_245 = arith.constant 9 : index
    %get3A_246 = arith.constant 0 : index
    %get3A_247 = arith.constant 1 : index
    %get3A_248 = arith.constant 0 : index
    %get3A_249 = vector.load %arg2[%get3A_243, %get3A_244, %get3A_245, %get3A_246, %get3A_247, %get3A_248] : memref<1x4x10x32x12x32xf32, #tpu.memory_space<vmem>>, vector<1x4x1x32x1x32xf32>
    %get3A_250 = vector.shape_cast %get3A_249 : vector<1x4x1x32x1x32xf32> to vector<4x32x32xf32>
    %reshape3A_251 = vector.shape_cast %get3A_250 : vector<4x32x32xf32> to vector<128x32xf32>
    %concatenate3A_252 = tpu.concatenate %reshape3A_170, %reshape3A_179, %reshape3A_188, %reshape3A_197, %reshape3A_206, %reshape3A_215, %reshape3A_224, %reshape3A_233, %reshape3A_242, %reshape3A_251 in 1 : vector<128x32xf32>, vector<128x32xf32>, vector<128x32xf32>, vector<128x32xf32>, vector<128x32xf32>, vector<128x32xf32>, vector<128x32xf32>, vector<128x32xf32>, vector<128x32xf32>, vector<128x32xf32> -> vector<128x320xf32>
    %dot_general3A_253 = arith.constant dense<0.000000e+00> : vector<128x320xf32>
    %dot_general3A_254 = tpu.matmul %get3A_151, %get3A_156, %dot_general3A_253 {dimension_numbers = #tpu.dot_dimension_numbers<[1], [1], [0], [0], [0, 0, 1, 0], [], []>, transpose_lhs_hint = false} : vector<128x32xbf16>, vector<320x32xbf16>, vector<128x320xf32> -> vector<128x320xf32>
    %mul3A_255 = arith.constant 0.176776692 : f32
    %mul3A_256 = vector.broadcast %mul3A_255 : f32 to vector<128x320xf32>
    %mul3A_257 = arith.mulf %dot_general3A_254, %mul3A_256 : vector<128x320xf32>
    %add3A_258 = arith.addf %mul3A_257, %concatenate3A_252 : vector<128x320xf32>
    %add3A_259 = arith.addf %add3A_258, %select_n3A : vector<128x320xf32>
    %exp3A_260 = math.exp %add3A_259 : vector<128x320xf32>
    %convert_element_type3A_261 = arith.truncf %exp3A_260 : vector<128x320xf32> to vector<128x320xbf16>
    %dot_general3A_262 = arith.constant dense<0.000000e+00> : vector<128x32xf32>
    %dot_general3A_263 = tpu.matmul %convert_element_type3A_261, %get3A_161, %dot_general3A_262 {dimension_numbers = #tpu.dot_dimension_numbers<[1], [0], [0], [1], [0, 0, 1, 1], [], []>, transpose_lhs_hint = false} : vector<128x320xbf16>, vector<320x32xbf16>, vector<128x32xf32> -> vector<128x32xf32>
    %reduce_sum3A_264 = arith.constant dense<0.000000e+00> : vector<128xf32>
    %reduce_sum3A_265 = vector.multi_reduction <add>, %exp3A_260, %reduce_sum3A_264 [1] : vector<128x320xf32> to vector<128xf32>
    %broadcast_in_dim3A_266 = vector.shape_cast %reduce_sum3A_265 : vector<128xf32> to vector<128x1xf32>
    %div3A_267 = vector.broadcast %broadcast_in_dim3A_266 : vector<128x1xf32> to vector<128x32xf32>
    %div3A_268 = arith.divf %dot_general3A_263, %div3A_267 : vector<128x32xf32>
    %swap3A_269 = arith.constant 0 : index
    %swap3A_270 = arith.constant 0 : index
    %swap3A_271 = arith.constant 32 : index
    %swap3A_272 = vector.load %arg5[%swap3A_269, %swap3A_270, %swap3A_271] : memref<1x128x384xf32, #tpu.memory_space<vmem>>, vector<1x128x32xf32>
    %swap3A_273 = vector.shape_cast %swap3A_272 : vector<1x128x32xf32> to vector<128x32xf32>
    %swap3A_274 = vector.shape_cast %div3A_268 : vector<128x32xf32> to vector<1x128x32xf32>
    tpu.vector_store %arg5[%swap3A_269, %swap3A_270, %swap3A_271], %swap3A_274 {strides = array<i32>} : memref<1x128x384xf32, #tpu.memory_space<vmem>>, vector<1x128x32xf32>,
    %get3A_275 = arith.constant 0 : index
    %get3A_276 = arith.constant 0 : index
    %get3A_277 = arith.constant 64 : index
    %get3A_278 = vector.load %arg3[%get3A_275, %get3A_276, %get3A_277] : memref<1x128x1152xbf16, #tpu.memory_space<vmem>>, vector<1x128x32xbf16>
    %get3A_279 = vector.shape_cast %get3A_278 : vector<1x128x32xbf16> to vector<128x32xbf16>
    %get3A_280 = arith.constant 0 : index
    %get3A_281 = arith.index_cast %mul3A_4 : i32 to index
    %get3A_282 = arith.constant 448 : index
    %get3A_283 = vector.load %arg4[%get3A_280, %get3A_281, %get3A_282] : memref<1x1024x1152xbf16, #tpu.memory_space<vmem>>, vector<1x320x32xbf16>
    %get3A_284 = vector.shape_cast %get3A_283 : vector<1x320x32xbf16> to vector<320x32xbf16>
    %get3A_285 = arith.constant 0 : index
    %get3A_286 = arith.index_cast %mul3A_4 : i32 to index
    %get3A_287 = arith.constant 832 : index
    %get3A_288 = vector.load %arg4[%get3A_285, %get3A_286, %get3A_287] : memref<1x1024x1152xbf16, #tpu.memory_space<vmem>>, vector<1x320x32xbf16>
    %get3A_289 = vector.shape_cast %get3A_288 : vector<1x320x32xbf16> to vector<320x32xbf16>
    %get3A_290 = arith.constant 0 : index
    %get3A_291 = arith.constant 0 : index
    %get3A_292 = arith.constant 0 : index
    %get3A_293 = arith.constant 0 : index
    %get3A_294 = arith.constant 2 : index
    %get3A_295 = arith.constant 0 : index
    %get3A_296 = vector.load %arg2[%get3A_290, %get3A_291, %get3A_292, %get3A_293, %get3A_294, %get3A_295] : memref<1x4x10x32x12x32xf32, #tpu.memory_space<vmem>>, vector<1x4x1x32x1x32xf32>
    %get3A_297 = vector.shape_cast %get3A_296 : vector<1x4x1x32x1x32xf32> to vector<4x32x32xf32>
    %reshape3A_298 = vector.shape_cast %get3A_297 : vector<4x32x32xf32> to vector<128x32xf32>
    %get3A_299 = arith.constant 0 : index
    %get3A_300 = arith.constant 0 : index
    %get3A_301 = arith.constant 1 : index
    %get3A_302 = arith.constant 0 : index
    %get3A_303 = arith.constant 2 : index
    %get3A_304 = arith.constant 0 : index
    %get3A_305 = vector.load %arg2[%get3A_299, %get3A_300, %get3A_301, %get3A_302, %get3A_303, %get3A_304] : memref<1x4x10x32x12x32xf32, #tpu.memory_space<vmem>>, vector<1x4x1x32x1x32xf32>
    %get3A_306 = vector.shape_cast %get3A_305 : vector<1x4x1x32x1x32xf32> to vector<4x32x32xf32>
    %reshape3A_307 = vector.shape_cast %get3A_306 : vector<4x32x32xf32> to vector<128x32xf32>
    %get3A_308 = arith.constant 0 : index
    %get3A_309 = arith.constant 0 : index
    %get3A_310 = arith.constant 2 : index
    %get3A_311 = arith.constant 0 : index
    %get3A_312 = arith.constant 2 : index
    %get3A_313 = arith.constant 0 : index
    %get3A_314 = vector.load %arg2[%get3A_308, %get3A_309, %get3A_310, %get3A_311, %get3A_312, %get3A_313] : memref<1x4x10x32x12x32xf32, #tpu.memory_space<vmem>>, vector<1x4x1x32x1x32xf32>
    %get3A_315 = vector.shape_cast %get3A_314 : vector<1x4x1x32x1x32xf32> to vector<4x32x32xf32>
    %reshape3A_316 = vector.shape_cast %get3A_315 : vector<4x32x32xf32> to vector<128x32xf32>
    %get3A_317 = arith.constant 0 : index
    %get3A_318 = arith.constant 0 : index
    %get3A_319 = arith.constant 3 : index
    %get3A_320 = arith.constant 0 : index
    %get3A_321 = arith.constant 2 : index
    %get3A_322 = arith.constant 0 : index
    %get3A_323 = vector.load %arg2[%get3A_317, %get3A_318, %get3A_319, %get3A_320, %get3A_321, %get3A_322] : memref<1x4x10x32x12x32xf32, #tpu.memory_space<vmem>>, vector<1x4x1x32x1x32xf32>
    %get3A_324 = vector.shape_cast %get3A_323 : vector<1x4x1x32x1x32xf32> to vector<4x32x32xf32>
    %reshape3A_325 = vector.shape_cast %get3A_324 : vector<4x32x32xf32> to vector<128x32xf32>
    %get3A_326 = arith.constant 0 : index
    %get3A_327 = arith.constant 0 : index
    %get3A_328 = arith.constant 4 : index
    %get3A_329 = arith.constant 0 : index
    %get3A_330 = arith.constant 2 : index
    %get3A_331 = arith.constant 0 : index
    %get3A_332 = vector.load %arg2[%get3A_326, %get3A_327, %get3A_328, %get3A_329, %get3A_330, %get3A_331] : memref<1x4x10x32x12x32xf32, #tpu.memory_space<vmem>>, vector<1x4x1x32x1x32xf32>
    %get3A_333 = vector.shape_cast %get3A_332 : vector<1x4x1x32x1x32xf32> to vector<4x32x32xf32>
    %reshape3A_334 = vector.shape_cast %get3A_333 : vector<4x32x32xf32> to vector<128x32xf32>
    %get3A_335 = arith.constant 0 : index
    %get3A_336 = arith.constant 0 : index
    %get3A_337 = arith.constant 5 : index
    %get3A_338 = arith.constant 0 : index
    %get3A_339 = arith.constant 2 : index
    %get3A_340 = arith.constant 0 : index
    %get3A_341 = vector.load %arg2[%get3A_335, %get3A_336, %get3A_337, %get3A_338, %get3A_339, %get3A_340] : memref<1x4x10x32x12x32xf32, #tpu.memory_space<vmem>>, vector<1x4x1x32x1x32xf32>
    %get3A_342 = vector.shape_cast %get3A_341 : vector<1x4x1x32x1x32xf32> to vector<4x32x32xf32>
    %reshape3A_343 = vector.shape_cast %get3A_342 : vector<4x32x32xf32> to vector<128x32xf32>
    %get3A_344 = arith.constant 0 : index
    %get3A_345 = arith.constant 0 : index
    %get3A_346 = arith.constant 6 : index
    %get3A_347 = arith.constant 0 : index
    %get3A_348 = arith.constant 2 : index
    %get3A_349 = arith.constant 0 : index
    %get3A_350 = vector.load %arg2[%get3A_344, %get3A_345, %get3A_346, %get3A_347, %get3A_348, %get3A_349] : memref<1x4x10x32x12x32xf32, #tpu.memory_space<vmem>>, vector<1x4x1x32x1x32xf32>
    %get3A_351 = vector.shape_cast %get3A_350 : vector<1x4x1x32x1x32xf32> to vector<4x32x32xf32>
    %reshape3A_352 = vector.shape_cast %get3A_351 : vector<4x32x32xf32> to vector<128x32xf32>
    %get3A_353 = arith.constant 0 : index
    %get3A_354 = arith.constant 0 : index
    %get3A_355 = arith.constant 7 : index
    %get3A_356 = arith.constant 0 : index
    %get3A_357 = arith.constant 2 : index
    %get3A_358 = arith.constant 0 : index
    %get3A_359 = vector.load %arg2[%get3A_353, %get3A_354, %get3A_355, %get3A_356, %get3A_357, %get3A_358] : memref<1x4x10x32x12x32xf32, #tpu.memory_space<vmem>>, vector<1x4x1x32x1x32xf32>
    %get3A_360 = vector.shape_cast %get3A_359 : vector<1x4x1x32x1x32xf32> to vector<4x32x32xf32>
    %reshape3A_361 = vector.shape_cast %get3A_360 : vector<4x32x32xf32> to vector<128x32xf32>
    %get3A_362 = arith.constant 0 : index
    %get3A_363 = arith.constant 0 : index
    %get3A_364 = arith.constant 8 : index
    %get3A_365 = arith.constant 0 : index
    %get3A_366 = arith.constant 2 : index
    %get3A_367 = arith.constant 0 : index
    %get3A_368 = vector.load %arg2[%get3A_362, %get3A_363, %get3A_364, %get3A_365, %get3A_366, %get3A_367] : memref<1x4x10x32x12x32xf32, #tpu.memory_space<vmem>>, vector<1x4x1x32x1x32xf32>
    %get3A_369 = vector.shape_cast %get3A_368 : vector<1x4x1x32x1x32xf32> to vector<4x32x32xf32>
    %reshape3A_370 = vector.shape_cast %get3A_369 : vector<4x32x32xf32> to vector<128x32xf32>
    %get3A_371 = arith.constant 0 : index
    %get3A_372 = arith.constant 0 : index
    %get3A_373 = arith.constant 9 : index
    %get3A_374 = arith.constant 0 : index
    %get3A_375 = arith.constant 2 : index
    %get3A_376 = arith.constant 0 : index
    %get3A_377 = vector.load %arg2[%get3A_371, %get3A_372, %get3A_373, %get3A_374, %get3A_375, %get3A_376] : memref<1x4x10x32x12x32xf32, #tpu.memory_space<vmem>>, vector<1x4x1x32x1x32xf32>
    %get3A_378 = vector.shape_cast %get3A_377 : vector<1x4x1x32x1x32xf32> to vector<4x32x32xf32>
    %reshape3A_379 = vector.shape_cast %get3A_378 : vector<4x32x32xf32> to vector<128x32xf32>
    %concatenate3A_380 = tpu.concatenate %reshape3A_298, %reshape3A_307, %reshape3A_316, %reshape3A_325, %reshape3A_334, %reshape3A_343, %reshape3A_352, %reshape3A_361, %reshape3A_370, %reshape3A_379 in 1 : vector<128x32xf32>, vector<128x32xf32>, vector<128x32xf32>, vector<128x32xf32>, vector<128x32xf32>, vector<128x32xf32>, vector<128x32xf32>, vector<128x32xf32>, vector<128x32xf32>, vector<128x32xf32> -> vector<128x320xf32>
    %dot_general3A_381 = arith.constant dense<0.000000e+00> : vector<128x320xf32>
    %dot_general3A_382 = tpu.matmul %get3A_279, %get3A_284, %dot_general3A_381 {dimension_numbers = #tpu.dot_dimension_numbers<[1], [1], [0], [0], [0, 0, 1, 0], [], []>, transpose_lhs_hint = false} : vector<128x32xbf16>, vector<320x32xbf16>, vector<128x320xf32> -> vector<128x320xf32>
    %mul3A_383 = arith.constant 0.176776692 : f32
    %mul3A_384 = vector.broadcast %mul3A_383 : f32 to vector<128x320xf32>
    %mul3A_385 = arith.mulf %dot_general3A_382, %mul3A_384 : vector<128x320xf32>
    %add3A_386 = arith.addf %mul3A_385, %concatenate3A_380 : vector<128x320xf32>
    %add3A_387 = arith.addf %add3A_386, %select_n3A : vector<128x320xf32>
    %exp3A_388 = math.exp %add3A_387 : vector<128x320xf32>
    %convert_element_type3A_389 = arith.truncf %exp3A_388 : vector<128x320xf32> to vector<128x320xbf16>
    %dot_general3A_390 = arith.constant dense<0.000000e+00> : vector<128x32xf32>
    %dot_general3A_391 = tpu.matmul %convert_element_type3A_389, %get3A_289, %dot_general3A_390 {dimension_numbers = #tpu.dot_dimension_numbers<[1], [0], [0], [1], [0, 0, 1, 1], [], []>, transpose_lhs_hint = false} : vector<128x320xbf16>, vector<320x32xbf16>, vector<128x32xf32> -> vector<128x32xf32>
    %reduce_sum3A_392 = arith.constant dense<0.000000e+00> : vector<128xf32>
    %reduce_sum3A_393 = vector.multi_reduction <add>, %exp3A_388, %reduce_sum3A_392 [1] : vector<128x320xf32> to vector<128xf32>
    %broadcast_in_dim3A_394 = vector.shape_cast %reduce_sum3A_393 : vector<128xf32> to vector<128x1xf32>
    %div3A_395 = vector.broadcast %broadcast_in_dim3A_394 : vector<128x1xf32> to vector<128x32xf32>
    %div3A_396 = arith.divf %dot_general3A_391, %div3A_395 : vector<128x32xf32>
    %swap3A_397 = arith.constant 0 : index
    %swap3A_398 = arith.constant 0 : index
    %swap3A_399 = arith.constant 64 : index
    %swap3A_400 = vector.load %arg5[%swap3A_397, %swap3A_398, %swap3A_399] : memref<1x128x384xf32, #tpu.memory_space<vmem>>, vector<1x128x32xf32>
    %swap3A_401 = vector.shape_cast %swap3A_400 : vector<1x128x32xf32> to vector<128x32xf32>
    %swap3A_402 = vector.shape_cast %div3A_396 : vector<128x32xf32> to vector<1x128x32xf32>
    tpu.vector_store %arg5[%swap3A_397, %swap3A_398, %swap3A_399], %swap3A_402 {strides = array<i32>} : memref<1x128x384xf32, #tpu.memory_space<vmem>>, vector<1x128x32xf32>,
    %get3A_403 = arith.constant 0 : index
    %get3A_404 = arith.constant 0 : index
    %get3A_405 = arith.constant 96 : index
    %get3A_406 = vector.load %arg3[%get3A_403, %get3A_404, %get3A_405] : memref<1x128x1152xbf16, #tpu.memory_space<vmem>>, vector<1x128x32xbf16>
    %get3A_407 = vector.shape_cast %get3A_406 : vector<1x128x32xbf16> to vector<128x32xbf16>
    %get3A_408 = arith.constant 0 : index
    %get3A_409 = arith.index_cast %mul3A_4 : i32 to index
    %get3A_410 = arith.constant 480 : index
    %get3A_411 = vector.load %arg4[%get3A_408, %get3A_409, %get3A_410] : memref<1x1024x1152xbf16, #tpu.memory_space<vmem>>, vector<1x320x32xbf16>
    %get3A_412 = vector.shape_cast %get3A_411 : vector<1x320x32xbf16> to vector<320x32xbf16>
    %get3A_413 = arith.constant 0 : index
    %get3A_414 = arith.index_cast %mul3A_4 : i32 to index
    %get3A_415 = arith.constant 864 : index
    %get3A_416 = vector.load %arg4[%get3A_413, %get3A_414, %get3A_415] : memref<1x1024x1152xbf16, #tpu.memory_space<vmem>>, vector<1x320x32xbf16>
    %get3A_417 = vector.shape_cast %get3A_416 : vector<1x320x32xbf16> to vector<320x32xbf16>
    %get3A_418 = arith.constant 0 : index
    %get3A_419 = arith.constant 0 : index
    %get3A_420 = arith.constant 0 : index
    %get3A_421 = arith.constant 0 : index
    %get3A_422 = arith.constant 3 : index
    %get3A_423 = arith.constant 0 : index
    %get3A_424 = vector.load %arg2[%get3A_418, %get3A_419, %get3A_420, %get3A_421, %get3A_422, %get3A_423] : memref<1x4x10x32x12x32xf32, #tpu.memory_space<vmem>>, vector<1x4x1x32x1x32xf32>
    %get3A_425 = vector.shape_cast %get3A_424 : vector<1x4x1x32x1x32xf32> to vector<4x32x32xf32>
    %reshape3A_426 = vector.shape_cast %get3A_425 : vector<4x32x32xf32> to vector<128x32xf32>
    %get3A_427 = arith.constant 0 : index
    %get3A_428 = arith.constant 0 : index
    %get3A_429 = arith.constant 1 : index
    %get3A_430 = arith.constant 0 : index
    %get3A_431 = arith.constant 3 : index
    %get3A_432 = arith.constant 0 : index
    %get3A_433 = vector.load %arg2[%get3A_427, %get3A_428, %get3A_429, %get3A_430, %get3A_431, %get3A_432] : memref<1x4x10x32x12x32xf32, #tpu.memory_space<vmem>>, vector<1x4x1x32x1x32xf32>
    %get3A_434 = vector.shape_cast %get3A_433 : vector<1x4x1x32x1x32xf32> to vector<4x32x32xf32>
    %reshape3A_435 = vector.shape_cast %get3A_434 : vector<4x32x32xf32> to vector<128x32xf32>
    %get3A_436 = arith.constant 0 : index
    %get3A_437 = arith.constant 0 : index
    %get3A_438 = arith.constant 2 : index
    %get3A_439 = arith.constant 0 : index
    %get3A_440 = arith.constant 3 : index
    %get3A_441 = arith.constant 0 : index
    %get3A_442 = vector.load %arg2[%get3A_436, %get3A_437, %get3A_438, %get3A_439, %get3A_440, %get3A_441] : memref<1x4x10x32x12x32xf32, #tpu.memory_space<vmem>>, vector<1x4x1x32x1x32xf32>
    %get3A_443 = vector.shape_cast %get3A_442 : vector<1x4x1x32x1x32xf32> to vector<4x32x32xf32>
    %reshape3A_444 = vector.shape_cast %get3A_443 : vector<4x32x32xf32> to vector<128x32xf32>
    %get3A_445 = arith.constant 0 : index
    %get3A_446 = arith.constant 0 : index
    %get3A_447 = arith.constant 3 : index
    %get3A_448 = arith.constant 0 : index
    %get3A_449 = arith.constant 3 : index
    %get3A_450 = arith.constant 0 : index
    %get3A_451 = vector.load %arg2[%get3A_445, %get3A_446, %get3A_447, %get3A_448, %get3A_449, %get3A_450] : memref<1x4x10x32x12x32xf32, #tpu.memory_space<vmem>>, vector<1x4x1x32x1x32xf32>
    %get3A_452 = vector.shape_cast %get3A_451 : vector<1x4x1x32x1x32xf32> to vector<4x32x32xf32>
    %reshape3A_453 = vector.shape_cast %get3A_452 : vector<4x32x32xf32> to vector<128x32xf32>
    %get3A_454 = arith.constant 0 : index
    %get3A_455 = arith.constant 0 : index
    %get3A_456 = arith.constant 4 : index
    %get3A_457 = arith.constant 0 : index
    %get3A_458 = arith.constant 3 : index
    %get3A_459 = arith.constant 0 : index
    %get3A_460 = vector.load %arg2[%get3A_454, %get3A_455, %get3A_456, %get3A_457, %get3A_458, %get3A_459] : memref<1x4x10x32x12x32xf32, #tpu.memory_space<vmem>>, vector<1x4x1x32x1x32xf32>
    %get3A_461 = vector.shape_cast %get3A_460 : vector<1x4x1x32x1x32xf32> to vector<4x32x32xf32>
    %reshape3A_462 = vector.shape_cast %get3A_461 : vector<4x32x32xf32> to vector<128x32xf32>
    %get3A_463 = arith.constant 0 : index
    %get3A_464 = arith.constant 0 : index
    %get3A_465 = arith.constant 5 : index
    %get3A_466 = arith.constant 0 : index
    %get3A_467 = arith.constant 3 : index
    %get3A_468 = arith.constant 0 : index
    %get3A_469 = vector.load %arg2[%get3A_463, %get3A_464, %get3A_465, %get3A_466, %get3A_467, %get3A_468] : memref<1x4x10x32x12x32xf32, #tpu.memory_space<vmem>>, vector<1x4x1x32x1x32xf32>
    %get3A_470 = vector.shape_cast %get3A_469 : vector<1x4x1x32x1x32xf32> to vector<4x32x32xf32>
    %reshape3A_471 = vector.shape_cast %get3A_470 : vector<4x32x32xf32> to vector<128x32xf32>
    %get3A_472 = arith.constant 0 : index
    %get3A_473 = arith.constant 0 : index
    %get3A_474 = arith.constant 6 : index
    %get3A_475 = arith.constant 0 : index
    %get3A_476 = arith.constant 3 : index
    %get3A_477 = arith.constant 0 : index
    %get3A_478 = vector.load %arg2[%get3A_472, %get3A_473, %get3A_474, %get3A_475, %get3A_476, %get3A_477] : memref<1x4x10x32x12x32xf32, #tpu.memory_space<vmem>>, vector<1x4x1x32x1x32xf32>
    %get3A_479 = vector.shape_cast %get3A_478 : vector<1x4x1x32x1x32xf32> to vector<4x32x32xf32>
    %reshape3A_480 = vector.shape_cast %get3A_479 : vector<4x32x32xf32> to vector<128x32xf32>
    %get3A_481 = arith.constant 0 : index
    %get3A_482 = arith.constant 0 : index
    %get3A_483 = arith.constant 7 : index
    %get3A_484 = arith.constant 0 : index
    %get3A_485 = arith.constant 3 : index
    %get3A_486 = arith.constant 0 : index
    %get3A_487 = vector.load %arg2[%get3A_481, %get3A_482, %get3A_483, %get3A_484, %get3A_485, %get3A_486] : memref<1x4x10x32x12x32xf32, #tpu.memory_space<vmem>>, vector<1x4x1x32x1x32xf32>
    %get3A_488 = vector.shape_cast %get3A_487 : vector<1x4x1x32x1x32xf32> to vector<4x32x32xf32>
    %reshape3A_489 = vector.shape_cast %get3A_488 : vector<4x32x32xf32> to vector<128x32xf32>
    %get3A_490 = arith.constant 0 : index
    %get3A_491 = arith.constant 0 : index
    %get3A_492 = arith.constant 8 : index
    %get3A_493 = arith.constant 0 : index
    %get3A_494 = arith.constant 3 : index
    %get3A_495 = arith.constant 0 : index
    %get3A_496 = vector.load %arg2[%get3A_490, %get3A_491, %get3A_492, %get3A_493, %get3A_494, %get3A_495] : memref<1x4x10x32x12x32xf32, #tpu.memory_space<vmem>>, vector<1x4x1x32x1x32xf32>
    %get3A_497 = vector.shape_cast %get3A_496 : vector<1x4x1x32x1x32xf32> to vector<4x32x32xf32>
    %reshape3A_498 = vector.shape_cast %get3A_497 : vector<4x32x32xf32> to vector<128x32xf32>
    %get3A_499 = arith.constant 0 : index
    %get3A_500 = arith.constant 0 : index
    %get3A_501 = arith.constant 9 : index
    %get3A_502 = arith.constant 0 : index
    %get3A_503 = arith.constant 3 : index
    %get3A_504 = arith.constant 0 : index
    %get3A_505 = vector.load %arg2[%get3A_499, %get3A_500, %get3A_501, %get3A_502, %get3A_503, %get3A_504] : memref<1x4x10x32x12x32xf32, #tpu.memory_space<vmem>>, vector<1x4x1x32x1x32xf32>
    %get3A_506 = vector.shape_cast %get3A_505 : vector<1x4x1x32x1x32xf32> to vector<4x32x32xf32>
    %reshape3A_507 = vector.shape_cast %get3A_506 : vector<4x32x32xf32> to vector<128x32xf32>
    %concatenate3A_508 = tpu.concatenate %reshape3A_426, %reshape3A_435, %reshape3A_444, %reshape3A_453, %reshape3A_462, %reshape3A_471, %reshape3A_480, %reshape3A_489, %reshape3A_498, %reshape3A_507 in 1 : vector<128x32xf32>, vector<128x32xf32>, vector<128x32xf32>, vector<128x32xf32>, vector<128x32xf32>, vector<128x32xf32>, vector<128x32xf32>, vector<128x32xf32>, vector<128x32xf32>, vector<128x32xf32> -> vector<128x320xf32>
    %dot_general3A_509 = arith.constant dense<0.000000e+00> : vector<128x320xf32>
    %dot_general3A_510 = tpu.matmul %get3A_407, %get3A_412, %dot_general3A_509 {dimension_numbers = #tpu.dot_dimension_numbers<[1], [1], [0], [0], [0, 0, 1, 0], [], []>, transpose_lhs_hint = false} : vector<128x32xbf16>, vector<320x32xbf16>, vector<128x320xf32> -> vector<128x320xf32>
    %mul3A_511 = arith.constant 0.176776692 : f32
    %mul3A_512 = vector.broadcast %mul3A_511 : f32 to vector<128x320xf32>
    %mul3A_513 = arith.mulf %dot_general3A_510, %mul3A_512 : vector<128x320xf32>
    %add3A_514 = arith.addf %mul3A_513, %concatenate3A_508 : vector<128x320xf32>
    %add3A_515 = arith.addf %add3A_514, %select_n3A : vector<128x320xf32>
    %exp3A_516 = math.exp %add3A_515 : vector<128x320xf32>
    %convert_element_type3A_517 = arith.truncf %exp3A_516 : vector<128x320xf32> to vector<128x320xbf16>
    %dot_general3A_518 = arith.constant dense<0.000000e+00> : vector<128x32xf32>
    %dot_general3A_519 = tpu.matmul %convert_element_type3A_517, %get3A_417, %dot_general3A_518 {dimension_numbers = #tpu.dot_dimension_numbers<[1], [0], [0], [1], [0, 0, 1, 1], [], []>, transpose_lhs_hint = false} : vector<128x320xbf16>, vector<320x32xbf16>, vector<128x32xf32> -> vector<128x32xf32>
    %reduce_sum3A_520 = arith.constant dense<0.000000e+00> : vector<128xf32>
    %reduce_sum3A_521 = vector.multi_reduction <add>, %exp3A_516, %reduce_sum3A_520 [1] : vector<128x320xf32> to vector<128xf32>
    %broadcast_in_dim3A_522 = vector.shape_cast %reduce_sum3A_521 : vector<128xf32> to vector<128x1xf32>
    %div3A_523 = vector.broadcast %broadcast_in_dim3A_522 : vector<128x1xf32> to vector<128x32xf32>
    %div3A_524 = arith.divf %dot_general3A_519, %div3A_523 : vector<128x32xf32>
    %swap3A_525 = arith.constant 0 : index
    %swap3A_526 = arith.constant 0 : index
    %swap3A_527 = arith.constant 96 : index
    %swap3A_528 = vector.load %arg5[%swap3A_525, %swap3A_526, %swap3A_527] : memref<1x128x384xf32, #tpu.memory_space<vmem>>, vector<1x128x32xf32>
    %swap3A_529 = vector.shape_cast %swap3A_528 : vector<1x128x32xf32> to vector<128x32xf32>
    %swap3A_530 = vector.shape_cast %div3A_524 : vector<128x32xf32> to vector<1x128x32xf32>
    tpu.vector_store %arg5[%swap3A_525, %swap3A_526, %swap3A_527], %swap3A_530 {strides = array<i32>} : memref<1x128x384xf32, #tpu.memory_space<vmem>>, vector<1x128x32xf32>,
    %get3A_531 = arith.constant 0 : index
    %get3A_532 = arith.constant 0 : index
    %get3A_533 = arith.constant 128 : index
    %get3A_534 = vector.load %arg3[%get3A_531, %get3A_532, %get3A_533] : memref<1x128x1152xbf16, #tpu.memory_space<vmem>>, vector<1x128x32xbf16>
    %get3A_535 = vector.shape_cast %get3A_534 : vector<1x128x32xbf16> to vector<128x32xbf16>
    %get3A_536 = arith.constant 0 : index
    %get3A_537 = arith.index_cast %mul3A_4 : i32 to index
    %get3A_538 = arith.constant 512 : index
    %get3A_539 = vector.load %arg4[%get3A_536, %get3A_537, %get3A_538] : memref<1x1024x1152xbf16, #tpu.memory_space<vmem>>, vector<1x320x32xbf16>
    %get3A_540 = vector.shape_cast %get3A_539 : vector<1x320x32xbf16> to vector<320x32xbf16>
    %get3A_541 = arith.constant 0 : index
    %get3A_542 = arith.index_cast %mul3A_4 : i32 to index
    %get3A_543 = arith.constant 896 : index
    %get3A_544 = vector.load %arg4[%get3A_541, %get3A_542, %get3A_543] : memref<1x1024x1152xbf16, #tpu.memory_space<vmem>>, vector<1x320x32xbf16>
    %get3A_545 = vector.shape_cast %get3A_544 : vector<1x320x32xbf16> to vector<320x32xbf16>
    %get3A_546 = arith.constant 0 : index
    %get3A_547 = arith.constant 0 : index
    %get3A_548 = arith.constant 0 : index
    %get3A_549 = arith.constant 0 : index
    %get3A_550 = arith.constant 4 : index
    %get3A_551 = arith.constant 0 : index
    %get3A_552 = vector.load %arg2[%get3A_546, %get3A_547, %get3A_548, %get3A_549, %get3A_550, %get3A_551] : memref<1x4x10x32x12x32xf32, #tpu.memory_space<vmem>>, vector<1x4x1x32x1x32xf32>
    %get3A_553 = vector.shape_cast %get3A_552 : vector<1x4x1x32x1x32xf32> to vector<4x32x32xf32>
    %reshape3A_554 = vector.shape_cast %get3A_553 : vector<4x32x32xf32> to vector<128x32xf32>
    %get3A_555 = arith.constant 0 : index
    %get3A_556 = arith.constant 0 : index
    %get3A_557 = arith.constant 1 : index
    %get3A_558 = arith.constant 0 : index
    %get3A_559 = arith.constant 4 : index
    %get3A_560 = arith.constant 0 : index
    %get3A_561 = vector.load %arg2[%get3A_555, %get3A_556, %get3A_557, %get3A_558, %get3A_559, %get3A_560] : memref<1x4x10x32x12x32xf32, #tpu.memory_space<vmem>>, vector<1x4x1x32x1x32xf32>
    %get3A_562 = vector.shape_cast %get3A_561 : vector<1x4x1x32x1x32xf32> to vector<4x32x32xf32>
    %reshape3A_563 = vector.shape_cast %get3A_562 : vector<4x32x32xf32> to vector<128x32xf32>
    %get3A_564 = arith.constant 0 : index
    %get3A_565 = arith.constant 0 : index
    %get3A_566 = arith.constant 2 : index
    %get3A_567 = arith.constant 0 : index
    %get3A_568 = arith.constant 4 : index
    %get3A_569 = arith.constant 0 : index
    %get3A_570 = vector.load %arg2[%get3A_564, %get3A_565, %get3A_566, %get3A_567, %get3A_568, %get3A_569] : memref<1x4x10x32x12x32xf32, #tpu.memory_space<vmem>>, vector<1x4x1x32x1x32xf32>
    %get3A_571 = vector.shape_cast %get3A_570 : vector<1x4x1x32x1x32xf32> to vector<4x32x32xf32>
    %reshape3A_572 = vector.shape_cast %get3A_571 : vector<4x32x32xf32> to vector<128x32xf32>
    %get3A_573 = arith.constant 0 : index
    %get3A_574 = arith.constant 0 : index
    %get3A_575 = arith.constant 3 : index
    %get3A_576 = arith.constant 0 : index
    %get3A_577 = arith.constant 4 : index
    %get3A_578 = arith.constant 0 : index
    %get3A_579 = vector.load %arg2[%get3A_573, %get3A_574, %get3A_575, %get3A_576, %get3A_577, %get3A_578] : memref<1x4x10x32x12x32xf32, #tpu.memory_space<vmem>>, vector<1x4x1x32x1x32xf32>
    %get3A_580 = vector.shape_cast %get3A_579 : vector<1x4x1x32x1x32xf32> to vector<4x32x32xf32>
    %reshape3A_581 = vector.shape_cast %get3A_580 : vector<4x32x32xf32> to vector<128x32xf32>
    %get3A_582 = arith.constant 0 : index
    %get3A_583 = arith.constant 0 : index
    %get3A_584 = arith.constant 4 : index
    %get3A_585 = arith.constant 0 : index
    %get3A_586 = arith.constant 4 : index
    %get3A_587 = arith.constant 0 : index
    %get3A_588 = vector.load %arg2[%get3A_582, %get3A_583, %get3A_584, %get3A_585, %get3A_586, %get3A_587] : memref<1x4x10x32x12x32xf32, #tpu.memory_space<vmem>>, vector<1x4x1x32x1x32xf32>
    %get3A_589 = vector.shape_cast %get3A_588 : vector<1x4x1x32x1x32xf32> to vector<4x32x32xf32>
    %reshape3A_590 = vector.shape_cast %get3A_589 : vector<4x32x32xf32> to vector<128x32xf32>
    %get3A_591 = arith.constant 0 : index
    %get3A_592 = arith.constant 0 : index
    %get3A_593 = arith.constant 5 : index
    %get3A_594 = arith.constant 0 : index
    %get3A_595 = arith.constant 4 : index
    %get3A_596 = arith.constant 0 : index
    %get3A_597 = vector.load %arg2[%get3A_591, %get3A_592, %get3A_593, %get3A_594, %get3A_595, %get3A_596] : memref<1x4x10x32x12x32xf32, #tpu.memory_space<vmem>>, vector<1x4x1x32x1x32xf32>
    %get3A_598 = vector.shape_cast %get3A_597 : vector<1x4x1x32x1x32xf32> to vector<4x32x32xf32>
    %reshape3A_599 = vector.shape_cast %get3A_598 : vector<4x32x32xf32> to vector<128x32xf32>
    %get3A_600 = arith.constant 0 : index
    %get3A_601 = arith.constant 0 : index
    %get3A_602 = arith.constant 6 : index
    %get3A_603 = arith.constant 0 : index
    %get3A_604 = arith.constant 4 : index
    %get3A_605 = arith.constant 0 : index
    %get3A_606 = vector.load %arg2[%get3A_600, %get3A_601, %get3A_602, %get3A_603, %get3A_604, %get3A_605] : memref<1x4x10x32x12x32xf32, #tpu.memory_space<vmem>>, vector<1x4x1x32x1x32xf32>
    %get3A_607 = vector.shape_cast %get3A_606 : vector<1x4x1x32x1x32xf32> to vector<4x32x32xf32>
    %reshape3A_608 = vector.shape_cast %get3A_607 : vector<4x32x32xf32> to vector<128x32xf32>
    %get3A_609 = arith.constant 0 : index
    %get3A_610 = arith.constant 0 : index
    %get3A_611 = arith.constant 7 : index
    %get3A_612 = arith.constant 0 : index
    %get3A_613 = arith.constant 4 : index
    %get3A_614 = arith.constant 0 : index
    %get3A_615 = vector.load %arg2[%get3A_609, %get3A_610, %get3A_611, %get3A_612, %get3A_613, %get3A_614] : memref<1x4x10x32x12x32xf32, #tpu.memory_space<vmem>>, vector<1x4x1x32x1x32xf32>
    %get3A_616 = vector.shape_cast %get3A_615 : vector<1x4x1x32x1x32xf32> to vector<4x32x32xf32>
    %reshape3A_617 = vector.shape_cast %get3A_616 : vector<4x32x32xf32> to vector<128x32xf32>
    %get3A_618 = arith.constant 0 : index
    %get3A_619 = arith.constant 0 : index
    %get3A_620 = arith.constant 8 : index
    %get3A_621 = arith.constant 0 : index
    %get3A_622 = arith.constant 4 : index
    %get3A_623 = arith.constant 0 : index
    %get3A_624 = vector.load %arg2[%get3A_618, %get3A_619, %get3A_620, %get3A_621, %get3A_622, %get3A_623] : memref<1x4x10x32x12x32xf32, #tpu.memory_space<vmem>>, vector<1x4x1x32x1x32xf32>
    %get3A_625 = vector.shape_cast %get3A_624 : vector<1x4x1x32x1x32xf32> to vector<4x32x32xf32>
    %reshape3A_626 = vector.shape_cast %get3A_625 : vector<4x32x32xf32> to vector<128x32xf32>
    %get3A_627 = arith.constant 0 : index
    %get3A_628 = arith.constant 0 : index
    %get3A_629 = arith.constant 9 : index
    %get3A_630 = arith.constant 0 : index
    %get3A_631 = arith.constant 4 : index
    %get3A_632 = arith.constant 0 : index
    %get3A_633 = vector.load %arg2[%get3A_627, %get3A_628, %get3A_629, %get3A_630, %get3A_631, %get3A_632] : memref<1x4x10x32x12x32xf32, #tpu.memory_space<vmem>>, vector<1x4x1x32x1x32xf32>
    %get3A_634 = vector.shape_cast %get3A_633 : vector<1x4x1x32x1x32xf32> to vector<4x32x32xf32>
    %reshape3A_635 = vector.shape_cast %get3A_634 : vector<4x32x32xf32> to vector<128x32xf32>
    %concatenate3A_636 = tpu.concatenate %reshape3A_554, %reshape3A_563, %reshape3A_572, %reshape3A_581, %reshape3A_590, %reshape3A_599, %reshape3A_608, %reshape3A_617, %reshape3A_626, %reshape3A_635 in 1 : vector<128x32xf32>, vector<128x32xf32>, vector<128x32xf32>, vector<128x32xf32>, vector<128x32xf32>, vector<128x32xf32>, vector<128x32xf32>, vector<128x32xf32>, vector<128x32xf32>, vector<128x32xf32> -> vector<128x320xf32>
    %dot_general3A_637 = arith.constant dense<0.000000e+00> : vector<128x320xf32>
    %dot_general3A_638 = tpu.matmul %get3A_535, %get3A_540, %dot_general3A_637 {dimension_numbers = #tpu.dot_dimension_numbers<[1], [1], [0], [0], [0, 0, 1, 0], [], []>, transpose_lhs_hint = false} : vector<128x32xbf16>, vector<320x32xbf16>, vector<128x320xf32> -> vector<128x320xf32>
    %mul3A_639 = arith.constant 0.176776692 : f32
    %mul3A_640 = vector.broadcast %mul3A_639 : f32 to vector<128x320xf32>
    %mul3A_641 = arith.mulf %dot_general3A_638, %mul3A_640 : vector<128x320xf32>
    %add3A_642 = arith.addf %mul3A_641, %concatenate3A_636 : vector<128x320xf32>
    %add3A_643 = arith.addf %add3A_642, %select_n3A : vector<128x320xf32>
    %exp3A_644 = math.exp %add3A_643 : vector<128x320xf32>
    %convert_element_type3A_645 = arith.truncf %exp3A_644 : vector<128x320xf32> to vector<128x320xbf16>
    %dot_general3A_646 = arith.constant dense<0.000000e+00> : vector<128x32xf32>
    %dot_general3A_647 = tpu.matmul %convert_element_type3A_645, %get3A_545, %dot_general3A_646 {dimension_numbers = #tpu.dot_dimension_numbers<[1], [0], [0], [1], [0, 0, 1, 1], [], []>, transpose_lhs_hint = false} : vector<128x320xbf16>, vector<320x32xbf16>, vector<128x32xf32> -> vector<128x32xf32>
    %reduce_sum3A_648 = arith.constant dense<0.000000e+00> : vector<128xf32>
    %reduce_sum3A_649 = vector.multi_reduction <add>, %exp3A_644, %reduce_sum3A_648 [1] : vector<128x320xf32> to vector<128xf32>
    %broadcast_in_dim3A_650 = vector.shape_cast %reduce_sum3A_649 : vector<128xf32> to vector<128x1xf32>
    %div3A_651 = vector.broadcast %broadcast_in_dim3A_650 : vector<128x1xf32> to vector<128x32xf32>
    %div3A_652 = arith.divf %dot_general3A_647, %div3A_651 : vector<128x32xf32>
    %swap3A_653 = arith.constant 0 : index
    %swap3A_654 = arith.constant 0 : index
    %swap3A_655 = arith.constant 128 : index
    %swap3A_656 = vector.load %arg5[%swap3A_653, %swap3A_654, %swap3A_655] : memref<1x128x384xf32, #tpu.memory_space<vmem>>, vector<1x128x32xf32>
    %swap3A_657 = vector.shape_cast %swap3A_656 : vector<1x128x32xf32> to vector<128x32xf32>
    %swap3A_658 = vector.shape_cast %div3A_652 : vector<128x32xf32> to vector<1x128x32xf32>
    tpu.vector_store %arg5[%swap3A_653, %swap3A_654, %swap3A_655], %swap3A_658 {strides = array<i32>} : memref<1x128x384xf32, #tpu.memory_space<vmem>>, vector<1x128x32xf32>,
    %get3A_659 = arith.constant 0 : index
    %get3A_660 = arith.constant 0 : index
    %get3A_661 = arith.constant 160 : index
    %get3A_662 = vector.load %arg3[%get3A_659, %get3A_660, %get3A_661] : memref<1x128x1152xbf16, #tpu.memory_space<vmem>>, vector<1x128x32xbf16>
    %get3A_663 = vector.shape_cast %get3A_662 : vector<1x128x32xbf16> to vector<128x32xbf16>
    %get3A_664 = arith.constant 0 : index
    %get3A_665 = arith.index_cast %mul3A_4 : i32 to index
    %get3A_666 = arith.constant 544 : index
    %get3A_667 = vector.load %arg4[%get3A_664, %get3A_665, %get3A_666] : memref<1x1024x1152xbf16, #tpu.memory_space<vmem>>, vector<1x320x32xbf16>
    %get3A_668 = vector.shape_cast %get3A_667 : vector<1x320x32xbf16> to vector<320x32xbf16>
    %get3A_669 = arith.constant 0 : index
    %get3A_670 = arith.index_cast %mul3A_4 : i32 to index
    %get3A_671 = arith.constant 928 : index
    %get3A_672 = vector.load %arg4[%get3A_669, %get3A_670, %get3A_671] : memref<1x1024x1152xbf16, #tpu.memory_space<vmem>>, vector<1x320x32xbf16>
    %get3A_673 = vector.shape_cast %get3A_672 : vector<1x320x32xbf16> to vector<320x32xbf16>
    %get3A_674 = arith.constant 0 : index
    %get3A_675 = arith.constant 0 : index
    %get3A_676 = arith.constant 0 : index
    %get3A_677 = arith.constant 0 : index
    %get3A_678 = arith.constant 5 : index
    %get3A_679 = arith.constant 0 : index
    %get3A_680 = vector.load %arg2[%get3A_674, %get3A_675, %get3A_676, %get3A_677, %get3A_678, %get3A_679] : memref<1x4x10x32x12x32xf32, #tpu.memory_space<vmem>>, vector<1x4x1x32x1x32xf32>
    %get3A_681 = vector.shape_cast %get3A_680 : vector<1x4x1x32x1x32xf32> to vector<4x32x32xf32>
    %reshape3A_682 = vector.shape_cast %get3A_681 : vector<4x32x32xf32> to vector<128x32xf32>
    %get3A_683 = arith.constant 0 : index
    %get3A_684 = arith.constant 0 : index
    %get3A_685 = arith.constant 1 : index
    %get3A_686 = arith.constant 0 : index
    %get3A_687 = arith.constant 5 : index
    %get3A_688 = arith.constant 0 : index
    %get3A_689 = vector.load %arg2[%get3A_683, %get3A_684, %get3A_685, %get3A_686, %get3A_687, %get3A_688] : memref<1x4x10x32x12x32xf32, #tpu.memory_space<vmem>>, vector<1x4x1x32x1x32xf32>
    %get3A_690 = vector.shape_cast %get3A_689 : vector<1x4x1x32x1x32xf32> to vector<4x32x32xf32>
    %reshape3A_691 = vector.shape_cast %get3A_690 : vector<4x32x32xf32> to vector<128x32xf32>
    %get3A_692 = arith.constant 0 : index
    %get3A_693 = arith.constant 0 : index
    %get3A_694 = arith.constant 2 : index
    %get3A_695 = arith.constant 0 : index
    %get3A_696 = arith.constant 5 : index
    %get3A_697 = arith.constant 0 : index
    %get3A_698 = vector.load %arg2[%get3A_692, %get3A_693, %get3A_694, %get3A_695, %get3A_696, %get3A_697] : memref<1x4x10x32x12x32xf32, #tpu.memory_space<vmem>>, vector<1x4x1x32x1x32xf32>
    %get3A_699 = vector.shape_cast %get3A_698 : vector<1x4x1x32x1x32xf32> to vector<4x32x32xf32>
    %reshape3A_700 = vector.shape_cast %get3A_699 : vector<4x32x32xf32> to vector<128x32xf32>
    %get3A_701 = arith.constant 0 : index
    %get3A_702 = arith.constant 0 : index
    %get3A_703 = arith.constant 3 : index
    %get3A_704 = arith.constant 0 : index
    %get3A_705 = arith.constant 5 : index
    %get3A_706 = arith.constant 0 : index
    %get3A_707 = vector.load %arg2[%get3A_701, %get3A_702, %get3A_703, %get3A_704, %get3A_705, %get3A_706] : memref<1x4x10x32x12x32xf32, #tpu.memory_space<vmem>>, vector<1x4x1x32x1x32xf32>
    %get3A_708 = vector.shape_cast %get3A_707 : vector<1x4x1x32x1x32xf32> to vector<4x32x32xf32>
    %reshape3A_709 = vector.shape_cast %get3A_708 : vector<4x32x32xf32> to vector<128x32xf32>
    %get3A_710 = arith.constant 0 : index
    %get3A_711 = arith.constant 0 : index
    %get3A_712 = arith.constant 4 : index
    %get3A_713 = arith.constant 0 : index
    %get3A_714 = arith.constant 5 : index
    %get3A_715 = arith.constant 0 : index
    %get3A_716 = vector.load %arg2[%get3A_710, %get3A_711, %get3A_712, %get3A_713, %get3A_714, %get3A_715] : memref<1x4x10x32x12x32xf32, #tpu.memory_space<vmem>>, vector<1x4x1x32x1x32xf32>
    %get3A_717 = vector.shape_cast %get3A_716 : vector<1x4x1x32x1x32xf32> to vector<4x32x32xf32>
    %reshape3A_718 = vector.shape_cast %get3A_717 : vector<4x32x32xf32> to vector<128x32xf32>
    %get3A_719 = arith.constant 0 : index
    %get3A_720 = arith.constant 0 : index
    %get3A_721 = arith.constant 5 : index
    %get3A_722 = arith.constant 0 : index
    %get3A_723 = arith.constant 5 : index
    %get3A_724 = arith.constant 0 : index
    %get3A_725 = vector.load %arg2[%get3A_719, %get3A_720, %get3A_721, %get3A_722, %get3A_723, %get3A_724] : memref<1x4x10x32x12x32xf32, #tpu.memory_space<vmem>>, vector<1x4x1x32x1x32xf32>
    %get3A_726 = vector.shape_cast %get3A_725 : vector<1x4x1x32x1x32xf32> to vector<4x32x32xf32>
    %reshape3A_727 = vector.shape_cast %get3A_726 : vector<4x32x32xf32> to vector<128x32xf32>
    %get3A_728 = arith.constant 0 : index
    %get3A_729 = arith.constant 0 : index
    %get3A_730 = arith.constant 6 : index
    %get3A_731 = arith.constant 0 : index
    %get3A_732 = arith.constant 5 : index
    %get3A_733 = arith.constant 0 : index
    %get3A_734 = vector.load %arg2[%get3A_728, %get3A_729, %get3A_730, %get3A_731, %get3A_732, %get3A_733] : memref<1x4x10x32x12x32xf32, #tpu.memory_space<vmem>>, vector<1x4x1x32x1x32xf32>
    %get3A_735 = vector.shape_cast %get3A_734 : vector<1x4x1x32x1x32xf32> to vector<4x32x32xf32>
    %reshape3A_736 = vector.shape_cast %get3A_735 : vector<4x32x32xf32> to vector<128x32xf32>
    %get3A_737 = arith.constant 0 : index
    %get3A_738 = arith.constant 0 : index
    %get3A_739 = arith.constant 7 : index
    %get3A_740 = arith.constant 0 : index
    %get3A_741 = arith.constant 5 : index
    %get3A_742 = arith.constant 0 : index
    %get3A_743 = vector.load %arg2[%get3A_737, %get3A_738, %get3A_739, %get3A_740, %get3A_741, %get3A_742] : memref<1x4x10x32x12x32xf32, #tpu.memory_space<vmem>>, vector<1x4x1x32x1x32xf32>
    %get3A_744 = vector.shape_cast %get3A_743 : vector<1x4x1x32x1x32xf32> to vector<4x32x32xf32>
    %reshape3A_745 = vector.shape_cast %get3A_744 : vector<4x32x32xf32> to vector<128x32xf32>
    %get3A_746 = arith.constant 0 : index
    %get3A_747 = arith.constant 0 : index
    %get3A_748 = arith.constant 8 : index
    %get3A_749 = arith.constant 0 : index
    %get3A_750 = arith.constant 5 : index
    %get3A_751 = arith.constant 0 : index
    %get3A_752 = vector.load %arg2[%get3A_746, %get3A_747, %get3A_748, %get3A_749, %get3A_750, %get3A_751] : memref<1x4x10x32x12x32xf32, #tpu.memory_space<vmem>>, vector<1x4x1x32x1x32xf32>
    %get3A_753 = vector.shape_cast %get3A_752 : vector<1x4x1x32x1x32xf32> to vector<4x32x32xf32>
    %reshape3A_754 = vector.shape_cast %get3A_753 : vector<4x32x32xf32> to vector<128x32xf32>
    %get3A_755 = arith.constant 0 : index
    %get3A_756 = arith.constant 0 : index
    %get3A_757 = arith.constant 9 : index
    %get3A_758 = arith.constant 0 : index
    %get3A_759 = arith.constant 5 : index
    %get3A_760 = arith.constant 0 : index
    %get3A_761 = vector.load %arg2[%get3A_755, %get3A_756, %get3A_757, %get3A_758, %get3A_759, %get3A_760] : memref<1x4x10x32x12x32xf32, #tpu.memory_space<vmem>>, vector<1x4x1x32x1x32xf32>
    %get3A_762 = vector.shape_cast %get3A_761 : vector<1x4x1x32x1x32xf32> to vector<4x32x32xf32>
    %reshape3A_763 = vector.shape_cast %get3A_762 : vector<4x32x32xf32> to vector<128x32xf32>
    %concatenate3A_764 = tpu.concatenate %reshape3A_682, %reshape3A_691, %reshape3A_700, %reshape3A_709, %reshape3A_718, %reshape3A_727, %reshape3A_736, %reshape3A_745, %reshape3A_754, %reshape3A_763 in 1 : vector<128x32xf32>, vector<128x32xf32>, vector<128x32xf32>, vector<128x32xf32>, vector<128x32xf32>, vector<128x32xf32>, vector<128x32xf32>, vector<128x32xf32>, vector<128x32xf32>, vector<128x32xf32> -> vector<128x320xf32>
    %dot_general3A_765 = arith.constant dense<0.000000e+00> : vector<128x320xf32>
    %dot_general3A_766 = tpu.matmul %get3A_663, %get3A_668, %dot_general3A_765 {dimension_numbers = #tpu.dot_dimension_numbers<[1], [1], [0], [0], [0, 0, 1, 0], [], []>, transpose_lhs_hint = false} : vector<128x32xbf16>, vector<320x32xbf16>, vector<128x320xf32> -> vector<128x320xf32>
    %mul3A_767 = arith.constant 0.176776692 : f32
    %mul3A_768 = vector.broadcast %mul3A_767 : f32 to vector<128x320xf32>
    %mul3A_769 = arith.mulf %dot_general3A_766, %mul3A_768 : vector<128x320xf32>
    %add3A_770 = arith.addf %mul3A_769, %concatenate3A_764 : vector<128x320xf32>
    %add3A_771 = arith.addf %add3A_770, %select_n3A : vector<128x320xf32>
    %exp3A_772 = math.exp %add3A_771 : vector<128x320xf32>
    %convert_element_type3A_773 = arith.truncf %exp3A_772 : vector<128x320xf32> to vector<128x320xbf16>
    %dot_general3A_774 = arith.constant dense<0.000000e+00> : vector<128x32xf32>
    %dot_general3A_775 = tpu.matmul %convert_element_type3A_773, %get3A_673, %dot_general3A_774 {dimension_numbers = #tpu.dot_dimension_numbers<[1], [0], [0], [1], [0, 0, 1, 1], [], []>, transpose_lhs_hint = false} : vector<128x320xbf16>, vector<320x32xbf16>, vector<128x32xf32> -> vector<128x32xf32>
    %reduce_sum3A_776 = arith.constant dense<0.000000e+00> : vector<128xf32>
    %reduce_sum3A_777 = vector.multi_reduction <add>, %exp3A_772, %reduce_sum3A_776 [1] : vector<128x320xf32> to vector<128xf32>
    %broadcast_in_dim3A_778 = vector.shape_cast %reduce_sum3A_777 : vector<128xf32> to vector<128x1xf32>
    %div3A_779 = vector.broadcast %broadcast_in_dim3A_778 : vector<128x1xf32> to vector<128x32xf32>
    %div3A_780 = arith.divf %dot_general3A_775, %div3A_779 : vector<128x32xf32>
    %swap3A_781 = arith.constant 0 : index
    %swap3A_782 = arith.constant 0 : index
    %swap3A_783 = arith.constant 160 : index
    %swap3A_784 = vector.load %arg5[%swap3A_781, %swap3A_782, %swap3A_783] : memref<1x128x384xf32, #tpu.memory_space<vmem>>, vector<1x128x32xf32>
    %swap3A_785 = vector.shape_cast %swap3A_784 : vector<1x128x32xf32> to vector<128x32xf32>
    %swap3A_786 = vector.shape_cast %div3A_780 : vector<128x32xf32> to vector<1x128x32xf32>
    tpu.vector_store %arg5[%swap3A_781, %swap3A_782, %swap3A_783], %swap3A_786 {strides = array<i32>} : memref<1x128x384xf32, #tpu.memory_space<vmem>>, vector<1x128x32xf32>,
    %get3A_787 = arith.constant 0 : index
    %get3A_788 = arith.constant 0 : index
    %get3A_789 = arith.constant 192 : index
    %get3A_790 = vector.load %arg3[%get3A_787, %get3A_788, %get3A_789] : memref<1x128x1152xbf16, #tpu.memory_space<vmem>>, vector<1x128x32xbf16>
    %get3A_791 = vector.shape_cast %get3A_790 : vector<1x128x32xbf16> to vector<128x32xbf16>
    %get3A_792 = arith.constant 0 : index
    %get3A_793 = arith.index_cast %mul3A_4 : i32 to index
    %get3A_794 = arith.constant 576 : index
    %get3A_795 = vector.load %arg4[%get3A_792, %get3A_793, %get3A_794] : memref<1x1024x1152xbf16, #tpu.memory_space<vmem>>, vector<1x320x32xbf16>
    %get3A_796 = vector.shape_cast %get3A_795 : vector<1x320x32xbf16> to vector<320x32xbf16>
    %get3A_797 = arith.constant 0 : index
    %get3A_798 = arith.index_cast %mul3A_4 : i32 to index
    %get3A_799 = arith.constant 960 : index
    %get3A_800 = vector.load %arg4[%get3A_797, %get3A_798, %get3A_799] : memref<1x1024x1152xbf16, #tpu.memory_space<vmem>>, vector<1x320x32xbf16>
    %get3A_801 = vector.shape_cast %get3A_800 : vector<1x320x32xbf16> to vector<320x32xbf16>
    %get3A_802 = arith.constant 0 : index
    %get3A_803 = arith.constant 0 : index
    %get3A_804 = arith.constant 0 : index
    %get3A_805 = arith.constant 0 : index
    %get3A_806 = arith.constant 6 : index
    %get3A_807 = arith.constant 0 : index
    %get3A_808 = vector.load %arg2[%get3A_802, %get3A_803, %get3A_804, %get3A_805, %get3A_806, %get3A_807] : memref<1x4x10x32x12x32xf32, #tpu.memory_space<vmem>>, vector<1x4x1x32x1x32xf32>
    %get3A_809 = vector.shape_cast %get3A_808 : vector<1x4x1x32x1x32xf32> to vector<4x32x32xf32>
    %reshape3A_810 = vector.shape_cast %get3A_809 : vector<4x32x32xf32> to vector<128x32xf32>
    %get3A_811 = arith.constant 0 : index
    %get3A_812 = arith.constant 0 : index
    %get3A_813 = arith.constant 1 : index
    %get3A_814 = arith.constant 0 : index
    %get3A_815 = arith.constant 6 : index
    %get3A_816 = arith.constant 0 : index
    %get3A_817 = vector.load %arg2[%get3A_811, %get3A_812, %get3A_813, %get3A_814, %get3A_815, %get3A_816] : memref<1x4x10x32x12x32xf32, #tpu.memory_space<vmem>>, vector<1x4x1x32x1x32xf32>
    %get3A_818 = vector.shape_cast %get3A_817 : vector<1x4x1x32x1x32xf32> to vector<4x32x32xf32>
    %reshape3A_819 = vector.shape_cast %get3A_818 : vector<4x32x32xf32> to vector<128x32xf32>
    %get3A_820 = arith.constant 0 : index
    %get3A_821 = arith.constant 0 : index
    %get3A_822 = arith.constant 2 : index
    %get3A_823 = arith.constant 0 : index
    %get3A_824 = arith.constant 6 : index
    %get3A_825 = arith.constant 0 : index
    %get3A_826 = vector.load %arg2[%get3A_820, %get3A_821, %get3A_822, %get3A_823, %get3A_824, %get3A_825] : memref<1x4x10x32x12x32xf32, #tpu.memory_space<vmem>>, vector<1x4x1x32x1x32xf32>
    %get3A_827 = vector.shape_cast %get3A_826 : vector<1x4x1x32x1x32xf32> to vector<4x32x32xf32>
    %reshape3A_828 = vector.shape_cast %get3A_827 : vector<4x32x32xf32> to vector<128x32xf32>
    %get3A_829 = arith.constant 0 : index
    %get3A_830 = arith.constant 0 : index
    %get3A_831 = arith.constant 3 : index
    %get3A_832 = arith.constant 0 : index
    %get3A_833 = arith.constant 6 : index
    %get3A_834 = arith.constant 0 : index
    %get3A_835 = vector.load %arg2[%get3A_829, %get3A_830, %get3A_831, %get3A_832, %get3A_833, %get3A_834] : memref<1x4x10x32x12x32xf32, #tpu.memory_space<vmem>>, vector<1x4x1x32x1x32xf32>
    %get3A_836 = vector.shape_cast %get3A_835 : vector<1x4x1x32x1x32xf32> to vector<4x32x32xf32>
    %reshape3A_837 = vector.shape_cast %get3A_836 : vector<4x32x32xf32> to vector<128x32xf32>
    %get3A_838 = arith.constant 0 : index
    %get3A_839 = arith.constant 0 : index
    %get3A_840 = arith.constant 4 : index
    %get3A_841 = arith.constant 0 : index
    %get3A_842 = arith.constant 6 : index
    %get3A_843 = arith.constant 0 : index
    %get3A_844 = vector.load %arg2[%get3A_838, %get3A_839, %get3A_840, %get3A_841, %get3A_842, %get3A_843] : memref<1x4x10x32x12x32xf32, #tpu.memory_space<vmem>>, vector<1x4x1x32x1x32xf32>
    %get3A_845 = vector.shape_cast %get3A_844 : vector<1x4x1x32x1x32xf32> to vector<4x32x32xf32>
    %reshape3A_846 = vector.shape_cast %get3A_845 : vector<4x32x32xf32> to vector<128x32xf32>
    %get3A_847 = arith.constant 0 : index
    %get3A_848 = arith.constant 0 : index
    %get3A_849 = arith.constant 5 : index
    %get3A_850 = arith.constant 0 : index
    %get3A_851 = arith.constant 6 : index
    %get3A_852 = arith.constant 0 : index
    %get3A_853 = vector.load %arg2[%get3A_847, %get3A_848, %get3A_849, %get3A_850, %get3A_851, %get3A_852] : memref<1x4x10x32x12x32xf32, #tpu.memory_space<vmem>>, vector<1x4x1x32x1x32xf32>
    %get3A_854 = vector.shape_cast %get3A_853 : vector<1x4x1x32x1x32xf32> to vector<4x32x32xf32>
    %reshape3A_855 = vector.shape_cast %get3A_854 : vector<4x32x32xf32> to vector<128x32xf32>
    %get3A_856 = arith.constant 0 : index
    %get3A_857 = arith.constant 0 : index
    %get3A_858 = arith.constant 6 : index
    %get3A_859 = arith.constant 0 : index
    %get3A_860 = arith.constant 6 : index
    %get3A_861 = arith.constant 0 : index
    %get3A_862 = vector.load %arg2[%get3A_856, %get3A_857, %get3A_858, %get3A_859, %get3A_860, %get3A_861] : memref<1x4x10x32x12x32xf32, #tpu.memory_space<vmem>>, vector<1x4x1x32x1x32xf32>
    %get3A_863 = vector.shape_cast %get3A_862 : vector<1x4x1x32x1x32xf32> to vector<4x32x32xf32>
    %reshape3A_864 = vector.shape_cast %get3A_863 : vector<4x32x32xf32> to vector<128x32xf32>
    %get3A_865 = arith.constant 0 : index
    %get3A_866 = arith.constant 0 : index
    %get3A_867 = arith.constant 7 : index
    %get3A_868 = arith.constant 0 : index
    %get3A_869 = arith.constant 6 : index
    %get3A_870 = arith.constant 0 : index
    %get3A_871 = vector.load %arg2[%get3A_865, %get3A_866, %get3A_867, %get3A_868, %get3A_869, %get3A_870] : memref<1x4x10x32x12x32xf32, #tpu.memory_space<vmem>>, vector<1x4x1x32x1x32xf32>
    %get3A_872 = vector.shape_cast %get3A_871 : vector<1x4x1x32x1x32xf32> to vector<4x32x32xf32>
    %reshape3A_873 = vector.shape_cast %get3A_872 : vector<4x32x32xf32> to vector<128x32xf32>
    %get3A_874 = arith.constant 0 : index
    %get3A_875 = arith.constant 0 : index
    %get3A_876 = arith.constant 8 : index
    %get3A_877 = arith.constant 0 : index
    %get3A_878 = arith.constant 6 : index
    %get3A_879 = arith.constant 0 : index
    %get3A_880 = vector.load %arg2[%get3A_874, %get3A_875, %get3A_876, %get3A_877, %get3A_878, %get3A_879] : memref<1x4x10x32x12x32xf32, #tpu.memory_space<vmem>>, vector<1x4x1x32x1x32xf32>
    %get3A_881 = vector.shape_cast %get3A_880 : vector<1x4x1x32x1x32xf32> to vector<4x32x32xf32>
    %reshape3A_882 = vector.shape_cast %get3A_881 : vector<4x32x32xf32> to vector<128x32xf32>
    %get3A_883 = arith.constant 0 : index
    %get3A_884 = arith.constant 0 : index
    %get3A_885 = arith.constant 9 : index
    %get3A_886 = arith.constant 0 : index
    %get3A_887 = arith.constant 6 : index
    %get3A_888 = arith.constant 0 : index
    %get3A_889 = vector.load %arg2[%get3A_883, %get3A_884, %get3A_885, %get3A_886, %get3A_887, %get3A_888] : memref<1x4x10x32x12x32xf32, #tpu.memory_space<vmem>>, vector<1x4x1x32x1x32xf32>
    %get3A_890 = vector.shape_cast %get3A_889 : vector<1x4x1x32x1x32xf32> to vector<4x32x32xf32>
    %reshape3A_891 = vector.shape_cast %get3A_890 : vector<4x32x32xf32> to vector<128x32xf32>
    %concatenate3A_892 = tpu.concatenate %reshape3A_810, %reshape3A_819, %reshape3A_828, %reshape3A_837, %reshape3A_846, %reshape3A_855, %reshape3A_864, %reshape3A_873, %reshape3A_882, %reshape3A_891 in 1 : vector<128x32xf32>, vector<128x32xf32>, vector<128x32xf32>, vector<128x32xf32>, vector<128x32xf32>, vector<128x32xf32>, vector<128x32xf32>, vector<128x32xf32>, vector<128x32xf32>, vector<128x32xf32> -> vector<128x320xf32>
    %dot_general3A_893 = arith.constant dense<0.000000e+00> : vector<128x320xf32>
    %dot_general3A_894 = tpu.matmul %get3A_791, %get3A_796, %dot_general3A_893 {dimension_numbers = #tpu.dot_dimension_numbers<[1], [1], [0], [0], [0, 0, 1, 0], [], []>, transpose_lhs_hint = false} : vector<128x32xbf16>, vector<320x32xbf16>, vector<128x320xf32> -> vector<128x320xf32>
    %mul3A_895 = arith.constant 0.176776692 : f32
    %mul3A_896 = vector.broadcast %mul3A_895 : f32 to vector<128x320xf32>
    %mul3A_897 = arith.mulf %dot_general3A_894, %mul3A_896 : vector<128x320xf32>
    %add3A_898 = arith.addf %mul3A_897, %concatenate3A_892 : vector<128x320xf32>
    %add3A_899 = arith.addf %add3A_898, %select_n3A : vector<128x320xf32>
    %exp3A_900 = math.exp %add3A_899 : vector<128x320xf32>
    %convert_element_type3A_901 = arith.truncf %exp3A_900 : vector<128x320xf32> to vector<128x320xbf16>
    %dot_general3A_902 = arith.constant dense<0.000000e+00> : vector<128x32xf32>
    %dot_general3A_903 = tpu.matmul %convert_element_type3A_901, %get3A_801, %dot_general3A_902 {dimension_numbers = #tpu.dot_dimension_numbers<[1], [0], [0], [1], [0, 0, 1, 1], [], []>, transpose_lhs_hint = false} : vector<128x320xbf16>, vector<320x32xbf16>, vector<128x32xf32> -> vector<128x32xf32>
    %reduce_sum3A_904 = arith.constant dense<0.000000e+00> : vector<128xf32>
    %reduce_sum3A_905 = vector.multi_reduction <add>, %exp3A_900, %reduce_sum3A_904 [1] : vector<128x320xf32> to vector<128xf32>
    %broadcast_in_dim3A_906 = vector.shape_cast %reduce_sum3A_905 : vector<128xf32> to vector<128x1xf32>
    %div3A_907 = vector.broadcast %broadcast_in_dim3A_906 : vector<128x1xf32> to vector<128x32xf32>
    %div3A_908 = arith.divf %dot_general3A_903, %div3A_907 : vector<128x32xf32>
    %swap3A_909 = arith.constant 0 : index
    %swap3A_910 = arith.constant 0 : index
    %swap3A_911 = arith.constant 192 : index
    %swap3A_912 = vector.load %arg5[%swap3A_909, %swap3A_910, %swap3A_911] : memref<1x128x384xf32, #tpu.memory_space<vmem>>, vector<1x128x32xf32>
    %swap3A_913 = vector.shape_cast %swap3A_912 : vector<1x128x32xf32> to vector<128x32xf32>
    %swap3A_914 = vector.shape_cast %div3A_908 : vector<128x32xf32> to vector<1x128x32xf32>
    tpu.vector_store %arg5[%swap3A_909, %swap3A_910, %swap3A_911], %swap3A_914 {strides = array<i32>} : memref<1x128x384xf32, #tpu.memory_space<vmem>>, vector<1x128x32xf32>,
    %get3A_915 = arith.constant 0 : index
    %get3A_916 = arith.constant 0 : index
    %get3A_917 = arith.constant 224 : index
    %get3A_918 = vector.load %arg3[%get3A_915, %get3A_916, %get3A_917] : memref<1x128x1152xbf16, #tpu.memory_space<vmem>>, vector<1x128x32xbf16>
    %get3A_919 = vector.shape_cast %get3A_918 : vector<1x128x32xbf16> to vector<128x32xbf16>
    %get3A_920 = arith.constant 0 : index
    %get3A_921 = arith.index_cast %mul3A_4 : i32 to index
    %get3A_922 = arith.constant 608 : index
    %get3A_923 = vector.load %arg4[%get3A_920, %get3A_921, %get3A_922] : memref<1x1024x1152xbf16, #tpu.memory_space<vmem>>, vector<1x320x32xbf16>
    %get3A_924 = vector.shape_cast %get3A_923 : vector<1x320x32xbf16> to vector<320x32xbf16>
    %get3A_925 = arith.constant 0 : index
    %get3A_926 = arith.index_cast %mul3A_4 : i32 to index
    %get3A_927 = arith.constant 992 : index
    %get3A_928 = vector.load %arg4[%get3A_925, %get3A_926, %get3A_927] : memref<1x1024x1152xbf16, #tpu.memory_space<vmem>>, vector<1x320x32xbf16>
    %get3A_929 = vector.shape_cast %get3A_928 : vector<1x320x32xbf16> to vector<320x32xbf16>
    %get3A_930 = arith.constant 0 : index
    %get3A_931 = arith.constant 0 : index
    %get3A_932 = arith.constant 0 : index
    %get3A_933 = arith.constant 0 : index
    %get3A_934 = arith.constant 7 : index
    %get3A_935 = arith.constant 0 : index
    %get3A_936 = vector.load %arg2[%get3A_930, %get3A_931, %get3A_932, %get3A_933, %get3A_934, %get3A_935] : memref<1x4x10x32x12x32xf32, #tpu.memory_space<vmem>>, vector<1x4x1x32x1x32xf32>
    %get3A_937 = vector.shape_cast %get3A_936 : vector<1x4x1x32x1x32xf32> to vector<4x32x32xf32>
    %reshape3A_938 = vector.shape_cast %get3A_937 : vector<4x32x32xf32> to vector<128x32xf32>
    %get3A_939 = arith.constant 0 : index
    %get3A_940 = arith.constant 0 : index
    %get3A_941 = arith.constant 1 : index
    %get3A_942 = arith.constant 0 : index
    %get3A_943 = arith.constant 7 : index
    %get3A_944 = arith.constant 0 : index
    %get3A_945 = vector.load %arg2[%get3A_939, %get3A_940, %get3A_941, %get3A_942, %get3A_943, %get3A_944] : memref<1x4x10x32x12x32xf32, #tpu.memory_space<vmem>>, vector<1x4x1x32x1x32xf32>
    %get3A_946 = vector.shape_cast %get3A_945 : vector<1x4x1x32x1x32xf32> to vector<4x32x32xf32>
    %reshape3A_947 = vector.shape_cast %get3A_946 : vector<4x32x32xf32> to vector<128x32xf32>
    %get3A_948 = arith.constant 0 : index
    %get3A_949 = arith.constant 0 : index
    %get3A_950 = arith.constant 2 : index
    %get3A_951 = arith.constant 0 : index
    %get3A_952 = arith.constant 7 : index
    %get3A_953 = arith.constant 0 : index
    %get3A_954 = vector.load %arg2[%get3A_948, %get3A_949, %get3A_950, %get3A_951, %get3A_952, %get3A_953] : memref<1x4x10x32x12x32xf32, #tpu.memory_space<vmem>>, vector<1x4x1x32x1x32xf32>
    %get3A_955 = vector.shape_cast %get3A_954 : vector<1x4x1x32x1x32xf32> to vector<4x32x32xf32>
    %reshape3A_956 = vector.shape_cast %get3A_955 : vector<4x32x32xf32> to vector<128x32xf32>
    %get3A_957 = arith.constant 0 : index
    %get3A_958 = arith.constant 0 : index
    %get3A_959 = arith.constant 3 : index
    %get3A_960 = arith.constant 0 : index
    %get3A_961 = arith.constant 7 : index
    %get3A_962 = arith.constant 0 : index
    %get3A_963 = vector.load %arg2[%get3A_957, %get3A_958, %get3A_959, %get3A_960, %get3A_961, %get3A_962] : memref<1x4x10x32x12x32xf32, #tpu.memory_space<vmem>>, vector<1x4x1x32x1x32xf32>
    %get3A_964 = vector.shape_cast %get3A_963 : vector<1x4x1x32x1x32xf32> to vector<4x32x32xf32>
    %reshape3A_965 = vector.shape_cast %get3A_964 : vector<4x32x32xf32> to vector<128x32xf32>
    %get3A_966 = arith.constant 0 : index
    %get3A_967 = arith.constant 0 : index
    %get3A_968 = arith.constant 4 : index
    %get3A_969 = arith.constant 0 : index
    %get3A_970 = arith.constant 7 : index
    %get3A_971 = arith.constant 0 : index
    %get3A_972 = vector.load %arg2[%get3A_966, %get3A_967, %get3A_968, %get3A_969, %get3A_970, %get3A_971] : memref<1x4x10x32x12x32xf32, #tpu.memory_space<vmem>>, vector<1x4x1x32x1x32xf32>
    %get3A_973 = vector.shape_cast %get3A_972 : vector<1x4x1x32x1x32xf32> to vector<4x32x32xf32>
    %reshape3A_974 = vector.shape_cast %get3A_973 : vector<4x32x32xf32> to vector<128x32xf32>
    %get3A_975 = arith.constant 0 : index
    %get3A_976 = arith.constant 0 : index
    %get3A_977 = arith.constant 5 : index
    %get3A_978 = arith.constant 0 : index
    %get3A_979 = arith.constant 7 : index
    %get3A_980 = arith.constant 0 : index
    %get3A_981 = vector.load %arg2[%get3A_975, %get3A_976, %get3A_977, %get3A_978, %get3A_979, %get3A_980] : memref<1x4x10x32x12x32xf32, #tpu.memory_space<vmem>>, vector<1x4x1x32x1x32xf32>
    %get3A_982 = vector.shape_cast %get3A_981 : vector<1x4x1x32x1x32xf32> to vector<4x32x32xf32>
    %reshape3A_983 = vector.shape_cast %get3A_982 : vector<4x32x32xf32> to vector<128x32xf32>
    %get3A_984 = arith.constant 0 : index
    %get3A_985 = arith.constant 0 : index
    %get3A_986 = arith.constant 6 : index
    %get3A_987 = arith.constant 0 : index
    %get3A_988 = arith.constant 7 : index
    %get3A_989 = arith.constant 0 : index
    %get3A_990 = vector.load %arg2[%get3A_984, %get3A_985, %get3A_986, %get3A_987, %get3A_988, %get3A_989] : memref<1x4x10x32x12x32xf32, #tpu.memory_space<vmem>>, vector<1x4x1x32x1x32xf32>
    %get3A_991 = vector.shape_cast %get3A_990 : vector<1x4x1x32x1x32xf32> to vector<4x32x32xf32>
    %reshape3A_992 = vector.shape_cast %get3A_991 : vector<4x32x32xf32> to vector<128x32xf32>
    %get3A_993 = arith.constant 0 : index
    %get3A_994 = arith.constant 0 : index
    %get3A_995 = arith.constant 7 : index
    %get3A_996 = arith.constant 0 : index
    %get3A_997 = arith.constant 7 : index
    %get3A_998 = arith.constant 0 : index
    %get3A_999 = vector.load %arg2[%get3A_993, %get3A_994, %get3A_995, %get3A_996, %get3A_997, %get3A_998] : memref<1x4x10x32x12x32xf32, #tpu.memory_space<vmem>>, vector<1x4x1x32x1x32xf32>
    %get3A_1000 = vector.shape_cast %get3A_999 : vector<1x4x1x32x1x32xf32> to vector<4x32x32xf32>
    %reshape3A_1001 = vector.shape_cast %get3A_1000 : vector<4x32x32xf32> to vector<128x32xf32>
    %get3A_1002 = arith.constant 0 : index
    %get3A_1003 = arith.constant 0 : index
    %get3A_1004 = arith.constant 8 : index
    %get3A_1005 = arith.constant 0 : index
    %get3A_1006 = arith.constant 7 : index
    %get3A_1007 = arith.constant 0 : index
    %get3A_1008 = vector.load %arg2[%get3A_1002, %get3A_1003, %get3A_1004, %get3A_1005, %get3A_1006, %get3A_1007] : memref<1x4x10x32x12x32xf32, #tpu.memory_space<vmem>>, vector<1x4x1x32x1x32xf32>
    %get3A_1009 = vector.shape_cast %get3A_1008 : vector<1x4x1x32x1x32xf32> to vector<4x32x32xf32>
    %reshape3A_1010 = vector.shape_cast %get3A_1009 : vector<4x32x32xf32> to vector<128x32xf32>
    %get3A_1011 = arith.constant 0 : index
    %get3A_1012 = arith.constant 0 : index
    %get3A_1013 = arith.constant 9 : index
    %get3A_1014 = arith.constant 0 : index
    %get3A_1015 = arith.constant 7 : index
    %get3A_1016 = arith.constant 0 : index
    %get3A_1017 = vector.load %arg2[%get3A_1011, %get3A_1012, %get3A_1013, %get3A_1014, %get3A_1015, %get3A_1016] : memref<1x4x10x32x12x32xf32, #tpu.memory_space<vmem>>, vector<1x4x1x32x1x32xf32>
    %get3A_1018 = vector.shape_cast %get3A_1017 : vector<1x4x1x32x1x32xf32> to vector<4x32x32xf32>
    %reshape3A_1019 = vector.shape_cast %get3A_1018 : vector<4x32x32xf32> to vector<128x32xf32>
    %concatenate3A_1020 = tpu.concatenate %reshape3A_938, %reshape3A_947, %reshape3A_956, %reshape3A_965, %reshape3A_974, %reshape3A_983, %reshape3A_992, %reshape3A_1001, %reshape3A_1010, %reshape3A_1019 in 1 : vector<128x32xf32>, vector<128x32xf32>, vector<128x32xf32>, vector<128x32xf32>, vector<128x32xf32>, vector<128x32xf32>, vector<128x32xf32>, vector<128x32xf32>, vector<128x32xf32>, vector<128x32xf32> -> vector<128x320xf32>
    %dot_general3A_1021 = arith.constant dense<0.000000e+00> : vector<128x320xf32>
    %dot_general3A_1022 = tpu.matmul %get3A_919, %get3A_924, %dot_general3A_1021 {dimension_numbers = #tpu.dot_dimension_numbers<[1], [1], [0], [0], [0, 0, 1, 0], [], []>, transpose_lhs_hint = false} : vector<128x32xbf16>, vector<320x32xbf16>, vector<128x320xf32> -> vector<128x320xf32>
    %mul3A_1023 = arith.constant 0.176776692 : f32
    %mul3A_1024 = vector.broadcast %mul3A_1023 : f32 to vector<128x320xf32>
    %mul3A_1025 = arith.mulf %dot_general3A_1022, %mul3A_1024 : vector<128x320xf32>
    %add3A_1026 = arith.addf %mul3A_1025, %concatenate3A_1020 : vector<128x320xf32>
    %add3A_1027 = arith.addf %add3A_1026, %select_n3A : vector<128x320xf32>
    %exp3A_1028 = math.exp %add3A_1027 : vector<128x320xf32>
    %convert_element_type3A_1029 = arith.truncf %exp3A_1028 : vector<128x320xf32> to vector<128x320xbf16>
    %dot_general3A_1030 = arith.constant dense<0.000000e+00> : vector<128x32xf32>
    %dot_general3A_1031 = tpu.matmul %convert_element_type3A_1029, %get3A_929, %dot_general3A_1030 {dimension_numbers = #tpu.dot_dimension_numbers<[1], [0], [0], [1], [0, 0, 1, 1], [], []>, transpose_lhs_hint = false} : vector<128x320xbf16>, vector<320x32xbf16>, vector<128x32xf32> -> vector<128x32xf32>
    %reduce_sum3A_1032 = arith.constant dense<0.000000e+00> : vector<128xf32>
    %reduce_sum3A_1033 = vector.multi_reduction <add>, %exp3A_1028, %reduce_sum3A_1032 [1] : vector<128x320xf32> to vector<128xf32>
    %broadcast_in_dim3A_1034 = vector.shape_cast %reduce_sum3A_1033 : vector<128xf32> to vector<128x1xf32>
    %div3A_1035 = vector.broadcast %broadcast_in_dim3A_1034 : vector<128x1xf32> to vector<128x32xf32>
    %div3A_1036 = arith.divf %dot_general3A_1031, %div3A_1035 : vector<128x32xf32>
    %swap3A_1037 = arith.constant 0 : index
    %swap3A_1038 = arith.constant 0 : index
    %swap3A_1039 = arith.constant 224 : index
    %swap3A_1040 = vector.load %arg5[%swap3A_1037, %swap3A_1038, %swap3A_1039] : memref<1x128x384xf32, #tpu.memory_space<vmem>>, vector<1x128x32xf32>
    %swap3A_1041 = vector.shape_cast %swap3A_1040 : vector<1x128x32xf32> to vector<128x32xf32>
    %swap3A_1042 = vector.shape_cast %div3A_1036 : vector<128x32xf32> to vector<1x128x32xf32>
    tpu.vector_store %arg5[%swap3A_1037, %swap3A_1038, %swap3A_1039], %swap3A_1042 {strides = array<i32>} : memref<1x128x384xf32, #tpu.memory_space<vmem>>, vector<1x128x32xf32>,
    %get3A_1043 = arith.constant 0 : index
    %get3A_1044 = arith.constant 0 : index
    %get3A_1045 = arith.constant 256 : index
    %get3A_1046 = vector.load %arg3[%get3A_1043, %get3A_1044, %get3A_1045] : memref<1x128x1152xbf16, #tpu.memory_space<vmem>>, vector<1x128x32xbf16>
    %get3A_1047 = vector.shape_cast %get3A_1046 : vector<1x128x32xbf16> to vector<128x32xbf16>
    %get3A_1048 = arith.constant 0 : index
    %get3A_1049 = arith.index_cast %mul3A_4 : i32 to index
    %get3A_1050 = arith.constant 640 : index
    %get3A_1051 = vector.load %arg4[%get3A_1048, %get3A_1049, %get3A_1050] : memref<1x1024x1152xbf16, #tpu.memory_space<vmem>>, vector<1x320x32xbf16>
    %get3A_1052 = vector.shape_cast %get3A_1051 : vector<1x320x32xbf16> to vector<320x32xbf16>
    %get3A_1053 = arith.constant 0 : index
    %get3A_1054 = arith.index_cast %mul3A_4 : i32 to index
    %get3A_1055 = arith.constant 1024 : index
    %get3A_1056 = vector.load %arg4[%get3A_1053, %get3A_1054, %get3A_1055] : memref<1x1024x1152xbf16, #tpu.memory_space<vmem>>, vector<1x320x32xbf16>
    %get3A_1057 = vector.shape_cast %get3A_1056 : vector<1x320x32xbf16> to vector<320x32xbf16>
    %get3A_1058 = arith.constant 0 : index
    %get3A_1059 = arith.constant 0 : index
    %get3A_1060 = arith.constant 0 : index
    %get3A_1061 = arith.constant 0 : index
    %get3A_1062 = arith.constant 8 : index
    %get3A_1063 = arith.constant 0 : index
    %get3A_1064 = vector.load %arg2[%get3A_1058, %get3A_1059, %get3A_1060, %get3A_1061, %get3A_1062, %get3A_1063] : memref<1x4x10x32x12x32xf32, #tpu.memory_space<vmem>>, vector<1x4x1x32x1x32xf32>
    %get3A_1065 = vector.shape_cast %get3A_1064 : vector<1x4x1x32x1x32xf32> to vector<4x32x32xf32>
    %reshape3A_1066 = vector.shape_cast %get3A_1065 : vector<4x32x32xf32> to vector<128x32xf32>
    %get3A_1067 = arith.constant 0 : index
    %get3A_1068 = arith.constant 0 : index
    %get3A_1069 = arith.constant 1 : index
    %get3A_1070 = arith.constant 0 : index
    %get3A_1071 = arith.constant 8 : index
    %get3A_1072 = arith.constant 0 : index
    %get3A_1073 = vector.load %arg2[%get3A_1067, %get3A_1068, %get3A_1069, %get3A_1070, %get3A_1071, %get3A_1072] : memref<1x4x10x32x12x32xf32, #tpu.memory_space<vmem>>, vector<1x4x1x32x1x32xf32>
    %get3A_1074 = vector.shape_cast %get3A_1073 : vector<1x4x1x32x1x32xf32> to vector<4x32x32xf32>
    %reshape3A_1075 = vector.shape_cast %get3A_1074 : vector<4x32x32xf32> to vector<128x32xf32>
    %get3A_1076 = arith.constant 0 : index
    %get3A_1077 = arith.constant 0 : index
    %get3A_1078 = arith.constant 2 : index
    %get3A_1079 = arith.constant 0 : index
    %get3A_1080 = arith.constant 8 : index
    %get3A_1081 = arith.constant 0 : index
    %get3A_1082 = vector.load %arg2[%get3A_1076, %get3A_1077, %get3A_1078, %get3A_1079, %get3A_1080, %get3A_1081] : memref<1x4x10x32x12x32xf32, #tpu.memory_space<vmem>>, vector<1x4x1x32x1x32xf32>
    %get3A_1083 = vector.shape_cast %get3A_1082 : vector<1x4x1x32x1x32xf32> to vector<4x32x32xf32>
    %reshape3A_1084 = vector.shape_cast %get3A_1083 : vector<4x32x32xf32> to vector<128x32xf32>
    %get3A_1085 = arith.constant 0 : index
    %get3A_1086 = arith.constant 0 : index
    %get3A_1087 = arith.constant 3 : index
    %get3A_1088 = arith.constant 0 : index
    %get3A_1089 = arith.constant 8 : index
    %get3A_1090 = arith.constant 0 : index
    %get3A_1091 = vector.load %arg2[%get3A_1085, %get3A_1086, %get3A_1087, %get3A_1088, %get3A_1089, %get3A_1090] : memref<1x4x10x32x12x32xf32, #tpu.memory_space<vmem>>, vector<1x4x1x32x1x32xf32>
    %get3A_1092 = vector.shape_cast %get3A_1091 : vector<1x4x1x32x1x32xf32> to vector<4x32x32xf32>
    %reshape3A_1093 = vector.shape_cast %get3A_1092 : vector<4x32x32xf32> to vector<128x32xf32>
    %get3A_1094 = arith.constant 0 : index
    %get3A_1095 = arith.constant 0 : index
    %get3A_1096 = arith.constant 4 : index
    %get3A_1097 = arith.constant 0 : index
    %get3A_1098 = arith.constant 8 : index
    %get3A_1099 = arith.constant 0 : index
    %get3A_1100 = vector.load %arg2[%get3A_1094, %get3A_1095, %get3A_1096, %get3A_1097, %get3A_1098, %get3A_1099] : memref<1x4x10x32x12x32xf32, #tpu.memory_space<vmem>>, vector<1x4x1x32x1x32xf32>
    %get3A_1101 = vector.shape_cast %get3A_1100 : vector<1x4x1x32x1x32xf32> to vector<4x32x32xf32>
    %reshape3A_1102 = vector.shape_cast %get3A_1101 : vector<4x32x32xf32> to vector<128x32xf32>
    %get3A_1103 = arith.constant 0 : index
    %get3A_1104 = arith.constant 0 : index
    %get3A_1105 = arith.constant 5 : index
    %get3A_1106 = arith.constant 0 : index
    %get3A_1107 = arith.constant 8 : index
    %get3A_1108 = arith.constant 0 : index
    %get3A_1109 = vector.load %arg2[%get3A_1103, %get3A_1104, %get3A_1105, %get3A_1106, %get3A_1107, %get3A_1108] : memref<1x4x10x32x12x32xf32, #tpu.memory_space<vmem>>, vector<1x4x1x32x1x32xf32>
    %get3A_1110 = vector.shape_cast %get3A_1109 : vector<1x4x1x32x1x32xf32> to vector<4x32x32xf32>
    %reshape3A_1111 = vector.shape_cast %get3A_1110 : vector<4x32x32xf32> to vector<128x32xf32>
    %get3A_1112 = arith.constant 0 : index
    %get3A_1113 = arith.constant 0 : index
    %get3A_1114 = arith.constant 6 : index
    %get3A_1115 = arith.constant 0 : index
    %get3A_1116 = arith.constant 8 : index
    %get3A_1117 = arith.constant 0 : index
    %get3A_1118 = vector.load %arg2[%get3A_1112, %get3A_1113, %get3A_1114, %get3A_1115, %get3A_1116, %get3A_1117] : memref<1x4x10x32x12x32xf32, #tpu.memory_space<vmem>>, vector<1x4x1x32x1x32xf32>
    %get3A_1119 = vector.shape_cast %get3A_1118 : vector<1x4x1x32x1x32xf32> to vector<4x32x32xf32>
    %reshape3A_1120 = vector.shape_cast %get3A_1119 : vector<4x32x32xf32> to vector<128x32xf32>
    %get3A_1121 = arith.constant 0 : index
    %get3A_1122 = arith.constant 0 : index
    %get3A_1123 = arith.constant 7 : index
    %get3A_1124 = arith.constant 0 : index
    %get3A_1125 = arith.constant 8 : index
    %get3A_1126 = arith.constant 0 : index
    %get3A_1127 = vector.load %arg2[%get3A_1121, %get3A_1122, %get3A_1123, %get3A_1124, %get3A_1125, %get3A_1126] : memref<1x4x10x32x12x32xf32, #tpu.memory_space<vmem>>, vector<1x4x1x32x1x32xf32>
    %get3A_1128 = vector.shape_cast %get3A_1127 : vector<1x4x1x32x1x32xf32> to vector<4x32x32xf32>
    %reshape3A_1129 = vector.shape_cast %get3A_1128 : vector<4x32x32xf32> to vector<128x32xf32>
    %get3A_1130 = arith.constant 0 : index
    %get3A_1131 = arith.constant 0 : index
    %get3A_1132 = arith.constant 8 : index
    %get3A_1133 = arith.constant 0 : index
    %get3A_1134 = arith.constant 8 : index
    %get3A_1135 = arith.constant 0 : index
    %get3A_1136 = vector.load %arg2[%get3A_1130, %get3A_1131, %get3A_1132, %get3A_1133, %get3A_1134, %get3A_1135] : memref<1x4x10x32x12x32xf32, #tpu.memory_space<vmem>>, vector<1x4x1x32x1x32xf32>
    %get3A_1137 = vector.shape_cast %get3A_1136 : vector<1x4x1x32x1x32xf32> to vector<4x32x32xf32>
    %reshape3A_1138 = vector.shape_cast %get3A_1137 : vector<4x32x32xf32> to vector<128x32xf32>
    %get3A_1139 = arith.constant 0 : index
    %get3A_1140 = arith.constant 0 : index
    %get3A_1141 = arith.constant 9 : index
    %get3A_1142 = arith.constant 0 : index
    %get3A_1143 = arith.constant 8 : index
    %get3A_1144 = arith.constant 0 : index
    %get3A_1145 = vector.load %arg2[%get3A_1139, %get3A_1140, %get3A_1141, %get3A_1142, %get3A_1143, %get3A_1144] : memref<1x4x10x32x12x32xf32, #tpu.memory_space<vmem>>, vector<1x4x1x32x1x32xf32>
    %get3A_1146 = vector.shape_cast %get3A_1145 : vector<1x4x1x32x1x32xf32> to vector<4x32x32xf32>
    %reshape3A_1147 = vector.shape_cast %get3A_1146 : vector<4x32x32xf32> to vector<128x32xf32>
    %concatenate3A_1148 = tpu.concatenate %reshape3A_1066, %reshape3A_1075, %reshape3A_1084, %reshape3A_1093, %reshape3A_1102, %reshape3A_1111, %reshape3A_1120, %reshape3A_1129, %reshape3A_1138, %reshape3A_1147 in 1 : vector<128x32xf32>, vector<128x32xf32>, vector<128x32xf32>, vector<128x32xf32>, vector<128x32xf32>, vector<128x32xf32>, vector<128x32xf32>, vector<128x32xf32>, vector<128x32xf32>, vector<128x32xf32> -> vector<128x320xf32>
    %dot_general3A_1149 = arith.constant dense<0.000000e+00> : vector<128x320xf32>
    %dot_general3A_1150 = tpu.matmul %get3A_1047, %get3A_1052, %dot_general3A_1149 {dimension_numbers = #tpu.dot_dimension_numbers<[1], [1], [0], [0], [0, 0, 1, 0], [], []>, transpose_lhs_hint = false} : vector<128x32xbf16>, vector<320x32xbf16>, vector<128x320xf32> -> vector<128x320xf32>
    %mul3A_1151 = arith.constant 0.176776692 : f32
    %mul3A_1152 = vector.broadcast %mul3A_1151 : f32 to vector<128x320xf32>
    %mul3A_1153 = arith.mulf %dot_general3A_1150, %mul3A_1152 : vector<128x320xf32>
    %add3A_1154 = arith.addf %mul3A_1153, %concatenate3A_1148 : vector<128x320xf32>
    %add3A_1155 = arith.addf %add3A_1154, %select_n3A : vector<128x320xf32>
    %exp3A_1156 = math.exp %add3A_1155 : vector<128x320xf32>
    %convert_element_type3A_1157 = arith.truncf %exp3A_1156 : vector<128x320xf32> to vector<128x320xbf16>
    %dot_general3A_1158 = arith.constant dense<0.000000e+00> : vector<128x32xf32>
    %dot_general3A_1159 = tpu.matmul %convert_element_type3A_1157, %get3A_1057, %dot_general3A_1158 {dimension_numbers = #tpu.dot_dimension_numbers<[1], [0], [0], [1], [0, 0, 1, 1], [], []>, transpose_lhs_hint = false} : vector<128x320xbf16>, vector<320x32xbf16>, vector<128x32xf32> -> vector<128x32xf32>
    %reduce_sum3A_1160 = arith.constant dense<0.000000e+00> : vector<128xf32>
    %reduce_sum3A_1161 = vector.multi_reduction <add>, %exp3A_1156, %reduce_sum3A_1160 [1] : vector<128x320xf32> to vector<128xf32>
    %broadcast_in_dim3A_1162 = vector.shape_cast %reduce_sum3A_1161 : vector<128xf32> to vector<128x1xf32>
    %div3A_1163 = vector.broadcast %broadcast_in_dim3A_1162 : vector<128x1xf32> to vector<128x32xf32>
    %div3A_1164 = arith.divf %dot_general3A_1159, %div3A_1163 : vector<128x32xf32>
    %swap3A_1165 = arith.constant 0 : index
    %swap3A_1166 = arith.constant 0 : index
    %swap3A_1167 = arith.constant 256 : index
    %swap3A_1168 = vector.load %arg5[%swap3A_1165, %swap3A_1166, %swap3A_1167] : memref<1x128x384xf32, #tpu.memory_space<vmem>>, vector<1x128x32xf32>
    %swap3A_1169 = vector.shape_cast %swap3A_1168 : vector<1x128x32xf32> to vector<128x32xf32>
    %swap3A_1170 = vector.shape_cast %div3A_1164 : vector<128x32xf32> to vector<1x128x32xf32>
    tpu.vector_store %arg5[%swap3A_1165, %swap3A_1166, %swap3A_1167], %swap3A_1170 {strides = array<i32>} : memref<1x128x384xf32, #tpu.memory_space<vmem>>, vector<1x128x32xf32>,
    %get3A_1171 = arith.constant 0 : index
    %get3A_1172 = arith.constant 0 : index
    %get3A_1173 = arith.constant 288 : index
    %get3A_1174 = vector.load %arg3[%get3A_1171, %get3A_1172, %get3A_1173] : memref<1x128x1152xbf16, #tpu.memory_space<vmem>>, vector<1x128x32xbf16>
    %get3A_1175 = vector.shape_cast %get3A_1174 : vector<1x128x32xbf16> to vector<128x32xbf16>
    %get3A_1176 = arith.constant 0 : index
    %get3A_1177 = arith.index_cast %mul3A_4 : i32 to index
    %get3A_1178 = arith.constant 672 : index
    %get3A_1179 = vector.load %arg4[%get3A_1176, %get3A_1177, %get3A_1178] : memref<1x1024x1152xbf16, #tpu.memory_space<vmem>>, vector<1x320x32xbf16>
    %get3A_1180 = vector.shape_cast %get3A_1179 : vector<1x320x32xbf16> to vector<320x32xbf16>
    %get3A_1181 = arith.constant 0 : index
    %get3A_1182 = arith.index_cast %mul3A_4 : i32 to index
    %get3A_1183 = arith.constant 1056 : index
    %get3A_1184 = vector.load %arg4[%get3A_1181, %get3A_1182, %get3A_1183] : memref<1x1024x1152xbf16, #tpu.memory_space<vmem>>, vector<1x320x32xbf16>
    %get3A_1185 = vector.shape_cast %get3A_1184 : vector<1x320x32xbf16> to vector<320x32xbf16>
    %get3A_1186 = arith.constant 0 : index
    %get3A_1187 = arith.constant 0 : index
    %get3A_1188 = arith.constant 0 : index
    %get3A_1189 = arith.constant 0 : index
    %get3A_1190 = arith.constant 9 : index
    %get3A_1191 = arith.constant 0 : index
    %get3A_1192 = vector.load %arg2[%get3A_1186, %get3A_1187, %get3A_1188, %get3A_1189, %get3A_1190, %get3A_1191] : memref<1x4x10x32x12x32xf32, #tpu.memory_space<vmem>>, vector<1x4x1x32x1x32xf32>
    %get3A_1193 = vector.shape_cast %get3A_1192 : vector<1x4x1x32x1x32xf32> to vector<4x32x32xf32>
    %reshape3A_1194 = vector.shape_cast %get3A_1193 : vector<4x32x32xf32> to vector<128x32xf32>
    %get3A_1195 = arith.constant 0 : index
    %get3A_1196 = arith.constant 0 : index
    %get3A_1197 = arith.constant 1 : index
    %get3A_1198 = arith.constant 0 : index
    %get3A_1199 = arith.constant 9 : index
    %get3A_1200 = arith.constant 0 : index
    %get3A_1201 = vector.load %arg2[%get3A_1195, %get3A_1196, %get3A_1197, %get3A_1198, %get3A_1199, %get3A_1200] : memref<1x4x10x32x12x32xf32, #tpu.memory_space<vmem>>, vector<1x4x1x32x1x32xf32>
    %get3A_1202 = vector.shape_cast %get3A_1201 : vector<1x4x1x32x1x32xf32> to vector<4x32x32xf32>
    %reshape3A_1203 = vector.shape_cast %get3A_1202 : vector<4x32x32xf32> to vector<128x32xf32>
    %get3A_1204 = arith.constant 0 : index
    %get3A_1205 = arith.constant 0 : index
    %get3A_1206 = arith.constant 2 : index
    %get3A_1207 = arith.constant 0 : index
    %get3A_1208 = arith.constant 9 : index
    %get3A_1209 = arith.constant 0 : index
    %get3A_1210 = vector.load %arg2[%get3A_1204, %get3A_1205, %get3A_1206, %get3A_1207, %get3A_1208, %get3A_1209] : memref<1x4x10x32x12x32xf32, #tpu.memory_space<vmem>>, vector<1x4x1x32x1x32xf32>
    %get3A_1211 = vector.shape_cast %get3A_1210 : vector<1x4x1x32x1x32xf32> to vector<4x32x32xf32>
    %reshape3A_1212 = vector.shape_cast %get3A_1211 : vector<4x32x32xf32> to vector<128x32xf32>
    %get3A_1213 = arith.constant 0 : index
    %get3A_1214 = arith.constant 0 : index
    %get3A_1215 = arith.constant 3 : index
    %get3A_1216 = arith.constant 0 : index
    %get3A_1217 = arith.constant 9 : index
    %get3A_1218 = arith.constant 0 : index
    %get3A_1219 = vector.load %arg2[%get3A_1213, %get3A_1214, %get3A_1215, %get3A_1216, %get3A_1217, %get3A_1218] : memref<1x4x10x32x12x32xf32, #tpu.memory_space<vmem>>, vector<1x4x1x32x1x32xf32>
    %get3A_1220 = vector.shape_cast %get3A_1219 : vector<1x4x1x32x1x32xf32> to vector<4x32x32xf32>
    %reshape3A_1221 = vector.shape_cast %get3A_1220 : vector<4x32x32xf32> to vector<128x32xf32>
    %get3A_1222 = arith.constant 0 : index
    %get3A_1223 = arith.constant 0 : index
    %get3A_1224 = arith.constant 4 : index
    %get3A_1225 = arith.constant 0 : index
    %get3A_1226 = arith.constant 9 : index
    %get3A_1227 = arith.constant 0 : index
    %get3A_1228 = vector.load %arg2[%get3A_1222, %get3A_1223, %get3A_1224, %get3A_1225, %get3A_1226, %get3A_1227] : memref<1x4x10x32x12x32xf32, #tpu.memory_space<vmem>>, vector<1x4x1x32x1x32xf32>
    %get3A_1229 = vector.shape_cast %get3A_1228 : vector<1x4x1x32x1x32xf32> to vector<4x32x32xf32>
    %reshape3A_1230 = vector.shape_cast %get3A_1229 : vector<4x32x32xf32> to vector<128x32xf32>
    %get3A_1231 = arith.constant 0 : index
    %get3A_1232 = arith.constant 0 : index
    %get3A_1233 = arith.constant 5 : index
    %get3A_1234 = arith.constant 0 : index
    %get3A_1235 = arith.constant 9 : index
    %get3A_1236 = arith.constant 0 : index
    %get3A_1237 = vector.load %arg2[%get3A_1231, %get3A_1232, %get3A_1233, %get3A_1234, %get3A_1235, %get3A_1236] : memref<1x4x10x32x12x32xf32, #tpu.memory_space<vmem>>, vector<1x4x1x32x1x32xf32>
    %get3A_1238 = vector.shape_cast %get3A_1237 : vector<1x4x1x32x1x32xf32> to vector<4x32x32xf32>
    %reshape3A_1239 = vector.shape_cast %get3A_1238 : vector<4x32x32xf32> to vector<128x32xf32>
    %get3A_1240 = arith.constant 0 : index
    %get3A_1241 = arith.constant 0 : index
    %get3A_1242 = arith.constant 6 : index
    %get3A_1243 = arith.constant 0 : index
    %get3A_1244 = arith.constant 9 : index
    %get3A_1245 = arith.constant 0 : index
    %get3A_1246 = vector.load %arg2[%get3A_1240, %get3A_1241, %get3A_1242, %get3A_1243, %get3A_1244, %get3A_1245] : memref<1x4x10x32x12x32xf32, #tpu.memory_space<vmem>>, vector<1x4x1x32x1x32xf32>
    %get3A_1247 = vector.shape_cast %get3A_1246 : vector<1x4x1x32x1x32xf32> to vector<4x32x32xf32>
    %reshape3A_1248 = vector.shape_cast %get3A_1247 : vector<4x32x32xf32> to vector<128x32xf32>
    %get3A_1249 = arith.constant 0 : index
    %get3A_1250 = arith.constant 0 : index
    %get3A_1251 = arith.constant 7 : index
    %get3A_1252 = arith.constant 0 : index
    %get3A_1253 = arith.constant 9 : index
    %get3A_1254 = arith.constant 0 : index
    %get3A_1255 = vector.load %arg2[%get3A_1249, %get3A_1250, %get3A_1251, %get3A_1252, %get3A_1253, %get3A_1254] : memref<1x4x10x32x12x32xf32, #tpu.memory_space<vmem>>, vector<1x4x1x32x1x32xf32>
    %get3A_1256 = vector.shape_cast %get3A_1255 : vector<1x4x1x32x1x32xf32> to vector<4x32x32xf32>
    %reshape3A_1257 = vector.shape_cast %get3A_1256 : vector<4x32x32xf32> to vector<128x32xf32>
    %get3A_1258 = arith.constant 0 : index
    %get3A_1259 = arith.constant 0 : index
    %get3A_1260 = arith.constant 8 : index
    %get3A_1261 = arith.constant 0 : index
    %get3A_1262 = arith.constant 9 : index
    %get3A_1263 = arith.constant 0 : index
    %get3A_1264 = vector.load %arg2[%get3A_1258, %get3A_1259, %get3A_1260, %get3A_1261, %get3A_1262, %get3A_1263] : memref<1x4x10x32x12x32xf32, #tpu.memory_space<vmem>>, vector<1x4x1x32x1x32xf32>
    %get3A_1265 = vector.shape_cast %get3A_1264 : vector<1x4x1x32x1x32xf32> to vector<4x32x32xf32>
    %reshape3A_1266 = vector.shape_cast %get3A_1265 : vector<4x32x32xf32> to vector<128x32xf32>
    %get3A_1267 = arith.constant 0 : index
    %get3A_1268 = arith.constant 0 : index
    %get3A_1269 = arith.constant 9 : index
    %get3A_1270 = arith.constant 0 : index
    %get3A_1271 = arith.constant 9 : index
    %get3A_1272 = arith.constant 0 : index
    %get3A_1273 = vector.load %arg2[%get3A_1267, %get3A_1268, %get3A_1269, %get3A_1270, %get3A_1271, %get3A_1272] : memref<1x4x10x32x12x32xf32, #tpu.memory_space<vmem>>, vector<1x4x1x32x1x32xf32>
    %get3A_1274 = vector.shape_cast %get3A_1273 : vector<1x4x1x32x1x32xf32> to vector<4x32x32xf32>
    %reshape3A_1275 = vector.shape_cast %get3A_1274 : vector<4x32x32xf32> to vector<128x32xf32>
    %concatenate3A_1276 = tpu.concatenate %reshape3A_1194, %reshape3A_1203, %reshape3A_1212, %reshape3A_1221, %reshape3A_1230, %reshape3A_1239, %reshape3A_1248, %reshape3A_1257, %reshape3A_1266, %reshape3A_1275 in 1 : vector<128x32xf32>, vector<128x32xf32>, vector<128x32xf32>, vector<128x32xf32>, vector<128x32xf32>, vector<128x32xf32>, vector<128x32xf32>, vector<128x32xf32>, vector<128x32xf32>, vector<128x32xf32> -> vector<128x320xf32>
    %dot_general3A_1277 = arith.constant dense<0.000000e+00> : vector<128x320xf32>
    %dot_general3A_1278 = tpu.matmul %get3A_1175, %get3A_1180, %dot_general3A_1277 {dimension_numbers = #tpu.dot_dimension_numbers<[1], [1], [0], [0], [0, 0, 1, 0], [], []>, transpose_lhs_hint = false} : vector<128x32xbf16>, vector<320x32xbf16>, vector<128x320xf32> -> vector<128x320xf32>
    %mul3A_1279 = arith.constant 0.176776692 : f32
    %mul3A_1280 = vector.broadcast %mul3A_1279 : f32 to vector<128x320xf32>
    %mul3A_1281 = arith.mulf %dot_general3A_1278, %mul3A_1280 : vector<128x320xf32>
    %add3A_1282 = arith.addf %mul3A_1281, %concatenate3A_1276 : vector<128x320xf32>
    %add3A_1283 = arith.addf %add3A_1282, %select_n3A : vector<128x320xf32>
    %exp3A_1284 = math.exp %add3A_1283 : vector<128x320xf32>
    %convert_element_type3A_1285 = arith.truncf %exp3A_1284 : vector<128x320xf32> to vector<128x320xbf16>
    %dot_general3A_1286 = arith.constant dense<0.000000e+00> : vector<128x32xf32>
    %dot_general3A_1287 = tpu.matmul %convert_element_type3A_1285, %get3A_1185, %dot_general3A_1286 {dimension_numbers = #tpu.dot_dimension_numbers<[1], [0], [0], [1], [0, 0, 1, 1], [], []>, transpose_lhs_hint = false} : vector<128x320xbf16>, vector<320x32xbf16>, vector<128x32xf32> -> vector<128x32xf32>
    %reduce_sum3A_1288 = arith.constant dense<0.000000e+00> : vector<128xf32>
    %reduce_sum3A_1289 = vector.multi_reduction <add>, %exp3A_1284, %reduce_sum3A_1288 [1] : vector<128x320xf32> to vector<128xf32>
    %broadcast_in_dim3A_1290 = vector.shape_cast %reduce_sum3A_1289 : vector<128xf32> to vector<128x1xf32>
    %div3A_1291 = vector.broadcast %broadcast_in_dim3A_1290 : vector<128x1xf32> to vector<128x32xf32>
    %div3A_1292 = arith.divf %dot_general3A_1287, %div3A_1291 : vector<128x32xf32>
    %swap3A_1293 = arith.constant 0 : index
    %swap3A_1294 = arith.constant 0 : index
    %swap3A_1295 = arith.constant 288 : index
    %swap3A_1296 = vector.load %arg5[%swap3A_1293, %swap3A_1294, %swap3A_1295] : memref<1x128x384xf32, #tpu.memory_space<vmem>>, vector<1x128x32xf32>
    %swap3A_1297 = vector.shape_cast %swap3A_1296 : vector<1x128x32xf32> to vector<128x32xf32>
    %swap3A_1298 = vector.shape_cast %div3A_1292 : vector<128x32xf32> to vector<1x128x32xf32>
    tpu.vector_store %arg5[%swap3A_1293, %swap3A_1294, %swap3A_1295], %swap3A_1298 {strides = array<i32>} : memref<1x128x384xf32, #tpu.memory_space<vmem>>, vector<1x128x32xf32>,
    %get3A_1299 = arith.constant 0 : index
    %get3A_1300 = arith.constant 0 : index
    %get3A_1301 = arith.constant 320 : index
    %get3A_1302 = vector.load %arg3[%get3A_1299, %get3A_1300, %get3A_1301] : memref<1x128x1152xbf16, #tpu.memory_space<vmem>>, vector<1x128x32xbf16>
    %get3A_1303 = vector.shape_cast %get3A_1302 : vector<1x128x32xbf16> to vector<128x32xbf16>
    %get3A_1304 = arith.constant 0 : index
    %get3A_1305 = arith.index_cast %mul3A_4 : i32 to index
    %get3A_1306 = arith.constant 704 : index
    %get3A_1307 = vector.load %arg4[%get3A_1304, %get3A_1305, %get3A_1306] : memref<1x1024x1152xbf16, #tpu.memory_space<vmem>>, vector<1x320x32xbf16>
    %get3A_1308 = vector.shape_cast %get3A_1307 : vector<1x320x32xbf16> to vector<320x32xbf16>
    %get3A_1309 = arith.constant 0 : index
    %get3A_1310 = arith.index_cast %mul3A_4 : i32 to index
    %get3A_1311 = arith.constant 1088 : index
    %get3A_1312 = vector.load %arg4[%get3A_1309, %get3A_1310, %get3A_1311] : memref<1x1024x1152xbf16, #tpu.memory_space<vmem>>, vector<1x320x32xbf16>
    %get3A_1313 = vector.shape_cast %get3A_1312 : vector<1x320x32xbf16> to vector<320x32xbf16>
    %get3A_1314 = arith.constant 0 : index
    %get3A_1315 = arith.constant 0 : index
    %get3A_1316 = arith.constant 0 : index
    %get3A_1317 = arith.constant 0 : index
    %get3A_1318 = arith.constant 10 : index
    %get3A_1319 = arith.constant 0 : index
    %get3A_1320 = vector.load %arg2[%get3A_1314, %get3A_1315, %get3A_1316, %get3A_1317, %get3A_1318, %get3A_1319] : memref<1x4x10x32x12x32xf32, #tpu.memory_space<vmem>>, vector<1x4x1x32x1x32xf32>
    %get3A_1321 = vector.shape_cast %get3A_1320 : vector<1x4x1x32x1x32xf32> to vector<4x32x32xf32>
    %reshape3A_1322 = vector.shape_cast %get3A_1321 : vector<4x32x32xf32> to vector<128x32xf32>
    %get3A_1323 = arith.constant 0 : index
    %get3A_1324 = arith.constant 0 : index
    %get3A_1325 = arith.constant 1 : index
    %get3A_1326 = arith.constant 0 : index
    %get3A_1327 = arith.constant 10 : index
    %get3A_1328 = arith.constant 0 : index
    %get3A_1329 = vector.load %arg2[%get3A_1323, %get3A_1324, %get3A_1325, %get3A_1326, %get3A_1327, %get3A_1328] : memref<1x4x10x32x12x32xf32, #tpu.memory_space<vmem>>, vector<1x4x1x32x1x32xf32>
    %get3A_1330 = vector.shape_cast %get3A_1329 : vector<1x4x1x32x1x32xf32> to vector<4x32x32xf32>
    %reshape3A_1331 = vector.shape_cast %get3A_1330 : vector<4x32x32xf32> to vector<128x32xf32>
    %get3A_1332 = arith.constant 0 : index
    %get3A_1333 = arith.constant 0 : index
    %get3A_1334 = arith.constant 2 : index
    %get3A_1335 = arith.constant 0 : index
    %get3A_1336 = arith.constant 10 : index
    %get3A_1337 = arith.constant 0 : index
    %get3A_1338 = vector.load %arg2[%get3A_1332, %get3A_1333, %get3A_1334, %get3A_1335, %get3A_1336, %get3A_1337] : memref<1x4x10x32x12x32xf32, #tpu.memory_space<vmem>>, vector<1x4x1x32x1x32xf32>
    %get3A_1339 = vector.shape_cast %get3A_1338 : vector<1x4x1x32x1x32xf32> to vector<4x32x32xf32>
    %reshape3A_1340 = vector.shape_cast %get3A_1339 : vector<4x32x32xf32> to vector<128x32xf32>
    %get3A_1341 = arith.constant 0 : index
    %get3A_1342 = arith.constant 0 : index
    %get3A_1343 = arith.constant 3 : index
    %get3A_1344 = arith.constant 0 : index
    %get3A_1345 = arith.constant 10 : index
    %get3A_1346 = arith.constant 0 : index
    %get3A_1347 = vector.load %arg2[%get3A_1341, %get3A_1342, %get3A_1343, %get3A_1344, %get3A_1345, %get3A_1346] : memref<1x4x10x32x12x32xf32, #tpu.memory_space<vmem>>, vector<1x4x1x32x1x32xf32>
    %get3A_1348 = vector.shape_cast %get3A_1347 : vector<1x4x1x32x1x32xf32> to vector<4x32x32xf32>
    %reshape3A_1349 = vector.shape_cast %get3A_1348 : vector<4x32x32xf32> to vector<128x32xf32>
    %get3A_1350 = arith.constant 0 : index
    %get3A_1351 = arith.constant 0 : index
    %get3A_1352 = arith.constant 4 : index
    %get3A_1353 = arith.constant 0 : index
    %get3A_1354 = arith.constant 10 : index
    %get3A_1355 = arith.constant 0 : index
    %get3A_1356 = vector.load %arg2[%get3A_1350, %get3A_1351, %get3A_1352, %get3A_1353, %get3A_1354, %get3A_1355] : memref<1x4x10x32x12x32xf32, #tpu.memory_space<vmem>>, vector<1x4x1x32x1x32xf32>
    %get3A_1357 = vector.shape_cast %get3A_1356 : vector<1x4x1x32x1x32xf32> to vector<4x32x32xf32>
    %reshape3A_1358 = vector.shape_cast %get3A_1357 : vector<4x32x32xf32> to vector<128x32xf32>
    %get3A_1359 = arith.constant 0 : index
    %get3A_1360 = arith.constant 0 : index
    %get3A_1361 = arith.constant 5 : index
    %get3A_1362 = arith.constant 0 : index
    %get3A_1363 = arith.constant 10 : index
    %get3A_1364 = arith.constant 0 : index
    %get3A_1365 = vector.load %arg2[%get3A_1359, %get3A_1360, %get3A_1361, %get3A_1362, %get3A_1363, %get3A_1364] : memref<1x4x10x32x12x32xf32, #tpu.memory_space<vmem>>, vector<1x4x1x32x1x32xf32>
    %get3A_1366 = vector.shape_cast %get3A_1365 : vector<1x4x1x32x1x32xf32> to vector<4x32x32xf32>
    %reshape3A_1367 = vector.shape_cast %get3A_1366 : vector<4x32x32xf32> to vector<128x32xf32>
    %get3A_1368 = arith.constant 0 : index
    %get3A_1369 = arith.constant 0 : index
    %get3A_1370 = arith.constant 6 : index
    %get3A_1371 = arith.constant 0 : index
    %get3A_1372 = arith.constant 10 : index
    %get3A_1373 = arith.constant 0 : index
    %get3A_1374 = vector.load %arg2[%get3A_1368, %get3A_1369, %get3A_1370, %get3A_1371, %get3A_1372, %get3A_1373] : memref<1x4x10x32x12x32xf32, #tpu.memory_space<vmem>>, vector<1x4x1x32x1x32xf32>
    %get3A_1375 = vector.shape_cast %get3A_1374 : vector<1x4x1x32x1x32xf32> to vector<4x32x32xf32>
    %reshape3A_1376 = vector.shape_cast %get3A_1375 : vector<4x32x32xf32> to vector<128x32xf32>
    %get3A_1377 = arith.constant 0 : index
    %get3A_1378 = arith.constant 0 : index
    %get3A_1379 = arith.constant 7 : index
    %get3A_1380 = arith.constant 0 : index
    %get3A_1381 = arith.constant 10 : index
    %get3A_1382 = arith.constant 0 : index
    %get3A_1383 = vector.load %arg2[%get3A_1377, %get3A_1378, %get3A_1379, %get3A_1380, %get3A_1381, %get3A_1382] : memref<1x4x10x32x12x32xf32, #tpu.memory_space<vmem>>, vector<1x4x1x32x1x32xf32>
    %get3A_1384 = vector.shape_cast %get3A_1383 : vector<1x4x1x32x1x32xf32> to vector<4x32x32xf32>
    %reshape3A_1385 = vector.shape_cast %get3A_1384 : vector<4x32x32xf32> to vector<128x32xf32>
    %get3A_1386 = arith.constant 0 : index
    %get3A_1387 = arith.constant 0 : index
    %get3A_1388 = arith.constant 8 : index
    %get3A_1389 = arith.constant 0 : index
    %get3A_1390 = arith.constant 10 : index
    %get3A_1391 = arith.constant 0 : index
    %get3A_1392 = vector.load %arg2[%get3A_1386, %get3A_1387, %get3A_1388, %get3A_1389, %get3A_1390, %get3A_1391] : memref<1x4x10x32x12x32xf32, #tpu.memory_space<vmem>>, vector<1x4x1x32x1x32xf32>
    %get3A_1393 = vector.shape_cast %get3A_1392 : vector<1x4x1x32x1x32xf32> to vector<4x32x32xf32>
    %reshape3A_1394 = vector.shape_cast %get3A_1393 : vector<4x32x32xf32> to vector<128x32xf32>
    %get3A_1395 = arith.constant 0 : index
    %get3A_1396 = arith.constant 0 : index
    %get3A_1397 = arith.constant 9 : index
    %get3A_1398 = arith.constant 0 : index
    %get3A_1399 = arith.constant 10 : index
    %get3A_1400 = arith.constant 0 : index
    %get3A_1401 = vector.load %arg2[%get3A_1395, %get3A_1396, %get3A_1397, %get3A_1398, %get3A_1399, %get3A_1400] : memref<1x4x10x32x12x32xf32, #tpu.memory_space<vmem>>, vector<1x4x1x32x1x32xf32>
    %get3A_1402 = vector.shape_cast %get3A_1401 : vector<1x4x1x32x1x32xf32> to vector<4x32x32xf32>
    %reshape3A_1403 = vector.shape_cast %get3A_1402 : vector<4x32x32xf32> to vector<128x32xf32>
    %concatenate3A_1404 = tpu.concatenate %reshape3A_1322, %reshape3A_1331, %reshape3A_1340, %reshape3A_1349, %reshape3A_1358, %reshape3A_1367, %reshape3A_1376, %reshape3A_1385, %reshape3A_1394, %reshape3A_1403 in 1 : vector<128x32xf32>, vector<128x32xf32>, vector<128x32xf32>, vector<128x32xf32>, vector<128x32xf32>, vector<128x32xf32>, vector<128x32xf32>, vector<128x32xf32>, vector<128x32xf32>, vector<128x32xf32> -> vector<128x320xf32>
    %dot_general3A_1405 = arith.constant dense<0.000000e+00> : vector<128x320xf32>
    %dot_general3A_1406 = tpu.matmul %get3A_1303, %get3A_1308, %dot_general3A_1405 {dimension_numbers = #tpu.dot_dimension_numbers<[1], [1], [0], [0], [0, 0, 1, 0], [], []>, transpose_lhs_hint = false} : vector<128x32xbf16>, vector<320x32xbf16>, vector<128x320xf32> -> vector<128x320xf32>
    %mul3A_1407 = arith.constant 0.176776692 : f32
    %mul3A_1408 = vector.broadcast %mul3A_1407 : f32 to vector<128x320xf32>
    %mul3A_1409 = arith.mulf %dot_general3A_1406, %mul3A_1408 : vector<128x320xf32>
    %add3A_1410 = arith.addf %mul3A_1409, %concatenate3A_1404 : vector<128x320xf32>
    %add3A_1411 = arith.addf %add3A_1410, %select_n3A : vector<128x320xf32>
    %exp3A_1412 = math.exp %add3A_1411 : vector<128x320xf32>
    %convert_element_type3A_1413 = arith.truncf %exp3A_1412 : vector<128x320xf32> to vector<128x320xbf16>
    %dot_general3A_1414 = arith.constant dense<0.000000e+00> : vector<128x32xf32>
    %dot_general3A_1415 = tpu.matmul %convert_element_type3A_1413, %get3A_1313, %dot_general3A_1414 {dimension_numbers = #tpu.dot_dimension_numbers<[1], [0], [0], [1], [0, 0, 1, 1], [], []>, transpose_lhs_hint = false} : vector<128x320xbf16>, vector<320x32xbf16>, vector<128x32xf32> -> vector<128x32xf32>
    %reduce_sum3A_1416 = arith.constant dense<0.000000e+00> : vector<128xf32>
    %reduce_sum3A_1417 = vector.multi_reduction <add>, %exp3A_1412, %reduce_sum3A_1416 [1] : vector<128x320xf32> to vector<128xf32>
    %broadcast_in_dim3A_1418 = vector.shape_cast %reduce_sum3A_1417 : vector<128xf32> to vector<128x1xf32>
    %div3A_1419 = vector.broadcast %broadcast_in_dim3A_1418 : vector<128x1xf32> to vector<128x32xf32>
    %div3A_1420 = arith.divf %dot_general3A_1415, %div3A_1419 : vector<128x32xf32>
    %swap3A_1421 = arith.constant 0 : index
    %swap3A_1422 = arith.constant 0 : index
    %swap3A_1423 = arith.constant 320 : index
    %swap3A_1424 = vector.load %arg5[%swap3A_1421, %swap3A_1422, %swap3A_1423] : memref<1x128x384xf32, #tpu.memory_space<vmem>>, vector<1x128x32xf32>
    %swap3A_1425 = vector.shape_cast %swap3A_1424 : vector<1x128x32xf32> to vector<128x32xf32>
    %swap3A_1426 = vector.shape_cast %div3A_1420 : vector<128x32xf32> to vector<1x128x32xf32>
    tpu.vector_store %arg5[%swap3A_1421, %swap3A_1422, %swap3A_1423], %swap3A_1426 {strides = array<i32>} : memref<1x128x384xf32, #tpu.memory_space<vmem>>, vector<1x128x32xf32>,
    %get3A_1427 = arith.constant 0 : index
    %get3A_1428 = arith.constant 0 : index
    %get3A_1429 = arith.constant 352 : index
    %get3A_1430 = vector.load %arg3[%get3A_1427, %get3A_1428, %get3A_1429] : memref<1x128x1152xbf16, #tpu.memory_space<vmem>>, vector<1x128x32xbf16>
    %get3A_1431 = vector.shape_cast %get3A_1430 : vector<1x128x32xbf16> to vector<128x32xbf16>
    %get3A_1432 = arith.constant 0 : index
    %get3A_1433 = arith.index_cast %mul3A_4 : i32 to index
    %get3A_1434 = arith.constant 736 : index
    %get3A_1435 = vector.load %arg4[%get3A_1432, %get3A_1433, %get3A_1434] : memref<1x1024x1152xbf16, #tpu.memory_space<vmem>>, vector<1x320x32xbf16>
    %get3A_1436 = vector.shape_cast %get3A_1435 : vector<1x320x32xbf16> to vector<320x32xbf16>
    %get3A_1437 = arith.constant 0 : index
    %get3A_1438 = arith.index_cast %mul3A_4 : i32 to index
    %get3A_1439 = arith.constant 1120 : index
    %get3A_1440 = vector.load %arg4[%get3A_1437, %get3A_1438, %get3A_1439] : memref<1x1024x1152xbf16, #tpu.memory_space<vmem>>, vector<1x320x32xbf16>
    %get3A_1441 = vector.shape_cast %get3A_1440 : vector<1x320x32xbf16> to vector<320x32xbf16>
    %get3A_1442 = arith.constant 0 : index
    %get3A_1443 = arith.constant 0 : index
    %get3A_1444 = arith.constant 0 : index
    %get3A_1445 = arith.constant 0 : index
    %get3A_1446 = arith.constant 11 : index
    %get3A_1447 = arith.constant 0 : index
    %get3A_1448 = vector.load %arg2[%get3A_1442, %get3A_1443, %get3A_1444, %get3A_1445, %get3A_1446, %get3A_1447] : memref<1x4x10x32x12x32xf32, #tpu.memory_space<vmem>>, vector<1x4x1x32x1x32xf32>
    %get3A_1449 = vector.shape_cast %get3A_1448 : vector<1x4x1x32x1x32xf32> to vector<4x32x32xf32>
    %reshape3A_1450 = vector.shape_cast %get3A_1449 : vector<4x32x32xf32> to vector<128x32xf32>
    %get3A_1451 = arith.constant 0 : index
    %get3A_1452 = arith.constant 0 : index
    %get3A_1453 = arith.constant 1 : index
    %get3A_1454 = arith.constant 0 : index
    %get3A_1455 = arith.constant 11 : index
    %get3A_1456 = arith.constant 0 : index
    %get3A_1457 = vector.load %arg2[%get3A_1451, %get3A_1452, %get3A_1453, %get3A_1454, %get3A_1455, %get3A_1456] : memref<1x4x10x32x12x32xf32, #tpu.memory_space<vmem>>, vector<1x4x1x32x1x32xf32>
    %get3A_1458 = vector.shape_cast %get3A_1457 : vector<1x4x1x32x1x32xf32> to vector<4x32x32xf32>
    %reshape3A_1459 = vector.shape_cast %get3A_1458 : vector<4x32x32xf32> to vector<128x32xf32>
    %get3A_1460 = arith.constant 0 : index
    %get3A_1461 = arith.constant 0 : index
    %get3A_1462 = arith.constant 2 : index
    %get3A_1463 = arith.constant 0 : index
    %get3A_1464 = arith.constant 11 : index
    %get3A_1465 = arith.constant 0 : index
    %get3A_1466 = vector.load %arg2[%get3A_1460, %get3A_1461, %get3A_1462, %get3A_1463, %get3A_1464, %get3A_1465] : memref<1x4x10x32x12x32xf32, #tpu.memory_space<vmem>>, vector<1x4x1x32x1x32xf32>
    %get3A_1467 = vector.shape_cast %get3A_1466 : vector<1x4x1x32x1x32xf32> to vector<4x32x32xf32>
    %reshape3A_1468 = vector.shape_cast %get3A_1467 : vector<4x32x32xf32> to vector<128x32xf32>
    %get3A_1469 = arith.constant 0 : index
    %get3A_1470 = arith.constant 0 : index
    %get3A_1471 = arith.constant 3 : index
    %get3A_1472 = arith.constant 0 : index
    %get3A_1473 = arith.constant 11 : index
    %get3A_1474 = arith.constant 0 : index
    %get3A_1475 = vector.load %arg2[%get3A_1469, %get3A_1470, %get3A_1471, %get3A_1472, %get3A_1473, %get3A_1474] : memref<1x4x10x32x12x32xf32, #tpu.memory_space<vmem>>, vector<1x4x1x32x1x32xf32>
    %get3A_1476 = vector.shape_cast %get3A_1475 : vector<1x4x1x32x1x32xf32> to vector<4x32x32xf32>
    %reshape3A_1477 = vector.shape_cast %get3A_1476 : vector<4x32x32xf32> to vector<128x32xf32>
    %get3A_1478 = arith.constant 0 : index
    %get3A_1479 = arith.constant 0 : index
    %get3A_1480 = arith.constant 4 : index
    %get3A_1481 = arith.constant 0 : index
    %get3A_1482 = arith.constant 11 : index
    %get3A_1483 = arith.constant 0 : index
    %get3A_1484 = vector.load %arg2[%get3A_1478, %get3A_1479, %get3A_1480, %get3A_1481, %get3A_1482, %get3A_1483] : memref<1x4x10x32x12x32xf32, #tpu.memory_space<vmem>>, vector<1x4x1x32x1x32xf32>
    %get3A_1485 = vector.shape_cast %get3A_1484 : vector<1x4x1x32x1x32xf32> to vector<4x32x32xf32>
    %reshape3A_1486 = vector.shape_cast %get3A_1485 : vector<4x32x32xf32> to vector<128x32xf32>
    %get3A_1487 = arith.constant 0 : index
    %get3A_1488 = arith.constant 0 : index
    %get3A_1489 = arith.constant 5 : index
    %get3A_1490 = arith.constant 0 : index
    %get3A_1491 = arith.constant 11 : index
    %get3A_1492 = arith.constant 0 : index
    %get3A_1493 = vector.load %arg2[%get3A_1487, %get3A_1488, %get3A_1489, %get3A_1490, %get3A_1491, %get3A_1492] : memref<1x4x10x32x12x32xf32, #tpu.memory_space<vmem>>, vector<1x4x1x32x1x32xf32>
    %get3A_1494 = vector.shape_cast %get3A_1493 : vector<1x4x1x32x1x32xf32> to vector<4x32x32xf32>
    %reshape3A_1495 = vector.shape_cast %get3A_1494 : vector<4x32x32xf32> to vector<128x32xf32>
    %get3A_1496 = arith.constant 0 : index
    %get3A_1497 = arith.constant 0 : index
    %get3A_1498 = arith.constant 6 : index
    %get3A_1499 = arith.constant 0 : index
    %get3A_1500 = arith.constant 11 : index
    %get3A_1501 = arith.constant 0 : index
    %get3A_1502 = vector.load %arg2[%get3A_1496, %get3A_1497, %get3A_1498, %get3A_1499, %get3A_1500, %get3A_1501] : memref<1x4x10x32x12x32xf32, #tpu.memory_space<vmem>>, vector<1x4x1x32x1x32xf32>
    %get3A_1503 = vector.shape_cast %get3A_1502 : vector<1x4x1x32x1x32xf32> to vector<4x32x32xf32>
    %reshape3A_1504 = vector.shape_cast %get3A_1503 : vector<4x32x32xf32> to vector<128x32xf32>
    %get3A_1505 = arith.constant 0 : index
    %get3A_1506 = arith.constant 0 : index
    %get3A_1507 = arith.constant 7 : index
    %get3A_1508 = arith.constant 0 : index
    %get3A_1509 = arith.constant 11 : index
    %get3A_1510 = arith.constant 0 : index
    %get3A_1511 = vector.load %arg2[%get3A_1505, %get3A_1506, %get3A_1507, %get3A_1508, %get3A_1509, %get3A_1510] : memref<1x4x10x32x12x32xf32, #tpu.memory_space<vmem>>, vector<1x4x1x32x1x32xf32>
    %get3A_1512 = vector.shape_cast %get3A_1511 : vector<1x4x1x32x1x32xf32> to vector<4x32x32xf32>
    %reshape3A_1513 = vector.shape_cast %get3A_1512 : vector<4x32x32xf32> to vector<128x32xf32>
    %get3A_1514 = arith.constant 0 : index
    %get3A_1515 = arith.constant 0 : index
    %get3A_1516 = arith.constant 8 : index
    %get3A_1517 = arith.constant 0 : index
    %get3A_1518 = arith.constant 11 : index
    %get3A_1519 = arith.constant 0 : index
    %get3A_1520 = vector.load %arg2[%get3A_1514, %get3A_1515, %get3A_1516, %get3A_1517, %get3A_1518, %get3A_1519] : memref<1x4x10x32x12x32xf32, #tpu.memory_space<vmem>>, vector<1x4x1x32x1x32xf32>
    %get3A_1521 = vector.shape_cast %get3A_1520 : vector<1x4x1x32x1x32xf32> to vector<4x32x32xf32>
    %reshape3A_1522 = vector.shape_cast %get3A_1521 : vector<4x32x32xf32> to vector<128x32xf32>
    %get3A_1523 = arith.constant 0 : index
    %get3A_1524 = arith.constant 0 : index
    %get3A_1525 = arith.constant 9 : index
    %get3A_1526 = arith.constant 0 : index
    %get3A_1527 = arith.constant 11 : index
    %get3A_1528 = arith.constant 0 : index
    %get3A_1529 = vector.load %arg2[%get3A_1523, %get3A_1524, %get3A_1525, %get3A_1526, %get3A_1527, %get3A_1528] : memref<1x4x10x32x12x32xf32, #tpu.memory_space<vmem>>, vector<1x4x1x32x1x32xf32>
    %get3A_1530 = vector.shape_cast %get3A_1529 : vector<1x4x1x32x1x32xf32> to vector<4x32x32xf32>
    %reshape3A_1531 = vector.shape_cast %get3A_1530 : vector<4x32x32xf32> to vector<128x32xf32>
    %concatenate3A_1532 = tpu.concatenate %reshape3A_1450, %reshape3A_1459, %reshape3A_1468, %reshape3A_1477, %reshape3A_1486, %reshape3A_1495, %reshape3A_1504, %reshape3A_1513, %reshape3A_1522, %reshape3A_1531 in 1 : vector<128x32xf32>, vector<128x32xf32>, vector<128x32xf32>, vector<128x32xf32>, vector<128x32xf32>, vector<128x32xf32>, vector<128x32xf32>, vector<128x32xf32>, vector<128x32xf32>, vector<128x32xf32> -> vector<128x320xf32>
    %dot_general3A_1533 = arith.constant dense<0.000000e+00> : vector<128x320xf32>
    %dot_general3A_1534 = tpu.matmul %get3A_1431, %get3A_1436, %dot_general3A_1533 {dimension_numbers = #tpu.dot_dimension_numbers<[1], [1], [0], [0], [0, 0, 1, 0], [], []>, transpose_lhs_hint = false} : vector<128x32xbf16>, vector<320x32xbf16>, vector<128x320xf32> -> vector<128x320xf32>
    %mul3A_1535 = arith.constant 0.176776692 : f32
    %mul3A_1536 = vector.broadcast %mul3A_1535 : f32 to vector<128x320xf32>
    %mul3A_1537 = arith.mulf %dot_general3A_1534, %mul3A_1536 : vector<128x320xf32>
    %add3A_1538 = arith.addf %mul3A_1537, %concatenate3A_1532 : vector<128x320xf32>
    %add3A_1539 = arith.addf %add3A_1538, %select_n3A : vector<128x320xf32>
    %exp3A_1540 = math.exp %add3A_1539 : vector<128x320xf32>
    %convert_element_type3A_1541 = arith.truncf %exp3A_1540 : vector<128x320xf32> to vector<128x320xbf16>
    %dot_general3A_1542 = arith.constant dense<0.000000e+00> : vector<128x32xf32>
    %dot_general3A_1543 = tpu.matmul %convert_element_type3A_1541, %get3A_1441, %dot_general3A_1542 {dimension_numbers = #tpu.dot_dimension_numbers<[1], [0], [0], [1], [0, 0, 1, 1], [], []>, transpose_lhs_hint = false} : vector<128x320xbf16>, vector<320x32xbf16>, vector<128x32xf32> -> vector<128x32xf32>
    %reduce_sum3A_1544 = arith.constant dense<0.000000e+00> : vector<128xf32>
    %reduce_sum3A_1545 = vector.multi_reduction <add>, %exp3A_1540, %reduce_sum3A_1544 [1] : vector<128x320xf32> to vector<128xf32>
    %broadcast_in_dim3A_1546 = vector.shape_cast %reduce_sum3A_1545 : vector<128xf32> to vector<128x1xf32>
    %div3A_1547 = vector.broadcast %broadcast_in_dim3A_1546 : vector<128x1xf32> to vector<128x32xf32>
    %div3A_1548 = arith.divf %dot_general3A_1543, %div3A_1547 : vector<128x32xf32>
    %swap3A_1549 = arith.constant 0 : index
    %swap3A_1550 = arith.constant 0 : index
    %swap3A_1551 = arith.constant 352 : index
    %swap3A_1552 = vector.load %arg5[%swap3A_1549, %swap3A_1550, %swap3A_1551] : memref<1x128x384xf32, #tpu.memory_space<vmem>>, vector<1x128x32xf32>
    %swap3A_1553 = vector.shape_cast %swap3A_1552 : vector<1x128x32xf32> to vector<128x32xf32>
    %swap3A_1554 = vector.shape_cast %div3A_1548 : vector<128x32xf32> to vector<1x128x32xf32>
    tpu.vector_store %arg5[%swap3A_1549, %swap3A_1550, %swap3A_1551], %swap3A_1554 {strides = array<i32>} : memref<1x128x384xf32, #tpu.memory_space<vmem>>, vector<1x128x32xf32>,
    return
  }
  func.func @transform_0(%arg0: i32, %arg1: i32) -> (i32, i32, i32, i32, i32, i32) {
    %c0_i32 = arith.constant 0 : i32
    %c0_i32_0 = arith.constant 0 : i32
    %c0_i32_1 = arith.constant 0 : i32
    %c0_i32_2 = arith.constant 0 : i32
    %c0_i32_3 = arith.constant 0 : i32
    %c0_i32_4 = arith.constant 0 : i32
    return %arg1, %c0_i32, %c0_i32_0, %c0_i32_1, %c0_i32_2, %c0_i32_3 : i32, i32, i32, i32, i32, i32
  }
  func.func @transform_1(%arg0: i32, %arg1: i32) -> (i32, i32, i32) {
    %c0_i32 = arith.constant 0 : i32
    %c0_i32_0 = arith.constant 0 : i32
    return %arg0, %arg1, %c0_i32 : i32, i32, i32
  }
  func.func @transform_2(%arg0: i32, %arg1: i32) -> (i32, i32, i32) {
    %c0_i32 = arith.constant 0 : i32
    %c0_i32_0 = arith.constant 0 : i32
    %c0_i32_1 = arith.constant 0 : i32
    return %arg0, %c0_i32, %c0_i32_0 : i32, i32, i32
  }
  func.func @transform_3(%arg0: i32, %arg1: i32) -> (i32, i32, i32) {
    %c0_i32 = arith.constant 0 : i32
    %c0_i32_0 = arith.constant 0 : i32
    return %arg0, %arg1, %c0_i32 : i32, i32, i32
  }
}

module attributes {stable_mosaic.version = 14 : i64} {
  func.func @_k6_body(%arg0: i32, %arg1: memref<24xi32, #tpu.memory_space<smem>>, %arg2: memref<256x384xf32, #tpu.memory_space<vmem>>, %arg3: memref<1x384x768xbf16, #tpu.memory_space<vmem>>, %arg4: memref<1x1x768xf32, #tpu.memory_space<vmem>>, %arg5: memref<1x768x384xbf16, #tpu.memory_space<vmem>>, %arg6: memref<1x1x384xf32, #tpu.memory_space<vmem>>, %arg7: memref<256x384xf32, #tpu.memory_space<vmem>>) attributes {dimension_semantics = [#tpu.dimension_semantics<arbitrary>], iteration_bounds = array<i64: 23>, scalar_prefetch = 1 : i64, scratch_operands = 0 : i64, tpu.core_type = #tpu.core_type<tc>, window_params = [{transform_indices = @transform_0, window_bounds = array<i64: 256, 384>}, {transform_indices = @transform_1, window_bounds = array<i64: 1, 384, 768>}, {transform_indices = @transform_2, window_bounds = array<i64: 1, 1, 768>}, {transform_indices = @transform_3, window_bounds = array<i64: 1, 768, 384>}, {transform_indices = @transform_4, window_bounds = array<i64: 1, 1, 384>}, {transform_indices = @transform_5, window_bounds = array<i64: 256, 384>}]} {
    %get3A = arith.constant 0 : index
    %get3A_0 = arith.constant 0 : index
    %get3A_1 = vector.load %arg2[%get3A, %get3A_0] : memref<256x384xf32, #tpu.memory_space<vmem>>, vector<256x384xf32>
    %convert_element_type3A = arith.truncf %get3A_1 : vector<256x384xf32> to vector<256x384xbf16>
    %get3A_2 = arith.constant 0 : index
    %get3A_3 = arith.constant 0 : index
    %get3A_4 = arith.constant 0 : index
    %get3A_5 = vector.load %arg3[%get3A_2, %get3A_3, %get3A_4] : memref<1x384x768xbf16, #tpu.memory_space<vmem>>, vector<1x384x768xbf16>
    %get3A_6 = vector.shape_cast %get3A_5 : vector<1x384x768xbf16> to vector<384x768xbf16>
    %dot_general3A = arith.constant dense<0.000000e+00> : vector<256x768xf32>
    %dot_general3A_7 = tpu.matmul %convert_element_type3A, %get3A_6, %dot_general3A {dimension_numbers = #tpu.dot_dimension_numbers<[1], [0], [0], [1], [0, 0, 1, 1], [], []>, transpose_lhs_hint = false} : vector<256x384xbf16>, vector<384x768xbf16>, vector<256x768xf32> -> vector<256x768xf32>
    %get3A_8 = arith.constant 0 : index
    %get3A_9 = arith.constant 0 : index
    %get3A_10 = arith.constant 0 : index
    %get3A_11 = vector.load %arg4[%get3A_8, %get3A_9, %get3A_10] : memref<1x1x768xf32, #tpu.memory_space<vmem>>, vector<1x1x768xf32>
    %get3A_12 = vector.shape_cast %get3A_11 : vector<1x1x768xf32> to vector<1x768xf32>
    %add3A = vector.broadcast %get3A_12 : vector<1x768xf32> to vector<256x768xf32>
    %add3A_13 = arith.addf %dot_general3A_7, %add3A : vector<256x768xf32>
    %mul3A = arith.constant 5.000000e-01 : f32
    %mul3A_14 = vector.broadcast %mul3A : f32 to vector<256x768xf32>
    %mul3A_15 = arith.mulf %mul3A_14, %add3A_13 : vector<256x768xf32>
    %div3A = arith.constant 1.41421354 : f32
    %div3A_16 = vector.broadcast %div3A : f32 to vector<256x768xf32>
    %div3A_17 = arith.divf %add3A_13, %div3A_16 : vector<256x768xf32>
    %erf3A = math.erf %div3A_17 : vector<256x768xf32>
    %add3A_18 = arith.constant 1.000000e+00 : f32
    %add3A_19 = vector.broadcast %add3A_18 : f32 to vector<256x768xf32>
    %add3A_20 = arith.addf %add3A_19, %erf3A : vector<256x768xf32>
    %mul3A_21 = arith.mulf %mul3A_15, %add3A_20 : vector<256x768xf32>
    %convert_element_type3A_22 = arith.truncf %mul3A_21 : vector<256x768xf32> to vector<256x768xbf16>
    %get3A_23 = arith.constant 0 : index
    %get3A_24 = arith.constant 0 : index
    %get3A_25 = arith.constant 0 : index
    %get3A_26 = vector.load %arg5[%get3A_23, %get3A_24, %get3A_25] : memref<1x768x384xbf16, #tpu.memory_space<vmem>>, vector<1x768x384xbf16>
    %get3A_27 = vector.shape_cast %get3A_26 : vector<1x768x384xbf16> to vector<768x384xbf16>
    %dot_general3A_28 = arith.constant dense<0.000000e+00> : vector<256x384xf32>
    %dot_general3A_29 = tpu.matmul %convert_element_type3A_22, %get3A_27, %dot_general3A_28 {dimension_numbers = #tpu.dot_dimension_numbers<[1], [0], [0], [1], [0, 0, 1, 1], [], []>, transpose_lhs_hint = false} : vector<256x768xbf16>, vector<768x384xbf16>, vector<256x384xf32> -> vector<256x384xf32>
    %get3A_30 = arith.constant 0 : index
    %get3A_31 = arith.constant 0 : index
    %get3A_32 = arith.constant 0 : index
    %get3A_33 = vector.load %arg6[%get3A_30, %get3A_31, %get3A_32] : memref<1x1x384xf32, #tpu.memory_space<vmem>>, vector<1x1x384xf32>
    %get3A_34 = vector.shape_cast %get3A_33 : vector<1x1x384xf32> to vector<1x384xf32>
    %add3A_35 = vector.broadcast %get3A_34 : vector<1x384xf32> to vector<256x384xf32>
    %add3A_36 = arith.addf %dot_general3A_29, %add3A_35 : vector<256x384xf32>
    %swap3A = arith.constant 0 : index
    %swap3A_37 = arith.constant 0 : index
    %swap3A_38 = vector.load %arg7[%swap3A, %swap3A_37] : memref<256x384xf32, #tpu.memory_space<vmem>>, vector<256x384xf32>
    tpu.vector_store %arg7[%swap3A, %swap3A_37], %add3A_36 {strides = array<i32>} : memref<256x384xf32, #tpu.memory_space<vmem>>, vector<256x384xf32>,
    return
  }
  func.func @transform_0(%arg0: i32, %arg1: memref<24xi32, #tpu.memory_space<smem>>) -> (i32, i32) {
    %c0_i32 = arith.constant 0 : i32
    %c0_i32_0 = arith.constant 0 : i32
    return %arg0, %c0_i32 : i32, i32
  }
  func.func @transform_1(%arg0: i32, %arg1: memref<24xi32, #tpu.memory_space<smem>>) -> (i32, i32, i32) {
    %get3A = arith.index_cast %arg0 : i32 to index
    %get3A_0 = memref.load %arg1[%get3A] : memref<24xi32, #tpu.memory_space<smem>>
    %c0_i32 = arith.constant 0 : i32
    %c0_i32_1 = arith.constant 0 : i32
    %c0_i32_2 = arith.constant 0 : i32
    return %get3A_0, %c0_i32, %c0_i32_1 : i32, i32, i32
  }
  func.func @transform_2(%arg0: i32, %arg1: memref<24xi32, #tpu.memory_space<smem>>) -> (i32, i32, i32) {
    %get3A = arith.index_cast %arg0 : i32 to index
    %get3A_0 = memref.load %arg1[%get3A] : memref<24xi32, #tpu.memory_space<smem>>
    %c0_i32 = arith.constant 0 : i32
    %c0_i32_1 = arith.constant 0 : i32
    %c0_i32_2 = arith.constant 0 : i32
    return %get3A_0, %c0_i32, %c0_i32_1 : i32, i32, i32
  }
  func.func @transform_3(%arg0: i32, %arg1: memref<24xi32, #tpu.memory_space<smem>>) -> (i32, i32, i32) {
    %get3A = arith.index_cast %arg0 : i32 to index
    %get3A_0 = memref.load %arg1[%get3A] : memref<24xi32, #tpu.memory_space<smem>>
    %c0_i32 = arith.constant 0 : i32
    %c0_i32_1 = arith.constant 0 : i32
    %c0_i32_2 = arith.constant 0 : i32
    return %get3A_0, %c0_i32, %c0_i32_1 : i32, i32, i32
  }
  func.func @transform_4(%arg0: i32, %arg1: memref<24xi32, #tpu.memory_space<smem>>) -> (i32, i32, i32) {
    %get3A = arith.index_cast %arg0 : i32 to index
    %get3A_0 = memref.load %arg1[%get3A] : memref<24xi32, #tpu.memory_space<smem>>
    %c0_i32 = arith.constant 0 : i32
    %c0_i32_1 = arith.constant 0 : i32
    %c0_i32_2 = arith.constant 0 : i32
    return %get3A_0, %c0_i32, %c0_i32_1 : i32, i32, i32
  }
  func.func @transform_5(%arg0: i32, %arg1: memref<24xi32, #tpu.memory_space<smem>>) -> (i32, i32) {
    %c0_i32 = arith.constant 0 : i32
    %c0_i32_0 = arith.constant 0 : i32
    return %arg0, %c0_i32 : i32, i32
  }
}

module attributes {stable_mosaic.version = 14 : i64} {
  func.func @_k5_body(%arg0: i32, %arg1: memref<512x384xf32, #tpu.memory_space<vmem>>, %arg2: memref<512x384xf32, #tpu.memory_space<vmem>>, %arg3: memref<512x384xf32, #tpu.memory_space<vmem>>, %arg4: memref<8x512xf32, #tpu.memory_space<vmem>>, %arg5: memref<512x384xf32, #tpu.memory_space<vmem>>) attributes {dimension_semantics = [#tpu.dimension_semantics<arbitrary>], iteration_bounds = array<i64: 4>, scalar_prefetch = 0 : i64, scratch_operands = 0 : i64, tpu.core_type = #tpu.core_type<tc>, window_params = [{transform_indices = @transform_0, window_bounds = array<i64: 512, 384>}, {transform_indices = @transform_1, window_bounds = array<i64: 512, 384>}, {transform_indices = @transform_2, window_bounds = array<i64: 512, 384>}, {transform_indices = @transform_3, window_bounds = array<i64: 8, 512>}, {transform_indices = @transform_4, window_bounds = array<i64: 512, 384>}]} {
    %get3A = arith.constant 0 : index
    %get3A_0 = arith.constant 0 : index
    %get3A_1 = vector.load %arg4[%get3A, %get3A_0] : memref<8x512xf32, #tpu.memory_space<vmem>>, vector<2x512xf32>
    %transpose3A = tpu.transpose %get3A_1, [1, 0] : vector<2x512xf32> -> vector<512x2xf32>
    %get3A_2 = arith.constant 0 : index
    %get3A_3 = arith.constant 0 : index
    %get3A_4 = vector.load %arg1[%get3A_2, %get3A_3] : memref<512x384xf32, #tpu.memory_space<vmem>>, vector<512x384xf32>
    %slice3A = vector.extract_strided_slice %transpose3A {offsets = [0, 0], sizes = [512, 1], strides = [1, 1]} : vector<512x2xf32> to vector<512x1xf32>
    %get3A_5 = arith.constant 0 : index
    %get3A_6 = arith.constant 0 : index
    %get3A_7 = vector.load %arg2[%get3A_5, %get3A_6] : memref<512x384xf32, #tpu.memory_space<vmem>>, vector<512x384xf32>
    %mul3A = vector.broadcast %slice3A : vector<512x1xf32> to vector<512x384xf32>
    %mul3A_8 = arith.mulf %mul3A, %get3A_7 : vector<512x384xf32>
    %add3A = arith.addf %get3A_4, %mul3A_8 : vector<512x384xf32>
    %slice3A_9 = vector.extract_strided_slice %transpose3A {offsets = [0, 1], sizes = [512, 1], strides = [1, 1]} : vector<512x2xf32> to vector<512x1xf32>
    %get3A_10 = arith.constant 0 : index
    %get3A_11 = arith.constant 0 : index
    %get3A_12 = vector.load %arg3[%get3A_10, %get3A_11] : memref<512x384xf32, #tpu.memory_space<vmem>>, vector<512x384xf32>
    %mul3A_13 = vector.broadcast %slice3A_9 : vector<512x1xf32> to vector<512x384xf32>
    %mul3A_14 = arith.mulf %mul3A_13, %get3A_12 : vector<512x384xf32>
    %add3A_15 = arith.addf %add3A, %mul3A_14 : vector<512x384xf32>
    %swap3A = arith.constant 0 : index
    %swap3A_16 = arith.constant 0 : index
    %swap3A_17 = vector.load %arg5[%swap3A, %swap3A_16] : memref<512x384xf32, #tpu.memory_space<vmem>>, vector<512x384xf32>
    tpu.vector_store %arg5[%swap3A, %swap3A_16], %add3A_15 {strides = array<i32>} : memref<512x384xf32, #tpu.memory_space<vmem>>, vector<512x384xf32>,
    return
  }
  func.func @transform_0(%arg0: i32) -> (i32, i32) {
    %c0_i32 = arith.constant 0 : i32
    %c0_i32_0 = arith.constant 0 : i32
    return %arg0, %c0_i32 : i32, i32
  }
  func.func @transform_1(%arg0: i32) -> (i32, i32) {
    %c0_i32 = arith.constant 0 : i32
    %c0_i32_0 = arith.constant 0 : i32
    return %arg0, %c0_i32 : i32, i32
  }
  func.func @transform_2(%arg0: i32) -> (i32, i32) {
    %add3A = arith.constant 4 : i32
    %add3A_0 = arith.addi %arg0, %add3A : i32
    %c0_i32 = arith.constant 0 : i32
    %c0_i32_1 = arith.constant 0 : i32
    return %add3A_0, %c0_i32 : i32, i32
  }
  func.func @transform_3(%arg0: i32) -> (i32, i32) {
    %c0_i32 = arith.constant 0 : i32
    %c0_i32_0 = arith.constant 0 : i32
    return %c0_i32, %arg0 : i32, i32
  }
  func.func @transform_4(%arg0: i32) -> (i32, i32) {
    %c0_i32 = arith.constant 0 : i32
    %c0_i32_0 = arith.constant 0 : i32
    return %arg0, %c0_i32 : i32, i32
  }
}

</mosaic_0001>

<sc_bundles>
// kernel: kernel.12.cloned.1.call-start
scs
__scs_entry_jumppad:
0x0: {  	(pc) =	sbr.rel $0x88, $3  }
0x1: {  	(tag) =	ssettag $0x0;
	lr =	simm.s32 $0x1  }
0x2: {  	[smem:$0x3F8D] =	sst lr;
	_ =	strace $0xD0000000  }
0x3: {  	_ = 	snop  }
0x4: {  	_ = 	snop  }
0x5: {  	_ = 	snop  }
0x6: {  	_ = 	snop  }
0x7: {  	_ = 	snop  }
__scs_overlays_trampoline_lowered:
0x8: {  	[smem:$0x3F9C] =	sst s0  }
0x9: {  	[smem:$0x3F9D] =	sst s1  }
0xa: {  	[smem:$0x3F9E] =	sst s2  }
0xb: {  	[smem:$0x3F9F] =	sst s3  }
0xc: {  	[smem:$0x3FA0] =	sst s4  }
0xd: {  	[smem:$0x3FA1] =	sst s5  }
0xe: {  	[smem:$0x3FA2] =	sst s6  }
0xf: {  	[smem:$0x3FA3] =	sst s7  }
0x10: {  	[smem:$0x3FA4] =	sst s8  }
0x11: {  	[smem:$0x3FA5] =	sst s9;
	s0 =	simm.s32 @!p0 $0x0  }
0x12: {  	s1 =	sld [smem:$0x3F8B];
	s0 =	simm.s32 @p0 $0x1  }
0x13: {  	[smem:$0x3FA6] =	sst s0;
	s0 =	simm.s32 @!p1 $0x0  }
0x14: {  	s2 =	sld [smem:$0x3F8A];
	s0 =	simm.s32 @p1 $0x1  }
0x15: {  	[smem:$0x3FA7] =	sst s0;
	s0 =	simm.s32 @!p2 $0x0  }
0x16: {  	s3 =	sld [smem:$0x3FDB];
	s0 =	simm.s32 @p2 $0x1  }
0x17: {  	s4 =	simm.s32 $0x1BF5;
	[smem:$0x3FA9] =	sst s0  }
0x18: {  	s0 =	sld [smem:$0x3F8C];
	_ =	swait.ge [sflag:s4], $0x0  }
0x19: {  	s7 =	sld [smem:$0x3F8D]  }
0x1a: {  	s8 =	sadd.s32 $0xFFFFE003, lr  }
0x1b: {  	s9 =	sadd.s32 $0xFFFFFEF7, lr;
	s5 =	simm.s32 $0xFFFFFFFF;
	p2 =	slt.u32 s8, $0xFFFFF086  }
0x1c: {  	p1 =	slt.u32 s9, $0xF7A;
	s5 =	simm.s32 @!p2 $0x0  }
0x1d: {  	s5 =	simm.s32 @p1 $0x1;
	p0 =	seq.s32 s7, s2  }
0x1e: {  	s7 =	smul.u32 @!p0 $0xF7A, s2;
	p2 =	seq.s32 @!p0 s5, $0x0  }
0x1f: {  	s9 =	smul.u32 $0xF7A, s1;
	s8 =	simm.s32 @!p0 $0x1BF5;
	p2 =	por !p2, p0  }
0x20: {  	[sflag:s8] =	ssyncset.s32 @!p0 $0xFFFFF086;
	s6 =	sadd.s32 @!p0 s3, s7;
	s7 =	simm.s32 @!p0 $0x108  }
0x21: {  	s3 =	sadd.s32 s3, s9;
	s6 =	sadd.s32 @!p0 $0x88, s6;
	s7 =	simm.s32 @p2 $0x1082  }
0x22: {  	[simem:s7], [sflag:s8] =	dma.local @!p0 [hbm:s6], $0xF7A  }
0x23: {  	s9 =	sor.u32 $0xD0000000, s2;
	s6 =	simm.s32 $0x108;
	_ =	swait.ge @!p0 [sflag:s8], $0x0  }
0x24: {  	s3 =	sadd.s32 $0x88, s3;
	s6 =	simm.s32 @!p1 $0x1082;
	[sflag:s4] =	ssyncset.s32 $0xFFFFF086  }
0x25: {  	[simem:s6], [sflag:s4] =	dma.local [hbm:s3], $0xF7A  }
0x26: {  	[smem:$0x3F8D] =	sst s1;
	(tag) =	ssettag s2;
	_ =	strace s9  }
0x27: {  	s1 =	sld [smem:$0x3F9D]  }
0x28: {  	s2 =	sld [smem:$0x3F9E]  }
0x29: {  	s4 =	sld [smem:$0x3FA0]  }
0x2a: {  	p0 =	seq.s32 s5, $0x0;
	s5 =	sld [smem:$0x3FA1]  }
0x2b: {  	s6 =	sld [smem:$0x3FA2]  }
0x2c: {  	s7 =	sld [smem:$0x3FA3]  }
0x2d: {  	s3 =	simm.s32 $0x108;
	s8 =	sld [smem:$0x3FA4]  }
0x2e: {  	s3 =	simm.s32 @!p0 $0x1082;
	s9 =	sld [smem:$0x3FA5]  }
0x2f: {  	lr =	sadd.s32 s0, s3;
	s0 =	sld [smem:$0x3F9C]  }
0x30: {  	s3 =	sld [smem:$0x3F9F]  }
0x31: {  	[smem:$0x3FA8] =	sst s10  }
0x32: {  	s10 =	sld [smem:$0x3FA6];
	_ =	sdelay $0x3  }
0x33: {  	p0 =	seq.s32 s10, $0x1;
	s10 =	sld [smem:$0x3FA8];
	_ =	sdelay $0x3  }
0x34: {  	[smem:$0x3FA8] =	sst s10  }
0x35: {  	s10 =	sld [smem:$0x3FA7];
	_ =	sdelay $0x3  }
0x36: {  	p1 =	seq.s32 s10, $0x1;
	s10 =	sld [smem:$0x3FA8];
	_ =	sdelay $0x3  }
0x37: {  	[smem:$0x3FA8] =	sst s10  }
0x38: {  	s10 =	sld [smem:$0x3FA9]  }
0x39: {  	_ = 	snop;
	(pc) =	sbr.ind lr, $3  }
0x3a: {  	_ = 	snop  }
0x3b: {  	_ = 	snop  }
0x3c: {  	p2 =	seq.s32 s10, $0x1;
	s10 =	sld [smem:$0x3FA8]  }
0x3d: {  	_ =	shalt  }
0x3e: {  	_ =	shalt  }
0x3f: {  	_ =	shalt  }
0x40: {  	_ =	shalt  }
0x41: {  	_ =	shalt  }
0x42: {  	_ =	shalt  }
0x43: {  	_ =	shalt  }
0x44: {  	_ =	shalt  }
0x45: {  	_ =	shalt  }
0x46: {  	_ =	shalt  }
0x47: {  	_ =	shalt  }
0x48: {  	_ =	shalt  }
0x49: {  	_ =	shalt  }
0x4a: {  	_ =	shalt  }
0x4b: {  	_ =	shalt  }
0x4c: {  	_ =	shalt  }
0x4d: {  	_ =	shalt  }
0x4e: {  	_ =	shalt  }
0x4f: {  	_ =	shalt  }
0x50: {  	_ =	shalt  }
0x51: {  	_ =	shalt  }
0x52: {  	_ =	shalt  }
0x53: {  	_ =	shalt  }
0x54: {  	_ =	shalt  }
0x55: {  	_ =	shalt  }
0x56: {  	_ =	shalt  }
0x57: {  	_ =	shalt  }
0x58: {  	_ =	shalt  }
0x59: {  	_ =	shalt  }
0x5a: {  	_ =	shalt  }
0x5b: {  	_ =	shalt  }
0x5c: {  	_ =	shalt  }
0x5d: {  	_ =	shalt  }
0x5e: {  	_ =	shalt  }
0x5f: {  	_ =	shalt  }
0x60: {  	_ =	shalt  }
0x61: {  	_ =	shalt  }
0x62: {  	_ =	shalt  }
0x63: {  	_ =	shalt  }
0x64: {  	_ =	shalt  }
0x65: {  	_ =	shalt  }
0x66: {  	_ =	shalt  }
0x67: {  	_ =	shalt  }
0x68: {  	_ =	shalt  }
0x69: {  	_ =	shalt  }
0x6a: {  	_ =	shalt  }
0x6b: {  	_ =	shalt  }
0x6c: {  	_ =	shalt  }
0x6d: {  	_ =	shalt  }
0x6e: {  	_ =	shalt  }
0x6f: {  	_ =	shalt  }
0x70: {  	_ =	shalt  }
0x71: {  	_ =	shalt  }
0x72: {  	_ =	shalt  }
0x73: {  	_ =	shalt  }
0x74: {  	_ =	shalt  }
0x75: {  	_ =	shalt  }
0x76: {  	_ =	shalt  }
0x77: {  	_ =	shalt  }
0x78: {  	_ =	shalt  }
0x79: {  	_ =	shalt  }
0x7a: {  	_ =	shalt  }
0x7b: {  	_ =	shalt  }
0x7c: {  	_ =	shalt  }
0x7d: {  	_ =	shalt  }
0x7e: {  	_ =	shalt  }
0x7f: {  	_ =	shalt  }
0x80: {  	_ =	shalt  }
0x81: {  	_ =	shalt  }
0x82: {  	_ =	shalt  }
0x83: {  	_ =	shalt  }
0x84: {  	_ =	shalt  }
0x85: {  	_ =	shalt  }
0x86: {  	_ =	shalt  }
0x87: {  	_ =	shalt  }
.Lfunc_end0:
.L_simem_size_0:
called_computation.1_lowered:
.L_overlay_start_0:
0x88: {  	s2 =	sld [smem:$0x3FD9]  }
0x89: {  	s3 =	sld [smem:$0x3FFE];
	_ =	sdelay $0x1  }
0x8a: {  	s1 =	srdreg.scid  }
0x8b: {  	s0 =	sand.u32 $0x1, s1  }
0x8c: {  	s16 =	sshll.u32 s0, $0xA;
	s2 =	sadd.s32 s3, s2  }
0x8d: {  	s2 =	sadd.s32 s2, s16  }
0x8e: {  	[smem:$0x3FB4] =	sst s2  }
0x8f: {  	_ = 	snop  }
0x90: {  	(tm) =	ssettm $0x1  }
0x91: {  	s17 =	sld [smem:$0x3FFB];
	_ =	sdelay $0x3  }
0x92: {  	_ =	strace s17  }
0x93: {  	s2 =	sld [smem:$0x3FFC];
	_ =	sdelay $0x3  }
0x94: {  	_ =	strace s2  }
0x95: {  	s2 =	sld [smem:$0x3FFD];
	_ =	sdelay $0x3  }
0x96: {  	_ =	strace s2  }
0x97: {  	_ =	strace $0x8FFFFFFF  }
0x98: {  	s18 =	sld [smem:$0x3FDB];
	_ =	sdelay $0x1  }
0x99: {  	s19 =	simm.s32 $_scs_section_size  }
0x9a: {  	s4 =	simm.s32 $_size__tile_overlayer_lowered;
	s5 =	simm.s32 $_tile_overlayer_lowered  }
0x9b: {  	s22 =	simm.s32 $0x1BFF;
	s21 =	sshll.u32 s5, $0x1;
	s2 =	sadd.s32 s19, s18  }
0x9c: {  	s6 =	simm.s32 $0x0;
	s20 =	sshll.u32 s4, $0x1;
	s4 =	sadd.s32 s21, s2  }
0x9d: {  	[timem:s6], [sflag:s22] =	dma.local [hbm:s4], s20  }
0x9e: {  	_ =	swait.ge [sflag:s22], s20  }
0x9f: {  	s3 =	ssub.s32 $0x0, s20;
	[sflag:s22] =	ssyncset.done $0x0  }
0xa0: {  	[sflag:s22] =	ssyncadd.s32 s3;
	_ =	sdelay $0x1  }
0xa1: {  	s23 =	simm.s32 $0x1B8B  }
0xa2: {  	_ =	swait.ge [sflag:s23], $0x1  }
0xa3: {  	[sflag:s23] =	ssyncset.done $0x0  }
0xa4: {  	s25 =	simm.s32 $0x1B8E;
	s24 =	sld [smem:$0x3FFE];
	[sflag:s23] =	ssyncadd.s32 $0xFFFFFFFF  }
0xa5: {  	s26 =	simm.s32 $execute0_lowered;
	[smem:$0x3FD2] =	sst s25  }
0xa6: {  	s4 =	sshll.u32 s26, $0x1;
	_ =	strace $0x80000049;
	[dreg:$0x1] =	wrdreg $0xFFFFFFFF  }
0xa7: {  	s28 =	simm.s32 $_size_execute0_lowered;
	s2 =	sadd.s32 s2, s4;
	[dreg:$0x0] =	wrdreg $0x0  }
0xa8: {  	s4 =	sshll.u32 s28, $0x1;
	[dreg:$0x2] =	wrdreg s2  }
0xa9: {  	[dreg:$0x3] =	wrdreg s4  }
0xaa: {  	[dreg:$0x4] =	wrdreg $0xC0  }
0xab: {  	_ =	task [dreg:s6], $0x5FFFF  }
0xac: {  	[dreg:$0x1] =	wrdreg $0xFFFFFFFF  }
0xad: {  	[dreg:$0x0] =	wrdreg $0x60  }
0xae: {  	[dreg:$0x2] =	wrdreg s24  }
0xaf: {  	[dreg:$0x3] =	wrdreg $0x9  }
0xb0: {  	_ =	task.clear_ibuf [dreg:s6], $0x4FFFF;
	_ =	strace $0x90000049  }
0xb1: {  	s29 =	simm.s32 $0x9;
	_ =	strace $0x8000004B  }
0xb2: {  	_ =	swait.ge [sflag:s29], $0x1  }
0xb3: {  	[sflag:s29] =	ssyncadd.s32 $0xFFFFFFFF  }
0xb4: {  	_ =	strace $0x9000004B  }
0xb5: {  	_ =	sfence  }
0xb6: {  	s30 =	sld [smem:$0x0];
	_ =	sdelay $0x2  }
0xb7: {  	s31 =	sshll.u32 s1, $0xD;
	s1 =	sshrl.u32 s1, $0x2  }
0xb8: {  	s3 =	sand.u32 $0x4000, s31;
	s1 =	sadd.s32 s1, s30  }
0xb9: {  	s0 =	sor.u32 s3, s0;
	s1 =	sshll.u32 s1, $0x11  }
0xba: {  	s0 =	sor.u32 s1, s0  }
0xbb: {  	s0 =	sadd.s32 $0x8F2B, s0  }
0xbc: {  	[sflag:s0] =	ssyncadd.remote.s32 $0x1  }
0xbd: {  	_ =	sfence.sel $0xFFFF  }
0xbe: {  	[dreg:$0x0] =	wrdreg $0xFFFFFFFF;
	(pc) =	sbr.abs _section_cstart, $3  }
0xbf: {  	[dreg:$0x1] =	wrdreg $0xFFFFFFFF  }
0xc0: {  	_ =	task.clear_ibuf [dreg:s6], $0x2FFFF;
	_ =	strace $0x9FFFFFFF  }
0xc1: {  	(tm) =	ssettm $0x7FFFFFFF  }
tec
execute0_lowered:
.L_overlay_start_1:
0x0: {  	(tag) =	ssettag $0x1  }
0x1: {  	s1 =	srdreg.scid  }
0x2: {  	s0 =	stileid.u32;
	s4 =	rddreg [dreg:$0x0];
	s19 =	simm.s32 $0x880  }
0x3: {  	s20 =	simm.s32 $0xC80;
	s21 =	simm.s32 $0x1480;
	s22 =	simm.s32 $0x1880  }
0x4: {  	s23 =	simm.s32 $0x2080;
	s24 =	simm.s32 $0x2480;
	s25 =	simm.s32 $0x2C80  }
0x5: {  	s26 =	simm.s32 $0x3080;
	s7 =	simm.s32 $0x80;
	s9 =	simm.s32 $0x3C80  }
0x6: {  	s10 =	simm.s32 $0x4480;
	s11 =	simm.s32 $0x4880;
	s12 =	simm.s32 $0x5080  }
0x7: {  	s13 =	simm.s32 $0x5480;
	s1 =	sand.u32 $0x1, s1;
	s2 =	sshll.u32 s0, $0x1  }
0x8: {  	s14 =	simm.s32 $0x5C80;
	s3 =	sor.u32 s1, s2;
	s2 =	simm.s32 $0x0  }
0x9: {  	s15 =	simm.s32 $0x6080;
	s16 =	simm.s32 $0x6880;
	[smem:$0x7FF] =	sst s2  }
0xa: {  	s17 =	simm.s32 $0x6C80;
	_ =	strace $0x8000004A;
	[dreg:$0x4] =	wrdreg s19  }
0xb: {  	s18 =	simm.s32 $0x7480;
	s28 =	simm.s32 $0xA880;
	[dreg:$0x5] =	wrdreg s20  }
0xc: {  	s29 =	simm.s32 $0xB080;
	s30 =	simm.s32 $0xB480;
	[dreg:$0x6] =	wrdreg s21  }
0xd: {  	s31 =	simm.s32 $0xBC80;
	s1 =	ssub.s32 $0x2, s1;
	[dreg:$0x7] =	wrdreg s22  }
0xe: {  	s5 =	sshll.u32 s3, $0x4;
	s3 =	smul.u32 $0x1800, s3;
	[dreg:$0x8] =	wrdreg s23  }
0xf: {  	s6 =	sshrl.u32 s1, $0x1;
	s5 =	sadd.s32 s5, s4;
	[dreg:$0x9] =	wrdreg s24  }
0x10: {  	s1 =	ssub.s32 s1, s6;
	[dreg:$0xa] =	wrdreg s25;
	s6 =	simm.s32 $0x2  }
0x11: {  	[dreg:$0xb] =	wrdreg s26;
	s19 =	simm.s32 $0x7880;
	s20 =	simm.s32 $0x8080  }
0x12: {  	s21 =	simm.s32 $0x8480;
	s22 =	simm.s32 $0x8C80;
	s23 =	simm.s32 $0x9080  }
0x13: {  	s24 =	simm.s32 $0x9880;
	s25 =	simm.s32 $0x9C80;
	s5 =	sadd.s32 $0x4E00, s5  }
0x14: {  	v2 =	vlaneseq.u32;
	s26 =	simm.s32 $0xA480;
	s3 =	sadd.s32 s3, s4;
	[dreg:$0x2] =	wrdreg s5  }
0x15: {  	vm0 =	vmmov $0xffff;
	vm1 =	vmmov $0xff;
	v1 =	vshrl.u32 v2, $0x3;
	s3 =	sadd.s32 $0x4A000, s3;
	s5 =	smax.u32 s1, $0x1;
	s1 =	simm.s32 $0x1  }
0x16: {  	v0 =	vand.u32 $0x7, v2;
	v2 =	vor.u32 $0x8, v2;
	v1 =	vmul.u32 $0x8, v1;
	[dreg:$0x3] =	wrdreg s3;
	s3 =	sadd.s32 $0x5000, s4;
	s4 =	sadd.s32 $0x5100, s4  }
.LBB2_1:
0x17: {  	s0 =	rddreg [dreg:$0x2]  }
0x18: {  	[tilespmem:s2], [sflag:$0x2] =	stream.linear.gather [hbm4b:s0+s2], $0x80, $0x38;
	[tilespmem:$0xC080] =	vst v63  }
0x19: {  	_ =	swait.ge [sflag:s6], $0x80  }
0x1a: {  	[sflag:s6] =	ssyncset.done $0x0  }
0x1b: {  	[sflag:s6] =	ssyncadd.s32 $0xFFFFFF80  }
0x1c: {  	v3 =	vld [tilespmem:$0x0];
	_ =	sdelay $0x4  }
0x1d: {  	v4 =	vshrl.u32 v3, $0x3  }
0x1e: {  	v4 =	vmul.u32 $0x18, v4  }
0x1f: {  	v3 =	vand.u32 $0x7, v3  }
0x20: {  	v3 =	vor.u32 v3, v4  }
0x21: {  	v4 =	vperm.xlane v3, v0;
	_ =	sdelay $0x1  }
0x22: {  	v4 =	vadd.s32 v1, v4;
	_ =	sdelay $0x1  }
0x23: {  	v3 =	vperm.xlane v3, v2;
	_ =	sdelay $0x1  }
0x24: {  	v3 =	vadd.s32 v1, v3  }
0x25: {  	[tilespmem:s7], [sflag:$0x1] =	stream.indirect_vreg.gather [hbm4b:s3+s2], $0x80, v4, vm0, $0xb8;
	[tilespmem:$0xC080] =	vst v63  }
0x26: {  	s0 =	rddreg [dreg:$0x4]  }
0x27: {  	[tilespmem:s0], [sflag:$0x1] =	stream.indirect_vreg.gather [hbm4b:s4+s2], $0x80, v4, vm1, $0xb8;
	[tilespmem:$0xC080] =	vst v63  }
0x28: {  	s8 =	rddreg [dreg:$0x5]  }
0x29: {  	[tilespmem:s8], [sflag:$0x1] =	stream.indirect_vreg.gather [hbm4b:s3+s2], $0x80, v3, vm0, $0xb8;
	[tilespmem:$0xC080] =	vst v63  }
0x2a: {  	s0 =	rddreg [dreg:$0x6]  }
0x2b: {  	[tilespmem:s0], [sflag:$0x1] =	stream.indirect_vreg.gather [hbm4b:s4+s2], $0x80, v3, vm1, $0xb8;
	[tilespmem:$0xC080] =	vst v63  }
0x2c: {  	v3 =	vld [tilespmem:$0x10];
	_ =	sdelay $0x4  }
0x2d: {  	v57 =	vshrl.u32 v3, $0x3  }
0x2e: {  	v4 =	vmul.u32 $0x18, v57  }
0x2f: {  	v3 =	vand.u32 $0x7, v3  }
0x30: {  	v3 =	vor.u32 v3, v4  }
0x31: {  	v4 =	vperm.xlane v3, v0;
	_ =	sdelay $0x1  }
0x32: {  	v4 =	vadd.s32 v1, v4;
	_ =	sdelay $0x1  }
0x33: {  	v3 =	vperm.xlane v3, v2;
	_ =	sdelay $0x1  }
0x34: {  	s0 =	rddreg [dreg:$0x7];
	v3 =	vadd.s32 v1, v3  }
0x35: {  	[tilespmem:s0], [sflag:$0x1] =	stream.indirect_vreg.gather [hbm4b:s3+s2], $0x80, v4, vm0, $0xb8;
	[tilespmem:$0xC080] =	vst v63  }
0x36: {  	s8 =	rddreg [dreg:$0x8]  }
0x37: {  	[tilespmem:s8], [sflag:$0x1] =	stream.indirect_vreg.gather [hbm4b:s4+s2], $0x80, v4, vm1, $0xb8;
	[tilespmem:$0xC080] =	vst v63  }
0x38: {  	s0 =	rddreg [dreg:$0x9]  }
0x39: {  	[tilespmem:s0], [sflag:$0x1] =	stream.indirect_vreg.gather [hbm4b:s3+s2], $0x80, v3, vm0, $0xb8;
	[tilespmem:$0xC080] =	vst v63  }
0x3a: {  	s8 =	rddreg [dreg:$0xa]  }
0x3b: {  	[tilespmem:s8], [sflag:$0x1] =	stream.indirect_vreg.gather [hbm4b:s4+s2], $0x80, v3, vm1, $0xb8;
	[tilespmem:$0xC080] =	vst v63  }
0x3c: {  	v3 =	vld [tilespmem:$0x20];
	_ =	sdelay $0x4  }
0x3d: {  	v58 =	vshrl.u32 v3, $0x3  }
0x3e: {  	v4 =	vmul.u32 $0x18, v58  }
0x3f: {  	v3 =	vand.u32 $0x7, v3  }
0x40: {  	v3 =	vor.u32 v3, v4  }
0x41: {  	v4 =	vperm.xlane v3, v0;
	_ =	sdelay $0x1  }
0x42: {  	v4 =	vadd.s32 v1, v4;
	_ =	sdelay $0x1  }
0x43: {  	v3 =	vperm.xlane v3, v2;
	_ =	sdelay $0x1  }
0x44: {  	s8 =	rddreg [dreg:$0xb];
	v3 =	vadd.s32 v1, v3  }
0x45: {  	[tilespmem:s8], [sflag:$0x1] =	stream.indirect_vreg.gather [hbm4b:s3+s2], $0x80, v4, vm0, $0xb8;
	[tilespmem:$0xC080] =	vst v63  }
0x46: {  	s8 =	simm.s32 $0x3880  }
0x47: {  	[tilespmem:s8], [sflag:$0x1] =	stream.indirect_vreg.gather [hbm4b:s4+s2], $0x80, v4, vm1, $0xb8;
	[tilespmem:$0xC080] =	vst v63  }
0x48: {  	_ = 	snop  }
0x49: {  	[tilespmem:s9], [sflag:$0x1] =	stream.indirect_vreg.gather [hbm4b:s3+s2], $0x80, v3, vm0, $0xb8;
	[tilespmem:$0xC080] =	vst v63  }
0x4a: {  	_ = 	snop  }
0x4b: {  	[tilespmem:s10], [sflag:$0x1] =	stream.indirect_vreg.gather [hbm4b:s4+s2], $0x80, v3, vm1, $0xb8;
	[tilespmem:$0xC080] =	vst v63  }
0x4c: {  	v3 =	vld [tilespmem:$0x30];
	_ =	sdelay $0x4  }
0x4d: {  	v59 =	vshrl.u32 v3, $0x3  }
0x4e: {  	v4 =	vmul.u32 $0x18, v59  }
0x4f: {  	v3 =	vand.u32 $0x7, v3  }
0x50: {  	v3 =	vor.u32 v3, v4  }
0x51: {  	v4 =	vperm.xlane v3, v0;
	_ =	sdelay $0x1  }
0x52: {  	v4 =	vadd.s32 v1, v4;
	_ =	sdelay $0x1  }
0x53: {  	v3 =	vperm.xlane v3, v2;
	_ =	sdelay $0x1  }
0x54: {  	v3 =	vadd.s32 v1, v3  }
0x55: {  	[tilespmem:s11], [sflag:$0x1] =	stream.indirect_vreg.gather [hbm4b:s3+s2], $0x80, v4, vm0, $0xb8;
	[tilespmem:$0xC080] =	vst v63  }
0x56: {  	_ = 	snop  }
0x57: {  	[tilespmem:s12], [sflag:$0x1] =	stream.indirect_vreg.gather [hbm4b:s4+s2], $0x80, v4, vm1, $0xb8;
	[tilespmem:$0xC080] =	vst v63  }
0x58: {  	_ = 	snop  }
0x59: {  	[tilespmem:s13], [sflag:$0x1] =	stream.indirect_vreg.gather [hbm4b:s3+s2], $0x80, v3, vm0, $0xb8;
	[tilespmem:$0xC080] =	vst v63  }
0x5a: {  	_ = 	snop  }
0x5b: {  	[tilespmem:s14], [sflag:$0x1] =	stream.indirect_vreg.gather [hbm4b:s4+s2], $0x80, v3, vm1, $0xb8;
	[tilespmem:$0xC080] =	vst v63  }
0x5c: {  	v3 =	vld [tilespmem:$0x40];
	_ =	sdelay $0x4  }
0x5d: {  	v60 =	vshrl.u32 v3, $0x3  }
0x5e: {  	v4 =	vmul.u32 $0x18, v60  }
0x5f: {  	v3 =	vand.u32 $0x7, v3  }
0x60: {  	v3 =	vor.u32 v3, v4  }
0x61: {  	v4 =	vperm.xlane v3, v0;
	_ =	sdelay $0x1  }
0x62: {  	v4 =	vadd.s32 v1, v4;
	_ =	sdelay $0x1  }
0x63: {  	v3 =	vperm.xlane v3, v2;
	_ =	sdelay $0x1  }
0x64: {  	v3 =	vadd.s32 v1, v3  }
0x65: {  	[tilespmem:s15], [sflag:$0x1] =	stream.indirect_vreg.gather [hbm4b:s3+s2], $0x80, v4, vm0, $0xb8;
	[tilespmem:$0xC080] =	vst v63  }
0x66: {  	_ = 	snop  }
0x67: {  	[tilespmem:s16], [sflag:$0x1] =	stream.indirect_vreg.gather [hbm4b:s4+s2], $0x80, v4, vm1, $0xb8;
	[tilespmem:$0xC080] =	vst v63  }
0x68: {  	_ = 	snop  }
0x69: {  	[tilespmem:s17], [sflag:$0x1] =	stream.indirect_vreg.gather [hbm4b:s3+s2], $0x80, v3, vm0, $0xb8;
	[tilespmem:$0xC080] =	vst v63  }
0x6a: {  	_ = 	snop  }
0x6b: {  	[tilespmem:s18], [sflag:$0x1] =	stream.indirect_vreg.gather [hbm4b:s4+s2], $0x80, v3, vm1, $0xb8;
	[tilespmem:$0xC080] =	vst v63  }
0x6c: {  	v3 =	vld [tilespmem:$0x50];
	_ =	sdelay $0x4  }
0x6d: {  	v61 =	vshrl.u32 v3, $0x3  }
0x6e: {  	v4 =	vmul.u32 $0x18, v61  }
0x6f: {  	v3 =	vand.u32 $0x7, v3  }
0x70: {  	v3 =	vor.u32 v3, v4  }
0x71: {  	v4 =	vperm.xlane v3, v0;
	_ =	sdelay $0x1  }
0x72: {  	v4 =	vadd.s32 v1, v4;
	_ =	sdelay $0x1  }
0x73: {  	v3 =	vperm.xlane v3, v2;
	_ =	sdelay $0x1  }
0x74: {  	v3 =	vadd.s32 v1, v3  }
0x75: {  	[tilespmem:s19], [sflag:$0x1] =	stream.indirect_vreg.gather [hbm4b:s3+s2], $0x80, v4, vm0, $0xb8;
	[tilespmem:$0xC080] =	vst v63  }
0x76: {  	_ = 	snop  }
0x77: {  	[tilespmem:s20], [sflag:$0x1] =	stream.indirect_vreg.gather [hbm4b:s4+s2], $0x80, v4, vm1, $0xb8;
	[tilespmem:$0xC080] =	vst v63  }
0x78: {  	_ = 	snop  }
0x79: {  	[tilespmem:s21], [sflag:$0x1] =	stream.indirect_vreg.gather [hbm4b:s3+s2], $0x80, v3, vm0, $0xb8;
	[tilespmem:$0xC080] =	vst v63  }
0x7a: {  	_ = 	snop  }
0x7b: {  	[tilespmem:s22], [sflag:$0x1] =	stream.indirect_vreg.gather [hbm4b:s4+s2], $0x80, v3, vm1, $0xb8;
	[tilespmem:$0xC080] =	vst v63  }
0x7c: {  	v3 =	vld [tilespmem:$0x60];
	_ =	sdelay $0x4  }
0x7d: {  	v62 =	vshrl.u32 v3, $0x3  }
0x7e: {  	v4 =	vmul.u32 $0x18, v62  }
0x7f: {  	v3 =	vand.u32 $0x7, v3  }
0x80: {  	v3 =	vor.u32 v3, v4  }
0x81: {  	v4 =	vperm.xlane v3, v0;
	_ =	sdelay $0x1  }
0x82: {  	v4 =	vadd.s32 v1, v4;
	_ =	sdelay $0x1  }
0x83: {  	v3 =	vperm.xlane v3, v2;
	_ =	sdelay $0x1  }
0x84: {  	v3 =	vadd.s32 v1, v3  }
0x85: {  	[tilespmem:s23], [sflag:$0x1] =	stream.indirect_vreg.gather [hbm4b:s3+s2], $0x80, v4, vm0, $0xb8;
	[tilespmem:$0xC080] =	vst v63  }
0x86: {  	_ = 	snop  }
0x87: {  	[tilespmem:s24], [sflag:$0x1] =	stream.indirect_vreg.gather [hbm4b:s4+s2], $0x80, v4, vm1, $0xb8;
	[tilespmem:$0xC080] =	vst v63  }
0x88: {  	_ = 	snop  }
0x89: {  	[tilespmem:s25], [sflag:$0x1] =	stream.indirect_vreg.gather [hbm4b:s3+s2], $0x80, v3, vm0, $0xb8;
	[tilespmem:$0xC080] =	vst v63  }
0x8a: {  	_ = 	snop  }
0x8b: {  	[tilespmem:s26], [sflag:$0x1] =	stream.indirect_vreg.gather [hbm4b:s4+s2], $0x80, v3, vm1, $0xb8;
	[tilespmem:$0xC080] =	vst v63  }
0x8c: {  	v3 =	vld [tilespmem:$0x70];
	_ =	sdelay $0x4  }
0x8d: {  	v63 =	vshrl.u32 v3, $0x3  }
0x8e: {  	v4 =	vmul.u32 $0x18, v63  }
0x8f: {  	v3 =	vand.u32 $0x7, v3  }
0x90: {  	v3 =	vor.u32 v3, v4  }
0x91: {  	v4 =	vperm.xlane v3, v0;
	_ =	sdelay $0x1  }
0x92: {  	v4 =	vadd.s32 v1, v4;
	_ =	sdelay $0x1  }
0x93: {  	v3 =	vperm.xlane v3, v2;
	_ =	sdelay $0x1  }
0x94: {  	v3 =	vadd.s32 v1, v3  }
0x95: {  	[tilespmem:s28], [sflag:$0x1] =	stream.indirect_vreg.gather [hbm4b:s3+s2], $0x80, v4, vm0, $0xb8;
	[tilespmem:$0xC080] =	vst v63  }
0x96: {  	_ = 	snop  }
0x97: {  	[tilespmem:s29], [sflag:$0x1] =	stream.indirect_vreg.gather [hbm4b:s4+s2], $0x80, v4, vm1, $0xb8;
	[tilespmem:$0xC080] =	vst v63  }
0x98: {  	_ = 	snop  }
0x99: {  	[tilespmem:s30], [sflag:$0x1] =	stream.indirect_vreg.gather [hbm4b:s3+s2], $0x80, v3, vm0, $0xb8;
	[tilespmem:$0xC080] =	vst v63  }
0x9a: {  	_ = 	snop  }
0x9b: {  	[tilespmem:s31], [sflag:$0x1] =	stream.indirect_vreg.gather [hbm4b:s4+s2], $0x80, v3, vm1, $0xb8;
	[tilespmem:$0xC080] =	vst v63  }
0x9c: {  	_ =	swait.ge [sflag:s1], $0xC000  }
0x9d: {  	p0 =	sne.s32 s5, $0x1;
	[sflag:s1] =	ssyncset.done $0x0  }
.Ltmp0:
0x9e: {  	s8 =	rddreg [dreg:$0x3];
	[sflag:s1] =	ssyncadd.s32 $0xFFFF4000;
	(pc) =	sbr.rel @p0 .LBB2_1-.Ltmp0, $4  }
0x9f: {  	[hbm4b:s8+s2] =	stream.linear.scatter [tilespmem:s7], [sflag:$0x2], $0xC000, $0x38;
	[tilespmem:$0xC080] =	vst v63  }
0xa0: {  	_ =	swait.ge [sflag:s6], $0xC000  }
0xa1: {  	[sflag:s6] =	ssyncset.done $0x0  }
0xa2: {  	s5 =	sadd.s32 $0xFFFFFFFF, s5;
	[sflag:s6] =	ssyncadd.s32 $0xFFFF4000  }
0xa3: {  	_ =	sfence.sel $0x180000  }
0xa4: {  	[bflag:$0x0] =	sbarrier.arrive $0xFFFF  }
0xa5: {  	_ =	strace $0x9000004A  }
0xa6: {  	s0 =	stileid.u32;
	[bflag:$0x2] =	sbarrier.arrive $0xFFFF  }
0xa7: {  	p0 =	sne.s32 s0, $0x0;
	s0 =	rddreg [dreg:$0x1]  }
0xa8: {  	s0 =	sadd.s32 @!p0 $0x100000, s0  }
0xa9: {  	[sflag:s0] =	ssyncadd.tile.s32 @!p0 $0x1;
	_ =	shalt  }
.Lfunc_end2:
_tile_overlayer_lowered:
.L_overlay_start_2:
0xaa: {  	(tag) =	ssettag $0x2  }
0xab: {  	s0 =	rddreg [dreg:$0x0];
	s2 =	stileid.u32  }
0xac: {  	s1 =	rddreg [dreg:$0x1];
	p0 =	sne.s32 s2, $0x0  }
0xad: {  	s3 =	rddreg [dreg:$0x2];
	[bflag:$0x3] =	sbarrier.arrive $0xFFFF;
	s2 =	simm.s32 @!p0 $0x1C02  }
0xae: {  	[timem:s3], [sflag:s2] =	dma.local @!p0 [hbm:s0], s1  }
0xaf: {  	s0 =	simm.s32 @!p0 $0x2  }
0xb0: {  	_ =	swait.ge @!p0 [sflag:s0], s1  }
0xb1: {  	s1 =	ssub.s32 @!p0 $0x0, s1;
	[sflag:s0] =	ssyncset.done @!p0 $0x0  }
0xb2: {  	[sflag:s0] =	ssyncadd.s32 @!p0 s1  }
0xb3: {  	[bflag:$0x3] =	sbarrier.arrive $0xFFFF  }
0xb4: {  	_ =	shalt  }

// kernel: kernel.9.cloned.1.call-start
scs
__scs_entry_jumppad:
0x0: {  	(pc) =	sbr.rel $0x88, $3  }
0x1: {  	(tag) =	ssettag $0x0;
	lr =	simm.s32 $0x1  }
0x2: {  	[smem:$0x3F8D] =	sst lr;
	_ =	strace $0xD0000000  }
0x3: {  	_ = 	snop  }
0x4: {  	_ = 	snop  }
0x5: {  	_ = 	snop  }
0x6: {  	_ = 	snop  }
0x7: {  	_ = 	snop  }
__scs_overlays_trampoline_lowered:
0x8: {  	[smem:$0x3F9C] =	sst s0  }
0x9: {  	[smem:$0x3F9D] =	sst s1  }
0xa: {  	[smem:$0x3F9E] =	sst s2  }
0xb: {  	[smem:$0x3F9F] =	sst s3  }
0xc: {  	[smem:$0x3FA0] =	sst s4  }
0xd: {  	[smem:$0x3FA1] =	sst s5  }
0xe: {  	[smem:$0x3FA2] =	sst s6  }
0xf: {  	[smem:$0x3FA3] =	sst s7  }
0x10: {  	[smem:$0x3FA4] =	sst s8  }
0x11: {  	[smem:$0x3FA5] =	sst s9;
	s0 =	simm.s32 @!p0 $0x0  }
0x12: {  	s1 =	sld [smem:$0x3F8B];
	s0 =	simm.s32 @p0 $0x1  }
0x13: {  	[smem:$0x3FA6] =	sst s0;
	s0 =	simm.s32 @!p1 $0x0  }
0x14: {  	s2 =	sld [smem:$0x3F8A];
	s0 =	simm.s32 @p1 $0x1  }
0x15: {  	[smem:$0x3FA7] =	sst s0;
	s0 =	simm.s32 @!p2 $0x0  }
0x16: {  	s3 =	sld [smem:$0x3FDB];
	s0 =	simm.s32 @p2 $0x1  }
0x17: {  	s4 =	simm.s32 $0x1BF5;
	[smem:$0x3FA9] =	sst s0  }
0x18: {  	s0 =	sld [smem:$0x3F8C];
	_ =	swait.ge [sflag:s4], $0x0  }
0x19: {  	s7 =	sld [smem:$0x3F8D]  }
0x1a: {  	s8 =	sadd.s32 $0xFFFFE003, lr  }
0x1b: {  	s9 =	sadd.s32 $0xFFFFFEF7, lr;
	s5 =	simm.s32 $0xFFFFFFFF;
	p2 =	slt.u32 s8, $0xFFFFF086  }
0x1c: {  	p1 =	slt.u32 s9, $0xF7A;
	s5 =	simm.s32 @!p2 $0x0  }
0x1d: {  	s5 =	simm.s32 @p1 $0x1;
	p0 =	seq.s32 s7, s2  }
0x1e: {  	s7 =	smul.u32 @!p0 $0xF7A, s2;
	p2 =	seq.s32 @!p0 s5, $0x0  }
0x1f: {  	s9 =	smul.u32 $0xF7A, s1;
	s8 =	simm.s32 @!p0 $0x1BF5;
	p2 =	por !p2, p0  }
0x20: {  	[sflag:s8] =	ssyncset.s32 @!p0 $0xFFFFF086;
	s6 =	sadd.s32 @!p0 s3, s7;
	s7 =	simm.s32 @!p0 $0x108  }
0x21: {  	s3 =	sadd.s32 s3, s9;
	s6 =	sadd.s32 @!p0 $0x88, s6;
	s7 =	simm.s32 @p2 $0x1082  }
0x22: {  	[simem:s7], [sflag:s8] =	dma.local @!p0 [hbm:s6], $0xF7A  }
0x23: {  	s9 =	sor.u32 $0xD0000000, s2;
	s6 =	simm.s32 $0x108;
	_ =	swait.ge @!p0 [sflag:s8], $0x0  }
0x24: {  	s3 =	sadd.s32 $0x88, s3;
	s6 =	simm.s32 @!p1 $0x1082;
	[sflag:s4] =	ssyncset.s32 $0xFFFFF086  }
0x25: {  	[simem:s6], [sflag:s4] =	dma.local [hbm:s3], $0xF7A  }
0x26: {  	[smem:$0x3F8D] =	sst s1;
	(tag) =	ssettag s2;
	_ =	strace s9  }
0x27: {  	s1 =	sld [smem:$0x3F9D]  }
0x28: {  	s2 =	sld [smem:$0x3F9E]  }
0x29: {  	s4 =	sld [smem:$0x3FA0]  }
0x2a: {  	p0 =	seq.s32 s5, $0x0;
	s5 =	sld [smem:$0x3FA1]  }
0x2b: {  	s6 =	sld [smem:$0x3FA2]  }
0x2c: {  	s7 =	sld [smem:$0x3FA3]  }
0x2d: {  	s3 =	simm.s32 $0x108;
	s8 =	sld [smem:$0x3FA4]  }
0x2e: {  	s3 =	simm.s32 @!p0 $0x1082;
	s9 =	sld [smem:$0x3FA5]  }
0x2f: {  	lr =	sadd.s32 s0, s3;
	s0 =	sld [smem:$0x3F9C]  }
0x30: {  	s3 =	sld [smem:$0x3F9F]  }
0x31: {  	[smem:$0x3FA8] =	sst s10  }
0x32: {  	s10 =	sld [smem:$0x3FA6];
	_ =	sdelay $0x3  }
0x33: {  	p0 =	seq.s32 s10, $0x1;
	s10 =	sld [smem:$0x3FA8];
	_ =	sdelay $0x3  }
0x34: {  	[smem:$0x3FA8] =	sst s10  }
0x35: {  	s10 =	sld [smem:$0x3FA7];
	_ =	sdelay $0x3  }
0x36: {  	p1 =	seq.s32 s10, $0x1;
	s10 =	sld [smem:$0x3FA8];
	_ =	sdelay $0x3  }
0x37: {  	[smem:$0x3FA8] =	sst s10  }
0x38: {  	s10 =	sld [smem:$0x3FA9]  }
0x39: {  	_ = 	snop;
	(pc) =	sbr.ind lr, $3  }
0x3a: {  	_ = 	snop  }
0x3b: {  	_ = 	snop  }
0x3c: {  	p2 =	seq.s32 s10, $0x1;
	s10 =	sld [smem:$0x3FA8]  }
0x3d: {  	_ =	shalt  }
0x3e: {  	_ =	shalt  }
0x3f: {  	_ =	shalt  }
0x40: {  	_ =	shalt  }
0x41: {  	_ =	shalt  }
0x42: {  	_ =	shalt  }
0x43: {  	_ =	shalt  }
0x44: {  	_ =	shalt  }
0x45: {  	_ =	shalt  }
0x46: {  	_ =	shalt  }
0x47: {  	_ =	shalt  }
0x48: {  	_ =	shalt  }
0x49: {  	_ =	shalt  }
0x4a: {  	_ =	shalt  }
0x4b: {  	_ =	shalt  }
0x4c: {  	_ =	shalt  }
0x4d: {  	_ =	shalt  }
0x4e: {  	_ =	shalt  }
0x4f: {  	_ =	shalt  }
0x50: {  	_ =	shalt  }
0x51: {  	_ =	shalt  }
0x52: {  	_ =	shalt  }
0x53: {  	_ =	shalt  }
0x54: {  	_ =	shalt  }
0x55: {  	_ =	shalt  }
0x56: {  	_ =	shalt  }
0x57: {  	_ =	shalt  }
0x58: {  	_ =	shalt  }
0x59: {  	_ =	shalt  }
0x5a: {  	_ =	shalt  }
0x5b: {  	_ =	shalt  }
0x5c: {  	_ =	shalt  }
0x5d: {  	_ =	shalt  }
0x5e: {  	_ =	shalt  }
0x5f: {  	_ =	shalt  }
0x60: {  	_ =	shalt  }
0x61: {  	_ =	shalt  }
0x62: {  	_ =	shalt  }
0x63: {  	_ =	shalt  }
0x64: {  	_ =	shalt  }
0x65: {  	_ =	shalt  }
0x66: {  	_ =	shalt  }
0x67: {  	_ =	shalt  }
0x68: {  	_ =	shalt  }
0x69: {  	_ =	shalt  }
0x6a: {  	_ =	shalt  }
0x6b: {  	_ =	shalt  }
0x6c: {  	_ =	shalt  }
0x6d: {  	_ =	shalt  }
0x6e: {  	_ =	shalt  }
0x6f: {  	_ =	shalt  }
0x70: {  	_ =	shalt  }
0x71: {  	_ =	shalt  }
0x72: {  	_ =	shalt  }
0x73: {  	_ =	shalt  }
0x74: {  	_ =	shalt  }
0x75: {  	_ =	shalt  }
0x76: {  	_ =	shalt  }
0x77: {  	_ =	shalt  }
0x78: {  	_ =	shalt  }
0x79: {  	_ =	shalt  }
0x7a: {  	_ =	shalt  }
0x7b: {  	_ =	shalt  }
0x7c: {  	_ =	shalt  }
0x7d: {  	_ =	shalt  }
0x7e: {  	_ =	shalt  }
0x7f: {  	_ =	shalt  }
0x80: {  	_ =	shalt  }
0x81: {  	_ =	shalt  }
0x82: {  	_ =	shalt  }
0x83: {  	_ =	shalt  }
0x84: {  	_ =	shalt  }
0x85: {  	_ =	shalt  }
0x86: {  	_ =	shalt  }
0x87: {  	_ =	shalt  }
.Lfunc_end0:
.L_simem_size_0:
called_computation_lowered:
.L_overlay_start_0:
0x88: {  	s2 =	sld [smem:$0x3FD9]  }
0x89: {  	s3 =	sld [smem:$0x3FFE];
	_ =	sdelay $0x1  }
0x8a: {  	s1 =	srdreg.scid  }
0x8b: {  	s0 =	sand.u32 $0x1, s1  }
0x8c: {  	s17 =	sshll.u32 s0, $0xA;
	s2 =	sadd.s32 s3, s2  }
0x8d: {  	s2 =	sadd.s32 s2, s17  }
0x8e: {  	[smem:$0x3FB4] =	sst s2  }
0x8f: {  	_ = 	snop  }
0x90: {  	s2 =	sld [smem:$0x3FD0];
	(tm) =	ssettm $0x1  }
0x91: {  	s18 =	sld [smem:$0x3FFB];
	_ =	sdelay $0x3  }
0x92: {  	_ =	strace s18  }
0x93: {  	s3 =	sld [smem:$0x3FFC];
	_ =	sdelay $0x3  }
0x94: {  	_ =	strace s3  }
0x95: {  	s3 =	sld [smem:$0x3FFD];
	_ =	sdelay $0x3  }
0x96: {  	_ =	strace s3  }
0x97: {  	_ =	strace $0x8FFFFFFF  }
0x98: {  	s19 =	sld [smem:$0x3FDB];
	_ =	sdelay $0x1  }
0x99: {  	s4 =	simm.s32 $_scs_section_size  }
0x9a: {  	s5 =	simm.s32 $_size__tile_overlayer_lowered;
	s6 =	simm.s32 $_tile_overlayer_lowered  }
0x9b: {  	s22 =	simm.s32 $0x1BFF;
	s21 =	sshll.u32 s6, $0x1;
	s3 =	sadd.s32 s4, s19  }
0x9c: {  	s7 =	simm.s32 $0x0;
	s20 =	sshll.u32 s5, $0x1;
	s5 =	sadd.s32 s21, s3  }
0x9d: {  	[timem:s7], [sflag:s22] =	dma.local [hbm:s5], s20  }
0x9e: {  	_ =	swait.ge [sflag:s22], s20  }
0x9f: {  	s4 =	ssub.s32 $0x0, s20;
	[sflag:s22] =	ssyncset.done $0x0  }
0xa0: {  	[sflag:s22] =	ssyncadd.s32 s4;
	_ =	sdelay $0x1  }
0xa1: {  	s23 =	simm.s32 $0x1B8B  }
0xa2: {  	_ =	swait.ge [sflag:s23], $0x1  }
0xa3: {  	[sflag:s23] =	ssyncset.done $0x0  }
0xa4: {  	s25 =	simm.s32 $0x1B8E;
	s24 =	sld [smem:$0x3FFE];
	[sflag:s23] =	ssyncadd.s32 $0xFFFFFFFF  }
0xa5: {  	s26 =	simm.s32 $execute0_lowered;
	[smem:$0x3FD2] =	sst s25  }
0xa6: {  	s5 =	sshll.u32 s26, $0x1;
	_ =	strace $0x80000046;
	[dreg:$0x1] =	wrdreg $0xFFFFFFFF  }
0xa7: {  	s28 =	simm.s32 $_size_execute0_lowered;
	s3 =	sadd.s32 s3, s5;
	[dreg:$0x0] =	wrdreg $0x0  }
0xa8: {  	s5 =	sshll.u32 s28, $0x1;
	[dreg:$0x2] =	wrdreg s3  }
0xa9: {  	[dreg:$0x3] =	wrdreg s5  }
0xaa: {  	[dreg:$0x4] =	wrdreg $0xC0  }
0xab: {  	_ =	task [dreg:s7], $0x5FFFF  }
0xac: {  	[dreg:$0x1] =	wrdreg $0xFFFFFFFF  }
0xad: {  	[dreg:$0x0] =	wrdreg $0x60  }
0xae: {  	[dreg:$0x2] =	wrdreg s2  }
0xaf: {  	[dreg:$0x3] =	wrdreg s24  }
0xb0: {  	[dreg:$0x4] =	wrdreg $0x9  }
0xb1: {  	_ =	task.clear_ibuf [dreg:s7], $0x5FFFF;
	_ =	strace $0x90000046  }
0xb2: {  	s29 =	simm.s32 $0x9;
	_ =	strace $0x80000048  }
0xb3: {  	_ =	swait.ge [sflag:s29], $0x1  }
0xb4: {  	[sflag:s29] =	ssyncadd.s32 $0xFFFFFFFF  }
0xb5: {  	_ =	strace $0x90000048  }
0xb6: {  	_ =	sfence  }
0xb7: {  	s30 =	sld [smem:$0x0];
	_ =	sdelay $0x2  }
0xb8: {  	s31 =	sshll.u32 s1, $0xD;
	s1 =	sshrl.u32 s1, $0x2  }
0xb9: {  	s3 =	sand.u32 $0x4000, s31;
	s1 =	sadd.s32 s1, s30  }
0xba: {  	s0 =	sor.u32 s3, s0;
	s1 =	sshll.u32 s1, $0x11  }
0xbb: {  	s0 =	sor.u32 s1, s0  }
0xbc: {  	s0 =	sadd.s32 $0x8F2B, s0  }
0xbd: {  	[sflag:s0] =	ssyncadd.remote.s32 $0x1  }
0xbe: {  	_ =	sfence.sel $0xFFFF  }
0xbf: {  	[dreg:$0x0] =	wrdreg $0xFFFFFFFF;
	(pc) =	sbr.abs _section_cstart, $3  }
0xc0: {  	[dreg:$0x1] =	wrdreg $0xFFFFFFFF  }
0xc1: {  	_ =	task.clear_ibuf [dreg:s7], $0x2FFFF;
	_ =	strace $0x9FFFFFFF  }
0xc2: {  	(tm) =	ssettm $0x7FFFFFFF  }
0xc3: {  	_ =	shalt  }
tec
execute0_lowered:
.L_overlay_start_1:
0x0: {  	(tag) =	ssettag $0x1  }
0x1: {  	s1 =	srdreg.scid;
	s3 =	rddreg [dreg:$0x0]  }
0x2: {  	s0 =	stileid.u32;
	s5 =	rddreg [dreg:$0x1];
	s18 =	simm.s32 $0x880  }
0x3: {  	s19 =	simm.s32 $0xC80;
	s20 =	simm.s32 $0x1480;
	s21 =	simm.s32 $0x1880  }
0x4: {  	s23 =	simm.s32 $0x2080;
	s24 =	simm.s32 $0x2480;
	s25 =	simm.s32 $0x2C80  }
0x5: {  	s26 =	simm.s32 $0x3080;
	s7 =	simm.s32 $0x80;
	s9 =	simm.s32 $0x3C80  }
0x6: {  	s10 =	simm.s32 $0x4480;
	s11 =	simm.s32 $0x4880;
	s1 =	sand.u32 $0x1, s1  }
0x7: {  	s12 =	simm.s32 $0x5080;
	s2 =	sshll.u32 s0, $0x5;
	s4 =	sshll.u32 s1, $0x4  }
0x8: {  	s13 =	simm.s32 $0x5480;
	s4 =	sor.u32 s4, s2;
	s2 =	simm.s32 $0x0  }
0x9: {  	s14 =	simm.s32 $0x5C80;
	s15 =	simm.s32 $0x6080;
	[smem:$0x7FF] =	sst s2  }
0xa: {  	s16 =	simm.s32 $0x6880;
	_ =	strace $0x80000047;
	[dreg:$0x5] =	wrdreg s18  }
0xb: {  	s17 =	simm.s32 $0x6C80;
	s28 =	simm.s32 $0xA880;
	[dreg:$0x6] =	wrdreg s19  }
0xc: {  	s29 =	simm.s32 $0xB080;
	s30 =	simm.s32 $0xB480;
	[dreg:$0x7] =	wrdreg s20  }
0xd: {  	s31 =	simm.s32 $0xBC80;
	s1 =	ssub.s32 $0x2, s1;
	[dreg:$0x8] =	wrdreg s21  }
0xe: {  	s22 =	sshrl.u32 s1, $0x1;
	s6 =	sand.u32 $0xF0, s4;
	[dreg:$0x9] =	wrdreg s23  }
0xf: {  	s4 =	sadd.s32 s4, s5;
	s1 =	ssub.s32 s1, s22;
	[dreg:$0xa] =	wrdreg s24  }
0x10: {  	s22 =	simm.s32 $0x8C80;
	s6 =	smul.u32 $0x180, s6;
	[dreg:$0xb] =	wrdreg s25  }
0x11: {  	s4 =	sadd.s32 $0x4E00, s4;
	[dreg:$0xc] =	wrdreg s26;
	s18 =	simm.s32 $0x7480  }
0x12: {  	s19 =	simm.s32 $0x7880;
	s20 =	simm.s32 $0x8080;
	s21 =	simm.s32 $0x8480  }
0x13: {  	s23 =	simm.s32 $0x9080;
	s24 =	simm.s32 $0x9880;
	s25 =	simm.s32 $0x9C80  }
0x14: {  	v2 =	vlaneseq.u32;
	s26 =	simm.s32 $0xA480;
	[dreg:$0x3] =	wrdreg s4;
	s3 =	sadd.s32 s3, s6  }
0x15: {  	vm0 =	vmmov $0xffff;
	vm1 =	vmmov $0xff;
	v1 =	vshrl.u32 v2, $0x3;
	s4 =	sadd.s32 $0x5100, s5;
	s6 =	simm.s32 $0x2;
	[dreg:$0x4] =	wrdreg s3  }
0x16: {  	v0 =	vand.u32 $0x7, v2;
	v2 =	vor.u32 $0x8, v2;
	v1 =	vmul.u32 $0x8, v1;
	s3 =	sadd.s32 $0x5000, s5;
	s5 =	smax.u32 s1, $0x1;
	s1 =	simm.s32 $0x1  }
.LBB2_1:
0x17: {  	s0 =	rddreg [dreg:$0x3]  }
0x18: {  	[tilespmem:s2], [sflag:$0x2] =	stream.linear.gather [hbm4b:s0+s2], $0x80, $0x38;
	[tilespmem:$0xC080] =	vst v63  }
0x19: {  	_ =	swait.ge [sflag:s6], $0x80  }
0x1a: {  	[sflag:s6] =	ssyncset.done $0x0  }
0x1b: {  	s8 =	rddreg [dreg:$0x4];
	[sflag:s6] =	ssyncadd.s32 $0xFFFFFF80  }
0x1c: {  	[tilespmem:s7], [sflag:$0x2] =	stream.linear.gather [hbm4b:s8+s2], $0xC000, $0x38;
	[tilespmem:$0xC080] =	vst v63  }
0x1d: {  	_ =	swait.ge [sflag:s6], $0xC000  }
0x1e: {  	[sflag:s6] =	ssyncset.done $0x0  }
0x1f: {  	[sflag:s6] =	ssyncadd.s32 $0xFFFF4000  }
0x20: {  	v3 =	vld [tilespmem:$0x0];
	_ =	sdelay $0x4  }
0x21: {  	v4 =	vshrl.u32 v3, $0x3  }
0x22: {  	v4 =	vmul.u32 $0x18, v4  }
0x23: {  	v3 =	vand.u32 $0x7, v3  }
0x24: {  	v3 =	vor.u32 v3, v4  }
0x25: {  	v4 =	vperm.xlane v3, v0;
	_ =	sdelay $0x1  }
0x26: {  	v4 =	vadd.s32 v1, v4;
	_ =	sdelay $0x1  }
0x27: {  	v3 =	vperm.xlane v3, v2;
	_ =	sdelay $0x1  }
0x28: {  	v3 =	vadd.s32 v1, v3  }
0x29: {  	[hbm4b:s3+s2] =	stream.indirect_vreg.scatter [tilespmem:s7], [sflag:$0x1], $0x80, v4, vm0, $0xb8;
	[tilespmem:$0xC080] =	vst v63  }
0x2a: {  	s0 =	rddreg [dreg:$0x5]  }
0x2b: {  	[hbm4b:s4+s2] =	stream.indirect_vreg.scatter [tilespmem:s0], [sflag:$0x1], $0x80, v4, vm1, $0xb8;
	[tilespmem:$0xC080] =	vst v63  }
0x2c: {  	s8 =	rddreg [dreg:$0x6]  }
0x2d: {  	[hbm4b:s3+s2] =	stream.indirect_vreg.scatter [tilespmem:s8], [sflag:$0x1], $0x80, v3, vm0, $0xb8;
	[tilespmem:$0xC080] =	vst v63  }
0x2e: {  	s0 =	rddreg [dreg:$0x7]  }
0x2f: {  	[hbm4b:s4+s2] =	stream.indirect_vreg.scatter [tilespmem:s0], [sflag:$0x1], $0x80, v3, vm1, $0xb8;
	[tilespmem:$0xC080] =	vst v63  }
0x30: {  	v3 =	vld [tilespmem:$0x10];
	_ =	sdelay $0x4  }
0x31: {  	v57 =	vshrl.u32 v3, $0x3  }
0x32: {  	v4 =	vmul.u32 $0x18, v57  }
0x33: {  	v3 =	vand.u32 $0x7, v3  }
0x34: {  	v3 =	vor.u32 v3, v4  }
0x35: {  	v4 =	vperm.xlane v3, v0;
	_ =	sdelay $0x1  }
0x36: {  	v4 =	vadd.s32 v1, v4;
	_ =	sdelay $0x1  }
0x37: {  	v3 =	vperm.xlane v3, v2;
	_ =	sdelay $0x1  }
0x38: {  	s0 =	rddreg [dreg:$0x8];
	v3 =	vadd.s32 v1, v3  }
0x39: {  	[hbm4b:s3+s2] =	stream.indirect_vreg.scatter [tilespmem:s0], [sflag:$0x1], $0x80, v4, vm0, $0xb8;
	[tilespmem:$0xC080] =	vst v63  }
0x3a: {  	s8 =	rddreg [dreg:$0x9]  }
0x3b: {  	[hbm4b:s4+s2] =	stream.indirect_vreg.scatter [tilespmem:s8], [sflag:$0x1], $0x80, v4, vm1, $0xb8;
	[tilespmem:$0xC080] =	vst v63  }
0x3c: {  	s0 =	rddreg [dreg:$0xa]  }
0x3d: {  	[hbm4b:s3+s2] =	stream.indirect_vreg.scatter [tilespmem:s0], [sflag:$0x1], $0x80, v3, vm0, $0xb8;
	[tilespmem:$0xC080] =	vst v63  }
0x3e: {  	s8 =	rddreg [dreg:$0xb]  }
0x3f: {  	[hbm4b:s4+s2] =	stream.indirect_vreg.scatter [tilespmem:s8], [sflag:$0x1], $0x80, v3, vm1, $0xb8;
	[tilespmem:$0xC080] =	vst v63  }
0x40: {  	v3 =	vld [tilespmem:$0x20];
	_ =	sdelay $0x4  }
0x41: {  	v58 =	vshrl.u32 v3, $0x3  }
0x42: {  	v4 =	vmul.u32 $0x18, v58  }
0x43: {  	v3 =	vand.u32 $0x7, v3  }
0x44: {  	v3 =	vor.u32 v3, v4  }
0x45: {  	v4 =	vperm.xlane v3, v0;
	_ =	sdelay $0x1  }
0x46: {  	v4 =	vadd.s32 v1, v4;
	_ =	sdelay $0x1  }
0x47: {  	v3 =	vperm.xlane v3, v2;
	_ =	sdelay $0x1  }
0x48: {  	s8 =	rddreg [dreg:$0xc];
	v3 =	vadd.s32 v1, v3  }
0x49: {  	[hbm4b:s3+s2] =	stream.indirect_vreg.scatter [tilespmem:s8], [sflag:$0x1], $0x80, v4, vm0, $0xb8;
	[tilespmem:$0xC080] =	vst v63  }
0x4a: {  	s8 =	simm.s32 $0x3880  }
0x4b: {  	[hbm4b:s4+s2] =	stream.indirect_vreg.scatter [tilespmem:s8], [sflag:$0x1], $0x80, v4, vm1, $0xb8;
	[tilespmem:$0xC080] =	vst v63  }
0x4c: {  	_ = 	snop  }
0x4d: {  	[hbm4b:s3+s2] =	stream.indirect_vreg.scatter [tilespmem:s9], [sflag:$0x1], $0x80, v3, vm0, $0xb8;
	[tilespmem:$0xC080] =	vst v63  }
0x4e: {  	_ = 	snop  }
0x4f: {  	[hbm4b:s4+s2] =	stream.indirect_vreg.scatter [tilespmem:s10], [sflag:$0x1], $0x80, v3, vm1, $0xb8;
	[tilespmem:$0xC080] =	vst v63  }
0x50: {  	v3 =	vld [tilespmem:$0x30];
	_ =	sdelay $0x4  }
0x51: {  	v59 =	vshrl.u32 v3, $0x3  }
0x52: {  	v4 =	vmul.u32 $0x18, v59  }
0x53: {  	v3 =	vand.u32 $0x7, v3  }
0x54: {  	v3 =	vor.u32 v3, v4  }
0x55: {  	v4 =	vperm.xlane v3, v0;
	_ =	sdelay $0x1  }
0x56: {  	v4 =	vadd.s32 v1, v4;
	_ =	sdelay $0x1  }
0x57: {  	v3 =	vperm.xlane v3, v2;
	_ =	sdelay $0x1  }
0x58: {  	v3 =	vadd.s32 v1, v3  }
0x59: {  	[hbm4b:s3+s2] =	stream.indirect_vreg.scatter [tilespmem:s11], [sflag:$0x1], $0x80, v4, vm0, $0xb8;
	[tilespmem:$0xC080] =	vst v63  }
0x5a: {  	_ = 	snop  }
0x5b: {  	[hbm4b:s4+s2] =	stream.indirect_vreg.scatter [tilespmem:s12], [sflag:$0x1], $0x80, v4, vm1, $0xb8;
	[tilespmem:$0xC080] =	vst v63  }
0x5c: {  	_ = 	snop  }
0x5d: {  	[hbm4b:s3+s2] =	stream.indirect_vreg.scatter [tilespmem:s13], [sflag:$0x1], $0x80, v3, vm0, $0xb8;
	[tilespmem:$0xC080] =	vst v63  }
0x5e: {  	_ = 	snop  }
0x5f: {  	[hbm4b:s4+s2] =	stream.indirect_vreg.scatter [tilespmem:s14], [sflag:$0x1], $0x80, v3, vm1, $0xb8;
	[tilespmem:$0xC080] =	vst v63  }
0x60: {  	v3 =	vld [tilespmem:$0x40];
	_ =	sdelay $0x4  }
0x61: {  	v60 =	vshrl.u32 v3, $0x3  }
0x62: {  	v4 =	vmul.u32 $0x18, v60  }
0x63: {  	v3 =	vand.u32 $0x7, v3  }
0x64: {  	v3 =	vor.u32 v3, v4  }
0x65: {  	v4 =	vperm.xlane v3, v0;
	_ =	sdelay $0x1  }
0x66: {  	v4 =	vadd.s32 v1, v4;
	_ =	sdelay $0x1  }
0x67: {  	v3 =	vperm.xlane v3, v2;
	_ =	sdelay $0x1  }
0x68: {  	v3 =	vadd.s32 v1, v3  }
0x69: {  	[hbm4b:s3+s2] =	stream.indirect_vreg.scatter [tilespmem:s15], [sflag:$0x1], $0x80, v4, vm0, $0xb8;
	[tilespmem:$0xC080] =	vst v63  }
0x6a: {  	_ = 	snop  }
0x6b: {  	[hbm4b:s4+s2] =	stream.indirect_vreg.scatter [tilespmem:s16], [sflag:$0x1], $0x80, v4, vm1, $0xb8;
	[tilespmem:$0xC080] =	vst v63  }
0x6c: {  	_ = 	snop  }
0x6d: {  	[hbm4b:s3+s2] =	stream.indirect_vreg.scatter [tilespmem:s17], [sflag:$0x1], $0x80, v3, vm0, $0xb8;
	[tilespmem:$0xC080] =	vst v63  }
0x6e: {  	_ = 	snop  }
0x6f: {  	[hbm4b:s4+s2] =	stream.indirect_vreg.scatter [tilespmem:s18], [sflag:$0x1], $0x80, v3, vm1, $0xb8;
	[tilespmem:$0xC080] =	vst v63  }
0x70: {  	v3 =	vld [tilespmem:$0x50];
	_ =	sdelay $0x4  }
0x71: {  	v61 =	vshrl.u32 v3, $0x3  }
0x72: {  	v4 =	vmul.u32 $0x18, v61  }
0x73: {  	v3 =	vand.u32 $0x7, v3  }
0x74: {  	v3 =	vor.u32 v3, v4  }
0x75: {  	v4 =	vperm.xlane v3, v0;
	_ =	sdelay $0x1  }
0x76: {  	v4 =	vadd.s32 v1, v4;
	_ =	sdelay $0x1  }
0x77: {  	v3 =	vperm.xlane v3, v2;
	_ =	sdelay $0x1  }
0x78: {  	v3 =	vadd.s32 v1, v3  }
0x79: {  	[hbm4b:s3+s2] =	stream.indirect_vreg.scatter [tilespmem:s19], [sflag:$0x1], $0x80, v4, vm0, $0xb8;
	[tilespmem:$0xC080] =	vst v63  }
0x7a: {  	_ = 	snop  }
0x7b: {  	[hbm4b:s4+s2] =	stream.indirect_vreg.scatter [tilespmem:s20], [sflag:$0x1], $0x80, v4, vm1, $0xb8;
	[tilespmem:$0xC080] =	vst v63  }
0x7c: {  	_ = 	snop  }
0x7d: {  	[hbm4b:s3+s2] =	stream.indirect_vreg.scatter [tilespmem:s21], [sflag:$0x1], $0x80, v3, vm0, $0xb8;
	[tilespmem:$0xC080] =	vst v63  }
0x7e: {  	_ = 	snop  }
0x7f: {  	[hbm4b:s4+s2] =	stream.indirect_vreg.scatter [tilespmem:s22], [sflag:$0x1], $0x80, v3, vm1, $0xb8;
	[tilespmem:$0xC080] =	vst v63  }
0x80: {  	v3 =	vld [tilespmem:$0x60];
	_ =	sdelay $0x4  }
0x81: {  	v62 =	vshrl.u32 v3, $0x3  }
0x82: {  	v4 =	vmul.u32 $0x18, v62  }
0x83: {  	v3 =	vand.u32 $0x7, v3  }
0x84: {  	v3 =	vor.u32 v3, v4  }
0x85: {  	v4 =	vperm.xlane v3, v0;
	_ =	sdelay $0x1  }
0x86: {  	v4 =	vadd.s32 v1, v4;
	_ =	sdelay $0x1  }
0x87: {  	v3 =	vperm.xlane v3, v2;
	_ =	sdelay $0x1  }
0x88: {  	v3 =	vadd.s32 v1, v3  }
0x89: {  	[hbm4b:s3+s2] =	stream.indirect_vreg.scatter [tilespmem:s23], [sflag:$0x1], $0x80, v4, vm0, $0xb8;
	[tilespmem:$0xC080] =	vst v63  }
0x8a: {  	_ = 	snop  }
0x8b: {  	[hbm4b:s4+s2] =	stream.indirect_vreg.scatter [tilespmem:s24], [sflag:$0x1], $0x80, v4, vm1, $0xb8;
	[tilespmem:$0xC080] =	vst v63  }
0x8c: {  	_ = 	snop  }
0x8d: {  	[hbm4b:s3+s2] =	stream.indirect_vreg.scatter [tilespmem:s25], [sflag:$0x1], $0x80, v3, vm0, $0xb8;
	[tilespmem:$0xC080] =	vst v63  }
0x8e: {  	_ = 	snop  }
0x8f: {  	[hbm4b:s4+s2] =	stream.indirect_vreg.scatter [tilespmem:s26], [sflag:$0x1], $0x80, v3, vm1, $0xb8;
	[tilespmem:$0xC080] =	vst v63  }
0x90: {  	v3 =	vld [tilespmem:$0x70];
	_ =	sdelay $0x4  }
0x91: {  	v63 =	vshrl.u32 v3, $0x3  }
0x92: {  	v4 =	vmul.u32 $0x18, v63  }
0x93: {  	v3 =	vand.u32 $0x7, v3  }
0x94: {  	v3 =	vor.u32 v3, v4  }
0x95: {  	v4 =	vperm.xlane v3, v0;
	_ =	sdelay $0x1  }
0x96: {  	v4 =	vadd.s32 v1, v4;
	_ =	sdelay $0x1  }
0x97: {  	v3 =	vperm.xlane v3, v2;
	_ =	sdelay $0x1  }
0x98: {  	v3 =	vadd.s32 v1, v3  }
0x99: {  	[hbm4b:s3+s2] =	stream.indirect_vreg.scatter [tilespmem:s28], [sflag:$0x1], $0x80, v4, vm0, $0xb8;
	[tilespmem:$0xC080] =	vst v63  }
0x9a: {  	_ = 	snop  }
0x9b: {  	[hbm4b:s4+s2] =	stream.indirect_vreg.scatter [tilespmem:s29], [sflag:$0x1], $0x80, v4, vm1, $0xb8;
	[tilespmem:$0xC080] =	vst v63  }
0x9c: {  	p0 =	sne.s32 s5, $0x1  }
0x9d: {  	[hbm4b:s3+s2] =	stream.indirect_vreg.scatter [tilespmem:s30], [sflag:$0x1], $0x80, v3, vm0, $0xb8;
	[tilespmem:$0xC080] =	vst v63  }
.Ltmp0:
0x9e: {  	_ = 	snop;
	(pc) =	sbr.rel @p0 .LBB2_1-.Ltmp0, $4  }
0x9f: {  	[hbm4b:s4+s2] =	stream.indirect_vreg.scatter [tilespmem:s31], [sflag:$0x1], $0x80, v3, vm1, $0xb8;
	[tilespmem:$0xC080] =	vst v63  }
0xa0: {  	_ =	swait.ge [sflag:s1], $0xC000  }
0xa1: {  	[sflag:s1] =	ssyncset.done $0x0  }
0xa2: {  	s5 =	sadd.s32 $0xFFFFFFFF, s5;
	[sflag:s1] =	ssyncadd.s32 $0xFFFF4000  }
0xa3: {  	_ =	sfence.sel $0x180000  }
0xa4: {  	[bflag:$0x0] =	sbarrier.arrive $0xFFFF  }
0xa5: {  	_ =	strace $0x90000047  }
0xa6: {  	s0 =	stileid.u32;
	[bflag:$0x2] =	sbarrier.arrive $0xFFFF  }
0xa7: {  	p0 =	sne.s32 s0, $0x0;
	s0 =	rddreg [dreg:$0x2]  }
0xa8: {  	s0 =	sadd.s32 @!p0 $0x100000, s0  }
0xa9: {  	[sflag:s0] =	ssyncadd.tile.s32 @!p0 $0x1;
	_ =	shalt  }
.Lfunc_end2:
_tile_overlayer_lowered:
.L_overlay_start_2:
0xaa: {  	(tag) =	ssettag $0x2  }
0xab: {  	s0 =	rddreg [dreg:$0x0];
	s2 =	stileid.u32  }
0xac: {  	s1 =	rddreg [dreg:$0x1];
	p0 =	sne.s32 s2, $0x0  }
0xad: {  	s3 =	rddreg [dreg:$0x2];
	[bflag:$0x3] =	sbarrier.arrive $0xFFFF;
	s2 =	simm.s32 @!p0 $0x1C02  }
0xae: {  	[timem:s3], [sflag:s2] =	dma.local @!p0 [hbm:s0], s1  }
0xaf: {  	s0 =	simm.s32 @!p0 $0x2  }
0xb0: {  	_ =	swait.ge @!p0 [sflag:s0], s1  }
0xb1: {  	s1 =	ssub.s32 @!p0 $0x0, s1;
	[sflag:s0] =	ssyncset.done @!p0 $0x0  }
0xb2: {  	[sflag:s0] =	ssyncadd.s32 @!p0 s1  }
0xb3: {  	[bflag:$0x3] =	sbarrier.arrive $0xFFFF  }
0xb4: {  	_ =	shalt  }

</sc_bundles>
